<compile_context>
chip_gen: v7x
topology: tpu7x:2x2x1
jax: 0.10.2.dev20260603
libtpu: 0.0.44.dev20260713+nightly
codegen_flags: <defaults>
</compile_context>

<pallas_src>
import functools

import jax
import jax.numpy as jnp
from jax import lax
from jax.experimental import pallas as pl
from jax.experimental.pallas import tpu as pltpu
from jax.experimental.pallas import tpu_sc as plsc

N_NODES = 10000
FEAT = 128
NC = 2
NS = 16
NW = NC * NS
CHUNK = 128
ECH = 64
ECW = 160
PCH = 32
NBUF = 4
CPW = 80
EPAD = NW * CPW * CHUNK
NPAD = 10112
RPS = NPAD // NS
BLK = 632
LANES = 16

_mesh = plsc.VectorSubcoreMesh(core_axis_name="c", subcore_axis_name="s")


@functools.partial(
    pl.kernel,
    out_type=jax.ShapeDtypeStruct((NC * NPAD,), jnp.float32),
    mesh=_mesh,
    scratch_types=[
        pltpu.VMEM((CPW, CHUNK), jnp.int32),
        pltpu.VMEM((CHUNK,), jnp.float32),
        pltpu.VMEM((640,), jnp.float32),
        pltpu.VMEM_SHARED((NPAD,), jnp.float32),
        pltpu.SemaphoreType.DMA,
    ],
)
def _sc_degree(col_hbm, deg_hbm, colb_v, ones_v, zbuf_v, acc_sh, sem):
    cix = lax.axis_index("c")
    sid = lax.axis_index("s")
    wid = sid * NC + cix
    pltpu.sync_copy(col_hbm.at[wid], colb_v)
    for i in range(CHUNK // LANES):
        ones_v[pl.ds(i * LANES, LANES)] = jnp.ones((LANES,), jnp.float32)
    for i in range(640 // LANES):
        zbuf_v[pl.ds(i * LANES, LANES)] = jnp.zeros((LANES,), jnp.float32)

    @pl.when(sid < NS - 1)
    def _():
        pltpu.sync_copy(zbuf_v, acc_sh.at[pl.ds(sid * 640, 640)])

    @pl.when(sid == NS - 1)
    def _():
        pltpu.sync_copy(zbuf_v.at[pl.ds(0, 512)],
                        acc_sh.at[pl.ds((NS - 1) * 640, 512)])
    plsc.subcore_barrier()

    def fire(j, carry):
        pltpu.async_copy(ones_v, acc_sh.at[colb_v.at[j]], sem, add=True)
        return carry

    lax.fori_loop(0, CPW, fire, 0)

    def drain(j, carry):
        pltpu.make_async_copy(ones_v, acc_sh.at[colb_v.at[0]], sem).wait()
        return carry

    lax.fori_loop(0, CPW, drain, 0)
    plsc.subcore_barrier()

    @pl.when(sid < NS - 1)
    def _():
        pltpu.sync_copy(
            acc_sh.at[pl.ds(sid * 640, 640)],
            deg_hbm.at[pl.ds(cix * NPAD + sid * 640, 640)],
        )

    @pl.when(sid == NS - 1)
    def _():
        pltpu.sync_copy(
            acc_sh.at[pl.ds((NS - 1) * 640, 512)],
            deg_hbm.at[pl.ds(cix * NPAD + (NS - 1) * 640, 512)],
        )


@functools.partial(
    pl.kernel,
    out_type=jax.ShapeDtypeStruct((NC * NPAD, FEAT), jnp.float32),
    mesh=_mesh,
    scratch_types=[
        pltpu.VMEM((PCH, ECH), jnp.int32),
        pltpu.VMEM((PCH, ECH), jnp.int32),
        pltpu.VMEM((ECH, FEAT), jnp.float32),
        pltpu.VMEM((ECH, FEAT), jnp.float32),
        pltpu.VMEM((ECH, FEAT), jnp.float32),
        pltpu.VMEM((ECH, FEAT), jnp.float32),
        pltpu.VMEM_SHARED((NPAD, FEAT), jnp.float32),
        pltpu.SemaphoreType.DMA,
        pltpu.SemaphoreType.DMA,
        pltpu.SemaphoreType.DMA,
        pltpu.SemaphoreType.DMA,
    ],
)
def _sc_edges(row_hbm, col_hbm, y_hbm, out_hbm,
              rowb_v, colb_v, buf_a, buf_b, buf_c, buf_d, acc_sh,
              sem_a, sem_b, sem_c, sem_d):
    cix = lax.axis_index("c")
    sid = lax.axis_index("s")
    bufs = [buf_a, buf_b, buf_c, buf_d]
    sems = [sem_a, sem_b, sem_c, sem_d]

    zeros16 = jnp.zeros((LANES,), jnp.float32)

    def zrow(r, carry):
        for k in range(FEAT // LANES):
            buf_a[r, pl.ds(k * LANES, LANES)] = zeros16
        return carry

    lax.fori_loop(0, ECH, zrow, 0)
    for k in range(RPS // ECH):
        pltpu.sync_copy(buf_a, acc_sh.at[pl.ds(sid * RPS + k * ECH, ECH)])
    pltpu.sync_copy(
        buf_a.at[pl.ds(0, RPS - (RPS // ECH) * ECH)],
        acc_sh.at[pl.ds(sid * RPS + (RPS // ECH) * ECH,
                        RPS - (RPS // ECH) * ECH)],
    )
    plsc.subcore_barrier()

    base = (sid * NC + cix) * ECW
    for p in range(ECW // PCH):
        pltpu.sync_copy(row_hbm.at[pl.ds(base + p * PCH, PCH)], rowb_v)
        pltpu.sync_copy(col_hbm.at[pl.ds(base + p * PCH, PCH)], colb_v)
        for b in range(NBUF):
            pltpu.async_copy(y_hbm.at[rowb_v.at[b]], bufs[b], sems[b])

        def body(q, carry):
            for b in range(NBUF):
                j = NBUF * q + b
                pltpu.make_async_copy(y_hbm.at[rowb_v.at[0]],
                                      bufs[b], sems[b]).wait()
                pltpu.sync_copy(bufs[b], acc_sh.at[colb_v.at[j]], add=True)

                @pl.when(j + NBUF < PCH)
                def _():
                    pltpu.async_copy(y_hbm.at[rowb_v.at[j + NBUF]],
                                     bufs[b], sems[b])
            return carry

        lax.fori_loop(0, PCH // NBUF, body, 0)

    plsc.subcore_barrier()
    pltpu.sync_copy(
        acc_sh.at[pl.ds(sid * RPS, RPS)],
        out_hbm.at[pl.ds(cix * NPAD + sid * RPS, RPS)],
    )


def _tc_prep_body(deg_ref, x_ref, y_ref):
    deg = deg_ref[:, 0] + deg_ref[:, 1] + 1.0
    dis = lax.rsqrt(deg)
    y_ref[...] = x_ref[...] * dis[:, None]


def _tc_final_body(deg_ref, s_ref, y_ref, wm_ref, bm_ref, wl_ref, bl_ref,
                   mu_ref, ls_ref):
    deg = deg_ref[:, 0] + deg_ref[:, 1] + 1.0
    dis = lax.rsqrt(deg)
    agg = (s_ref[0] + s_ref[1] + y_ref[...]) * dis[:, None]
    mu_ref[...] = (
        jnp.dot(agg, wm_ref[...], preferred_element_type=jnp.float32,
                precision=lax.Precision.HIGHEST) + bm_ref[...]
    )
    ls_ref[...] = (
        jnp.dot(agg, wl_ref[...], preferred_element_type=jnp.float32,
                precision=lax.Precision.HIGHEST) + bl_ref[...]
    )


def kernel(x, edge_index, W_mu, b_mu, W_logstd, b_logstd):
    row = edge_index[0].astype(jnp.int32)
    col = edge_index[1].astype(jnp.int32)
    e = row.shape[0]
    row_p = jnp.concatenate(
        [row, jnp.zeros((EPAD - e,), jnp.int32)]).reshape(NW * ECW, ECH)
    col_p = jnp.concatenate(
        [col, jnp.full((EPAD - e,), N_NODES, jnp.int32)]).reshape(NW * ECW, ECH)
    x_p = jnp.concatenate(
        [x, jnp.zeros((NPAD - N_NODES, FEAT), jnp.float32)])

    deg = _sc_degree(col_p.reshape(NW, CPW, CHUNK)).reshape(NC, NPAD).T


    y = pl.pallas_call(
        _tc_prep_body,
        grid=(NPAD // BLK,),
        in_specs=[
            pl.BlockSpec((BLK, NC), lambda i: (i, 0)),
            pl.BlockSpec((BLK, FEAT), lambda i: (i, 0)),
        ],
        out_specs=pl.BlockSpec((BLK, FEAT), lambda i: (i, 0)),
        out_shape=jax.ShapeDtypeStruct((NPAD, FEAT), jnp.float32),
    )(deg, x_p)

    s = _sc_edges(row_p, col_p, y).reshape(NC, NPAD, FEAT)

    mu_p, ls_p = pl.pallas_call(
        _tc_final_body,
        grid=(NPAD // BLK,),
        in_specs=[
            pl.BlockSpec((BLK, NC), lambda i: (i, 0)),
            pl.BlockSpec((NC, BLK, FEAT), lambda i: (0, i, 0)),
            pl.BlockSpec((BLK, FEAT), lambda i: (i, 0)),
            pl.BlockSpec((FEAT, FEAT), lambda i: (0, 0)),
            pl.BlockSpec((1, FEAT), lambda i: (0, 0)),
            pl.BlockSpec((FEAT, FEAT), lambda i: (0, 0)),
            pl.BlockSpec((1, FEAT), lambda i: (0, 0)),
        ],
        out_specs=[
            pl.BlockSpec((BLK, FEAT), lambda i: (i, 0)),
            pl.BlockSpec((BLK, FEAT), lambda i: (i, 0)),
        ],
        out_shape=[
            jax.ShapeDtypeStruct((NPAD, FEAT), jnp.float32),
            jax.ShapeDtypeStruct((NPAD, FEAT), jnp.float32),
        ],
    )(deg, s, y, W_mu, b_mu.reshape(1, FEAT), W_logstd, b_logstd.reshape(1, FEAT))

    return mu_p[:N_NODES], ls_p[:N_NODES]

# --- scband reference (transcript-rebuilt; emitter-appended) ---
"""Pipeline reference for scband-cmap-encoder-54296976556798 (READ-ONLY COPY).

The authoritative reference and input builder live on the scoring server;
editing this copy changes nothing except your own understanding.
"""

import jax, jax.numpy as jnp
import numpy as np

N_NODES = 10000
N_EDGES = 320000
IN_SIZE = 128
OUT_SIZE = 128


def setup_inputs(seed: int = 0) -> dict:
    key = jax.random.key(seed)
    k1, k2, k3, k4, k5, k6 = jax.random.split(key, 6)
    x = jax.random.normal(k1, (N_NODES, IN_SIZE), dtype=jnp.float32)
    edge_index = jax.random.randint(k2, (2, N_EDGES), 0, N_NODES, dtype=jnp.int64)
    # Glorot-style init for GCNConv linear weights (bias=True default in PyG GCNConv)
    scale = float(np.sqrt(6.0 / (IN_SIZE + OUT_SIZE)))
    W_mu = jax.random.uniform(k3, (IN_SIZE, OUT_SIZE), dtype=jnp.float32, minval=-scale, maxval=scale)
    b_mu = jnp.zeros((OUT_SIZE,), dtype=jnp.float32)
    W_logstd = jax.random.uniform(k4, (IN_SIZE, OUT_SIZE), dtype=jnp.float32, minval=-scale, maxval=scale)
    b_logstd = jnp.zeros((OUT_SIZE,), dtype=jnp.float32)
    return {"x": x, "edge_index": edge_index, "W_mu": W_mu, "b_mu": b_mu, "W_logstd": W_logstd, "b_logstd": b_logstd}


def _gcn_conv(x, edge_index, W, b):
    # Faithful PyG GCNConv: add self-loops, symmetric normalization, linear (no lin bias), scatter-add, +bias
    N = x.shape[0]
    row = edge_index[0]
    col = edge_index[1]
    loop = jnp.arange(N, dtype=edge_index.dtype)
    row = jnp.concatenate([row, loop])
    col = jnp.concatenate([col, loop])
    ew = jnp.ones(row.shape[0], dtype=x.dtype)
    deg = jnp.zeros((N,), dtype=x.dtype).at[col].add(ew)
    deg_inv_sqrt = jnp.where(deg > 0, deg ** -0.5, 0.0)
    norm = deg_inv_sqrt[row] * deg_inv_sqrt[col]
    h = x @ W
    msg = h[row] * norm[:, None]
    out = jnp.zeros((N, h.shape[1]), dtype=x.dtype).at[col].add(msg)
    return out + b


def reference(x, edge_index, W_mu, b_mu, W_logstd, b_logstd):
    mu = _gcn_conv(x, edge_index, W_mu, b_mu)
    logstd = _gcn_conv(x, edge_index, W_logstd, b_logstd)
    return (mu, logstd)

if __name__ == "__main__":
    import jax
    _d = setup_inputs()
    print(jax.jit(kernel)(*tuple(_d.values())))

</pallas_src>

<mosaic_0001>
#map = affine_map<(d0, d1) -> (0, 0)>
module attributes {stable_mosaic.version = 14 : i64} {
  func.func @_sc_edges(%arg0: i32, %arg1: i32, %arg2: memref<5120x64xi32, #tpu.memory_space<hbm>>, %arg3: memref<5120x64xi32, #tpu.memory_space<hbm>>, %arg4: memref<10112x128xf32, #tpu.memory_space<hbm>>, %arg5: memref<20224x128xf32, #tpu.memory_space<hbm>>, %arg6: memref<32x64xi32, #tpu.memory_space<vmem>>, %arg7: memref<32x64xi32, #tpu.memory_space<vmem>>, %arg8: memref<64x128xf32, #tpu.memory_space<vmem>>, %arg9: memref<64x128xf32, #tpu.memory_space<vmem>>, %arg10: memref<64x128xf32, #tpu.memory_space<vmem>>, %arg11: memref<64x128xf32, #tpu.memory_space<vmem>>, %arg12: memref<10112x128xf32, #tpu.memory_space<vmem_shared>>, %arg13: memref<!tpu.dma_semaphore, #tpu.memory_space<semaphore_mem>>, %arg14: memref<!tpu.dma_semaphore, #tpu.memory_space<semaphore_mem>>, %arg15: memref<!tpu.dma_semaphore, #tpu.memory_space<semaphore_mem>>, %arg16: memref<!tpu.dma_semaphore, #tpu.memory_space<semaphore_mem>>) attributes {dimension_semantics = [#tpu.dimension_semantics<core_parallel>, #tpu.dimension_semantics<subcore_parallel>], iteration_bounds = array<i64: 2, 16>, scalar_prefetch = 0 : i64, scratch_operands = 11 : i64, tpu.core_type = #tpu.core_type<sc_vector_subcore>, window_params = [{transform_indices = #map}, {transform_indices = #map}, {transform_indices = #map}, {transform_indices = #map}]} {
    %broadcast_in_dim3A = arith.constant 0.000000e+00 : f32
    %broadcast_in_dim3A_0 = vector.broadcast %broadcast_in_dim3A : f32 to vector<16xf32>
    %scan3A = arith.constant 0 : i32
    %scan3A_1 = arith.constant 0 : i32
    %scan3A_2 = arith.constant 64 : i32
    %scan3A_3 = arith.addi %scan3A_1, %scan3A_2 : i32
    %scan3A_4 = arith.constant 1 : i32
    scf.for %scan3A_246 = %scan3A_1 to %scan3A_3 step %scan3A_4  : i32 {
      %swap3A = arith.index_cast %scan3A_246 : i32 to index
      %swap3A_247 = arith.constant 0 : index
      %swap3A_248 = tpu.vector_load %arg8[%swap3A, %swap3A_247] {strides = array<i32>} : memref<64x128xf32, #tpu.memory_space<vmem>>, vector<1x16xf32>,
      %swap3A_249 = vector.shape_cast %swap3A_248 : vector<1x16xf32> to vector<16xf32>
      %swap3A_250 = vector.shape_cast %broadcast_in_dim3A_0 : vector<16xf32> to vector<1x16xf32>
      tpu.vector_store %arg8[%swap3A, %swap3A_247], %swap3A_250 {strides = array<i32>} : memref<64x128xf32, #tpu.memory_space<vmem>>, vector<1x16xf32>,
      %swap3A_251 = arith.index_cast %scan3A_246 : i32 to index
      %swap3A_252 = arith.constant 16 : index
      %swap3A_253 = tpu.vector_load %arg8[%swap3A_251, %swap3A_252] {strides = array<i32>} : memref<64x128xf32, #tpu.memory_space<vmem>>, vector<1x16xf32>,
      %swap3A_254 = vector.shape_cast %swap3A_253 : vector<1x16xf32> to vector<16xf32>
      %swap3A_255 = vector.shape_cast %broadcast_in_dim3A_0 : vector<16xf32> to vector<1x16xf32>
      tpu.vector_store %arg8[%swap3A_251, %swap3A_252], %swap3A_255 {strides = array<i32>} : memref<64x128xf32, #tpu.memory_space<vmem>>, vector<1x16xf32>,
      %swap3A_256 = arith.index_cast %scan3A_246 : i32 to index
      %swap3A_257 = arith.constant 32 : index
      %swap3A_258 = tpu.vector_load %arg8[%swap3A_256, %swap3A_257] {strides = array<i32>} : memref<64x128xf32, #tpu.memory_space<vmem>>, vector<1x16xf32>,
      %swap3A_259 = vector.shape_cast %swap3A_258 : vector<1x16xf32> to vector<16xf32>
      %swap3A_260 = vector.shape_cast %broadcast_in_dim3A_0 : vector<16xf32> to vector<1x16xf32>
      tpu.vector_store %arg8[%swap3A_256, %swap3A_257], %swap3A_260 {strides = array<i32>} : memref<64x128xf32, #tpu.memory_space<vmem>>, vector<1x16xf32>,
      %swap3A_261 = arith.index_cast %scan3A_246 : i32 to index
      %swap3A_262 = arith.constant 48 : index
      %swap3A_263 = tpu.vector_load %arg8[%swap3A_261, %swap3A_262] {strides = array<i32>} : memref<64x128xf32, #tpu.memory_space<vmem>>, vector<1x16xf32>,
      %swap3A_264 = vector.shape_cast %swap3A_263 : vector<1x16xf32> to vector<16xf32>
      %swap3A_265 = vector.shape_cast %broadcast_in_dim3A_0 : vector<16xf32> to vector<1x16xf32>
      tpu.vector_store %arg8[%swap3A_261, %swap3A_262], %swap3A_265 {strides = array<i32>} : memref<64x128xf32, #tpu.memory_space<vmem>>, vector<1x16xf32>,
      %swap3A_266 = arith.index_cast %scan3A_246 : i32 to index
      %swap3A_267 = arith.constant 64 : index
      %swap3A_268 = tpu.vector_load %arg8[%swap3A_266, %swap3A_267] {strides = array<i32>} : memref<64x128xf32, #tpu.memory_space<vmem>>, vector<1x16xf32>,
      %swap3A_269 = vector.shape_cast %swap3A_268 : vector<1x16xf32> to vector<16xf32>
      %swap3A_270 = vector.shape_cast %broadcast_in_dim3A_0 : vector<16xf32> to vector<1x16xf32>
      tpu.vector_store %arg8[%swap3A_266, %swap3A_267], %swap3A_270 {strides = array<i32>} : memref<64x128xf32, #tpu.memory_space<vmem>>, vector<1x16xf32>,
      %swap3A_271 = arith.index_cast %scan3A_246 : i32 to index
      %swap3A_272 = arith.constant 80 : index
      %swap3A_273 = tpu.vector_load %arg8[%swap3A_271, %swap3A_272] {strides = array<i32>} : memref<64x128xf32, #tpu.memory_space<vmem>>, vector<1x16xf32>,
      %swap3A_274 = vector.shape_cast %swap3A_273 : vector<1x16xf32> to vector<16xf32>
      %swap3A_275 = vector.shape_cast %broadcast_in_dim3A_0 : vector<16xf32> to vector<1x16xf32>
      tpu.vector_store %arg8[%swap3A_271, %swap3A_272], %swap3A_275 {strides = array<i32>} : memref<64x128xf32, #tpu.memory_space<vmem>>, vector<1x16xf32>,
      %swap3A_276 = arith.index_cast %scan3A_246 : i32 to index
      %swap3A_277 = arith.constant 96 : index
      %swap3A_278 = tpu.vector_load %arg8[%swap3A_276, %swap3A_277] {strides = array<i32>} : memref<64x128xf32, #tpu.memory_space<vmem>>, vector<1x16xf32>,
      %swap3A_279 = vector.shape_cast %swap3A_278 : vector<1x16xf32> to vector<16xf32>
      %swap3A_280 = vector.shape_cast %broadcast_in_dim3A_0 : vector<16xf32> to vector<1x16xf32>
      tpu.vector_store %arg8[%swap3A_276, %swap3A_277], %swap3A_280 {strides = array<i32>} : memref<64x128xf32, #tpu.memory_space<vmem>>, vector<1x16xf32>,
      %swap3A_281 = arith.index_cast %scan3A_246 : i32 to index
      %swap3A_282 = arith.constant 112 : index
      %swap3A_283 = tpu.vector_load %arg8[%swap3A_281, %swap3A_282] {strides = array<i32>} : memref<64x128xf32, #tpu.memory_space<vmem>>, vector<1x16xf32>,
      %swap3A_284 = vector.shape_cast %swap3A_283 : vector<1x16xf32> to vector<16xf32>
      %swap3A_285 = vector.shape_cast %broadcast_in_dim3A_0 : vector<16xf32> to vector<1x16xf32>
      tpu.vector_store %arg8[%swap3A_281, %swap3A_282], %swap3A_285 {strides = array<i32>} : memref<64x128xf32, #tpu.memory_space<vmem>>, vector<1x16xf32>,
    }
    %scan3A_5 = arith.constant 64 : i32
    %mul3A = arith.constant 632 : i32
    %mul3A_6 = arith.muli %arg1, %mul3A : i32
    %add3A = arith.constant 0 : i32
    %add3A_7 = arith.addi %mul3A_6, %add3A : i32
    "tpu.region"() ({
      %run_scoped3A = tpu.sem_alloc : memref<!tpu.dma_semaphore, #tpu.memory_space<semaphore_mem>>
      %dma_start3A_246 = arith.constant 0 : i32
      %dma_start3A_247 = tpu.memref_slice %arg12[%add3A_7, %dma_start3A_246] : memref<10112x128xf32, #tpu.memory_space<vmem_shared>> -> memref<64x128xf32, #tpu.memory_space<vmem_shared>>
      %dma_start3A_248 = arith.constant 0 : i32
      %dma_start3A_249 = tpu.memref_slice %arg12[%add3A_7, %dma_start3A_248] : memref<10112x128xf32, #tpu.memory_space<vmem_shared>> -> memref<64x128xf32, #tpu.memory_space<vmem_shared>>
      tpu.enqueue_dma source(%arg8 : memref<64x128xf32, #tpu.memory_space<vmem>>) target(%dma_start3A_249 : memref<64x128xf32, #tpu.memory_space<vmem_shared>>) target_semaphore(%run_scoped3A : memref<!tpu.dma_semaphore, #tpu.memory_space<semaphore_mem>>)
      %dma_wait3A = arith.constant 0 : i32
      %dma_wait3A_250 = tpu.memref_slice %arg12[%add3A_7, %dma_wait3A] : memref<10112x128xf32, #tpu.memory_space<vmem_shared>> -> memref<64x128xf32, #tpu.memory_space<vmem_shared>>
      %dma_wait3A_251 = arith.constant 0 : i32
      %dma_wait3A_252 = tpu.memref_slice %arg12[%add3A_7, %dma_wait3A_251] : memref<10112x128xf32, #tpu.memory_space<vmem_shared>> -> memref<64x128xf32, #tpu.memory_space<vmem_shared>>
      tpu.wait_dma2 semaphore(%run_scoped3A : memref<!tpu.dma_semaphore, #tpu.memory_space<semaphore_mem>>) src(%arg8 : memref<64x128xf32, #tpu.memory_space<vmem>>) dst(%dma_wait3A_252 : memref<64x128xf32, #tpu.memory_space<vmem_shared>>)
      tpu.yield
    }) : () -> ()
    %mul3A_8 = arith.constant 632 : i32
    %mul3A_9 = arith.muli %arg1, %mul3A_8 : i32
    %add3A_10 = arith.constant 64 : i32
    %add3A_11 = arith.addi %mul3A_9, %add3A_10 : i32
    "tpu.region"() ({
      %run_scoped3A = tpu.sem_alloc : memref<!tpu.dma_semaphore, #tpu.memory_space<semaphore_mem>>
      %dma_start3A_246 = arith.constant 0 : i32
      %dma_start3A_247 = tpu.memref_slice %arg12[%add3A_11, %dma_start3A_246] : memref<10112x128xf32, #tpu.memory_space<vmem_shared>> -> memref<64x128xf32, #tpu.memory_space<vmem_shared>>
      %dma_start3A_248 = arith.constant 0 : i32
      %dma_start3A_249 = tpu.memref_slice %arg12[%add3A_11, %dma_start3A_248] : memref<10112x128xf32, #tpu.memory_space<vmem_shared>> -> memref<64x128xf32, #tpu.memory_space<vmem_shared>>
      tpu.enqueue_dma source(%arg8 : memref<64x128xf32, #tpu.memory_space<vmem>>) target(%dma_start3A_249 : memref<64x128xf32, #tpu.memory_space<vmem_shared>>) target_semaphore(%run_scoped3A : memref<!tpu.dma_semaphore, #tpu.memory_space<semaphore_mem>>)
      %dma_wait3A = arith.constant 0 : i32
      %dma_wait3A_250 = tpu.memref_slice %arg12[%add3A_11, %dma_wait3A] : memref<10112x128xf32, #tpu.memory_space<vmem_shared>> -> memref<64x128xf32, #tpu.memory_space<vmem_shared>>
      %dma_wait3A_251 = arith.constant 0 : i32
      %dma_wait3A_252 = tpu.memref_slice %arg12[%add3A_11, %dma_wait3A_251] : memref<10112x128xf32, #tpu.memory_space<vmem_shared>> -> memref<64x128xf32, #tpu.memory_space<vmem_shared>>
      tpu.wait_dma2 semaphore(%run_scoped3A : memref<!tpu.dma_semaphore, #tpu.memory_space<semaphore_mem>>) src(%arg8 : memref<64x128xf32, #tpu.memory_space<vmem>>) dst(%dma_wait3A_252 : memref<64x128xf32, #tpu.memory_space<vmem_shared>>)
      tpu.yield
    }) : () -> ()
    %mul3A_12 = arith.constant 632 : i32
    %mul3A_13 = arith.muli %arg1, %mul3A_12 : i32
    %add3A_14 = arith.constant 128 : i32
    %add3A_15 = arith.addi %mul3A_13, %add3A_14 : i32
    "tpu.region"() ({
      %run_scoped3A = tpu.sem_alloc : memref<!tpu.dma_semaphore, #tpu.memory_space<semaphore_mem>>
      %dma_start3A_246 = arith.constant 0 : i32
      %dma_start3A_247 = tpu.memref_slice %arg12[%add3A_15, %dma_start3A_246] : memref<10112x128xf32, #tpu.memory_space<vmem_shared>> -> memref<64x128xf32, #tpu.memory_space<vmem_shared>>
      %dma_start3A_248 = arith.constant 0 : i32
      %dma_start3A_249 = tpu.memref_slice %arg12[%add3A_15, %dma_start3A_248] : memref<10112x128xf32, #tpu.memory_space<vmem_shared>> -> memref<64x128xf32, #tpu.memory_space<vmem_shared>>
      tpu.enqueue_dma source(%arg8 : memref<64x128xf32, #tpu.memory_space<vmem>>) target(%dma_start3A_249 : memref<64x128xf32, #tpu.memory_space<vmem_shared>>) target_semaphore(%run_scoped3A : memref<!tpu.dma_semaphore, #tpu.memory_space<semaphore_mem>>)
      %dma_wait3A = arith.constant 0 : i32
      %dma_wait3A_250 = tpu.memref_slice %arg12[%add3A_15, %dma_wait3A] : memref<10112x128xf32, #tpu.memory_space<vmem_shared>> -> memref<64x128xf32, #tpu.memory_space<vmem_shared>>
      %dma_wait3A_251 = arith.constant 0 : i32
      %dma_wait3A_252 = tpu.memref_slice %arg12[%add3A_15, %dma_wait3A_251] : memref<10112x128xf32, #tpu.memory_space<vmem_shared>> -> memref<64x128xf32, #tpu.memory_space<vmem_shared>>
      tpu.wait_dma2 semaphore(%run_scoped3A : memref<!tpu.dma_semaphore, #tpu.memory_space<semaphore_mem>>) src(%arg8 : memref<64x128xf32, #tpu.memory_space<vmem>>) dst(%dma_wait3A_252 : memref<64x128xf32, #tpu.memory_space<vmem_shared>>)
      tpu.yield
    }) : () -> ()
    %mul3A_16 = arith.constant 632 : i32
    %mul3A_17 = arith.muli %arg1, %mul3A_16 : i32
    %add3A_18 = arith.constant 192 : i32
    %add3A_19 = arith.addi %mul3A_17, %add3A_18 : i32
    "tpu.region"() ({
      %run_scoped3A = tpu.sem_alloc : memref<!tpu.dma_semaphore, #tpu.memory_space<semaphore_mem>>
      %dma_start3A_246 = arith.constant 0 : i32
      %dma_start3A_247 = tpu.memref_slice %arg12[%add3A_19, %dma_start3A_246] : memref<10112x128xf32, #tpu.memory_space<vmem_shared>> -> memref<64x128xf32, #tpu.memory_space<vmem_shared>>
      %dma_start3A_248 = arith.constant 0 : i32
      %dma_start3A_249 = tpu.memref_slice %arg12[%add3A_19, %dma_start3A_248] : memref<10112x128xf32, #tpu.memory_space<vmem_shared>> -> memref<64x128xf32, #tpu.memory_space<vmem_shared>>
      tpu.enqueue_dma source(%arg8 : memref<64x128xf32, #tpu.memory_space<vmem>>) target(%dma_start3A_249 : memref<64x128xf32, #tpu.memory_space<vmem_shared>>) target_semaphore(%run_scoped3A : memref<!tpu.dma_semaphore, #tpu.memory_space<semaphore_mem>>)
      %dma_wait3A = arith.constant 0 : i32
      %dma_wait3A_250 = tpu.memref_slice %arg12[%add3A_19, %dma_wait3A] : memref<10112x128xf32, #tpu.memory_space<vmem_shared>> -> memref<64x128xf32, #tpu.memory_space<vmem_shared>>
      %dma_wait3A_251 = arith.constant 0 : i32
      %dma_wait3A_252 = tpu.memref_slice %arg12[%add3A_19, %dma_wait3A_251] : memref<10112x128xf32, #tpu.memory_space<vmem_shared>> -> memref<64x128xf32, #tpu.memory_space<vmem_shared>>
      tpu.wait_dma2 semaphore(%run_scoped3A : memref<!tpu.dma_semaphore, #tpu.memory_space<semaphore_mem>>) src(%arg8 : memref<64x128xf32, #tpu.memory_space<vmem>>) dst(%dma_wait3A_252 : memref<64x128xf32, #tpu.memory_space<vmem_shared>>)
      tpu.yield
    }) : () -> ()
    %mul3A_20 = arith.constant 632 : i32
    %mul3A_21 = arith.muli %arg1, %mul3A_20 : i32
    %add3A_22 = arith.constant 256 : i32
    %add3A_23 = arith.addi %mul3A_21, %add3A_22 : i32
    "tpu.region"() ({
      %run_scoped3A = tpu.sem_alloc : memref<!tpu.dma_semaphore, #tpu.memory_space<semaphore_mem>>
      %dma_start3A_246 = arith.constant 0 : i32
      %dma_start3A_247 = tpu.memref_slice %arg12[%add3A_23, %dma_start3A_246] : memref<10112x128xf32, #tpu.memory_space<vmem_shared>> -> memref<64x128xf32, #tpu.memory_space<vmem_shared>>
      %dma_start3A_248 = arith.constant 0 : i32
      %dma_start3A_249 = tpu.memref_slice %arg12[%add3A_23, %dma_start3A_248] : memref<10112x128xf32, #tpu.memory_space<vmem_shared>> -> memref<64x128xf32, #tpu.memory_space<vmem_shared>>
      tpu.enqueue_dma source(%arg8 : memref<64x128xf32, #tpu.memory_space<vmem>>) target(%dma_start3A_249 : memref<64x128xf32, #tpu.memory_space<vmem_shared>>) target_semaphore(%run_scoped3A : memref<!tpu.dma_semaphore, #tpu.memory_space<semaphore_mem>>)
      %dma_wait3A = arith.constant 0 : i32
      %dma_wait3A_250 = tpu.memref_slice %arg12[%add3A_23, %dma_wait3A] : memref<10112x128xf32, #tpu.memory_space<vmem_shared>> -> memref<64x128xf32, #tpu.memory_space<vmem_shared>>
      %dma_wait3A_251 = arith.constant 0 : i32
      %dma_wait3A_252 = tpu.memref_slice %arg12[%add3A_23, %dma_wait3A_251] : memref<10112x128xf32, #tpu.memory_space<vmem_shared>> -> memref<64x128xf32, #tpu.memory_space<vmem_shared>>
      tpu.wait_dma2 semaphore(%run_scoped3A : memref<!tpu.dma_semaphore, #tpu.memory_space<semaphore_mem>>) src(%arg8 : memref<64x128xf32, #tpu.memory_space<vmem>>) dst(%dma_wait3A_252 : memref<64x128xf32, #tpu.memory_space<vmem_shared>>)
      tpu.yield
    }) : () -> ()
    %mul3A_24 = arith.constant 632 : i32
    %mul3A_25 = arith.muli %arg1, %mul3A_24 : i32
    %add3A_26 = arith.constant 320 : i32
    %add3A_27 = arith.addi %mul3A_25, %add3A_26 : i32
    "tpu.region"() ({
      %run_scoped3A = tpu.sem_alloc : memref<!tpu.dma_semaphore, #tpu.memory_space<semaphore_mem>>
      %dma_start3A_246 = arith.constant 0 : i32
      %dma_start3A_247 = tpu.memref_slice %arg12[%add3A_27, %dma_start3A_246] : memref<10112x128xf32, #tpu.memory_space<vmem_shared>> -> memref<64x128xf32, #tpu.memory_space<vmem_shared>>
      %dma_start3A_248 = arith.constant 0 : i32
      %dma_start3A_249 = tpu.memref_slice %arg12[%add3A_27, %dma_start3A_248] : memref<10112x128xf32, #tpu.memory_space<vmem_shared>> -> memref<64x128xf32, #tpu.memory_space<vmem_shared>>
      tpu.enqueue_dma source(%arg8 : memref<64x128xf32, #tpu.memory_space<vmem>>) target(%dma_start3A_249 : memref<64x128xf32, #tpu.memory_space<vmem_shared>>) target_semaphore(%run_scoped3A : memref<!tpu.dma_semaphore, #tpu.memory_space<semaphore_mem>>)
      %dma_wait3A = arith.constant 0 : i32
      %dma_wait3A_250 = tpu.memref_slice %arg12[%add3A_27, %dma_wait3A] : memref<10112x128xf32, #tpu.memory_space<vmem_shared>> -> memref<64x128xf32, #tpu.memory_space<vmem_shared>>
      %dma_wait3A_251 = arith.constant 0 : i32
      %dma_wait3A_252 = tpu.memref_slice %arg12[%add3A_27, %dma_wait3A_251] : memref<10112x128xf32, #tpu.memory_space<vmem_shared>> -> memref<64x128xf32, #tpu.memory_space<vmem_shared>>
      tpu.wait_dma2 semaphore(%run_scoped3A : memref<!tpu.dma_semaphore, #tpu.memory_space<semaphore_mem>>) src(%arg8 : memref<64x128xf32, #tpu.memory_space<vmem>>) dst(%dma_wait3A_252 : memref<64x128xf32, #tpu.memory_space<vmem_shared>>)
      tpu.yield
    }) : () -> ()
    %mul3A_28 = arith.constant 632 : i32
    %mul3A_29 = arith.muli %arg1, %mul3A_28 : i32
    %add3A_30 = arith.constant 384 : i32
    %add3A_31 = arith.addi %mul3A_29, %add3A_30 : i32
    "tpu.region"() ({
      %run_scoped3A = tpu.sem_alloc : memref<!tpu.dma_semaphore, #tpu.memory_space<semaphore_mem>>
      %dma_start3A_246 = arith.constant 0 : i32
      %dma_start3A_247 = tpu.memref_slice %arg12[%add3A_31, %dma_start3A_246] : memref<10112x128xf32, #tpu.memory_space<vmem_shared>> -> memref<64x128xf32, #tpu.memory_space<vmem_shared>>
      %dma_start3A_248 = arith.constant 0 : i32
      %dma_start3A_249 = tpu.memref_slice %arg12[%add3A_31, %dma_start3A_248] : memref<10112x128xf32, #tpu.memory_space<vmem_shared>> -> memref<64x128xf32, #tpu.memory_space<vmem_shared>>
      tpu.enqueue_dma source(%arg8 : memref<64x128xf32, #tpu.memory_space<vmem>>) target(%dma_start3A_249 : memref<64x128xf32, #tpu.memory_space<vmem_shared>>) target_semaphore(%run_scoped3A : memref<!tpu.dma_semaphore, #tpu.memory_space<semaphore_mem>>)
      %dma_wait3A = arith.constant 0 : i32
      %dma_wait3A_250 = tpu.memref_slice %arg12[%add3A_31, %dma_wait3A] : memref<10112x128xf32, #tpu.memory_space<vmem_shared>> -> memref<64x128xf32, #tpu.memory_space<vmem_shared>>
      %dma_wait3A_251 = arith.constant 0 : i32
      %dma_wait3A_252 = tpu.memref_slice %arg12[%add3A_31, %dma_wait3A_251] : memref<10112x128xf32, #tpu.memory_space<vmem_shared>> -> memref<64x128xf32, #tpu.memory_space<vmem_shared>>
      tpu.wait_dma2 semaphore(%run_scoped3A : memref<!tpu.dma_semaphore, #tpu.memory_space<semaphore_mem>>) src(%arg8 : memref<64x128xf32, #tpu.memory_space<vmem>>) dst(%dma_wait3A_252 : memref<64x128xf32, #tpu.memory_space<vmem_shared>>)
      tpu.yield
    }) : () -> ()
    %mul3A_32 = arith.constant 632 : i32
    %mul3A_33 = arith.muli %arg1, %mul3A_32 : i32
    %add3A_34 = arith.constant 448 : i32
    %add3A_35 = arith.addi %mul3A_33, %add3A_34 : i32
    "tpu.region"() ({
      %run_scoped3A = tpu.sem_alloc : memref<!tpu.dma_semaphore, #tpu.memory_space<semaphore_mem>>
      %dma_start3A_246 = arith.constant 0 : i32
      %dma_start3A_247 = tpu.memref_slice %arg12[%add3A_35, %dma_start3A_246] : memref<10112x128xf32, #tpu.memory_space<vmem_shared>> -> memref<64x128xf32, #tpu.memory_space<vmem_shared>>
      %dma_start3A_248 = arith.constant 0 : i32
      %dma_start3A_249 = tpu.memref_slice %arg12[%add3A_35, %dma_start3A_248] : memref<10112x128xf32, #tpu.memory_space<vmem_shared>> -> memref<64x128xf32, #tpu.memory_space<vmem_shared>>
      tpu.enqueue_dma source(%arg8 : memref<64x128xf32, #tpu.memory_space<vmem>>) target(%dma_start3A_249 : memref<64x128xf32, #tpu.memory_space<vmem_shared>>) target_semaphore(%run_scoped3A : memref<!tpu.dma_semaphore, #tpu.memory_space<semaphore_mem>>)
      %dma_wait3A = arith.constant 0 : i32
      %dma_wait3A_250 = tpu.memref_slice %arg12[%add3A_35, %dma_wait3A] : memref<10112x128xf32, #tpu.memory_space<vmem_shared>> -> memref<64x128xf32, #tpu.memory_space<vmem_shared>>
      %dma_wait3A_251 = arith.constant 0 : i32
      %dma_wait3A_252 = tpu.memref_slice %arg12[%add3A_35, %dma_wait3A_251] : memref<10112x128xf32, #tpu.memory_space<vmem_shared>> -> memref<64x128xf32, #tpu.memory_space<vmem_shared>>
      tpu.wait_dma2 semaphore(%run_scoped3A : memref<!tpu.dma_semaphore, #tpu.memory_space<semaphore_mem>>) src(%arg8 : memref<64x128xf32, #tpu.memory_space<vmem>>) dst(%dma_wait3A_252 : memref<64x128xf32, #tpu.memory_space<vmem_shared>>)
      tpu.yield
    }) : () -> ()
    %mul3A_36 = arith.constant 632 : i32
    %mul3A_37 = arith.muli %arg1, %mul3A_36 : i32
    %add3A_38 = arith.constant 512 : i32
    %add3A_39 = arith.addi %mul3A_37, %add3A_38 : i32
    "tpu.region"() ({
      %run_scoped3A = tpu.sem_alloc : memref<!tpu.dma_semaphore, #tpu.memory_space<semaphore_mem>>
      %dma_start3A_246 = arith.constant 0 : i32
      %dma_start3A_247 = tpu.memref_slice %arg12[%add3A_39, %dma_start3A_246] : memref<10112x128xf32, #tpu.memory_space<vmem_shared>> -> memref<64x128xf32, #tpu.memory_space<vmem_shared>>
      %dma_start3A_248 = arith.constant 0 : i32
      %dma_start3A_249 = tpu.memref_slice %arg12[%add3A_39, %dma_start3A_248] : memref<10112x128xf32, #tpu.memory_space<vmem_shared>> -> memref<64x128xf32, #tpu.memory_space<vmem_shared>>
      tpu.enqueue_dma source(%arg8 : memref<64x128xf32, #tpu.memory_space<vmem>>) target(%dma_start3A_249 : memref<64x128xf32, #tpu.memory_space<vmem_shared>>) target_semaphore(%run_scoped3A : memref<!tpu.dma_semaphore, #tpu.memory_space<semaphore_mem>>)
      %dma_wait3A = arith.constant 0 : i32
      %dma_wait3A_250 = tpu.memref_slice %arg12[%add3A_39, %dma_wait3A] : memref<10112x128xf32, #tpu.memory_space<vmem_shared>> -> memref<64x128xf32, #tpu.memory_space<vmem_shared>>
      %dma_wait3A_251 = arith.constant 0 : i32
      %dma_wait3A_252 = tpu.memref_slice %arg12[%add3A_39, %dma_wait3A_251] : memref<10112x128xf32, #tpu.memory_space<vmem_shared>> -> memref<64x128xf32, #tpu.memory_space<vmem_shared>>
      tpu.wait_dma2 semaphore(%run_scoped3A : memref<!tpu.dma_semaphore, #tpu.memory_space<semaphore_mem>>) src(%arg8 : memref<64x128xf32, #tpu.memory_space<vmem>>) dst(%dma_wait3A_252 : memref<64x128xf32, #tpu.memory_space<vmem_shared>>)
      tpu.yield
    }) : () -> ()
    %mul3A_40 = arith.constant 632 : i32
    %mul3A_41 = arith.muli %arg1, %mul3A_40 : i32
    %add3A_42 = arith.constant 576 : i32
    %add3A_43 = arith.addi %mul3A_41, %add3A_42 : i32
    "tpu.region"() ({
      %run_scoped3A = tpu.sem_alloc : memref<!tpu.dma_semaphore, #tpu.memory_space<semaphore_mem>>
      %dma_start3A_246 = arith.constant 0 : i32
      %dma_start3A_247 = arith.constant 0 : i32
      %dma_start3A_248 = tpu.memref_slice %arg8[%dma_start3A_246, %dma_start3A_247] : memref<64x128xf32, #tpu.memory_space<vmem>> -> memref<56x128xf32, #tpu.memory_space<vmem>>
      %dma_start3A_249 = arith.constant 0 : i32
      %dma_start3A_250 = tpu.memref_slice %arg12[%add3A_43, %dma_start3A_249] : memref<10112x128xf32, #tpu.memory_space<vmem_shared>> -> memref<56x128xf32, #tpu.memory_space<vmem_shared>>
      %dma_start3A_251 = arith.constant 0 : i32
      %dma_start3A_252 = tpu.memref_slice %arg12[%add3A_43, %dma_start3A_251] : memref<10112x128xf32, #tpu.memory_space<vmem_shared>> -> memref<56x128xf32, #tpu.memory_space<vmem_shared>>
      %dma_start3A_253 = arith.constant 0 : i32
      %dma_start3A_254 = arith.constant 0 : i32
      %dma_start3A_255 = tpu.memref_slice %arg8[%dma_start3A_253, %dma_start3A_254] : memref<64x128xf32, #tpu.memory_space<vmem>> -> memref<56x128xf32, #tpu.memory_space<vmem>>
      tpu.enqueue_dma source(%dma_start3A_255 : memref<56x128xf32, #tpu.memory_space<vmem>>) target(%dma_start3A_252 : memref<56x128xf32, #tpu.memory_space<vmem_shared>>) target_semaphore(%run_scoped3A : memref<!tpu.dma_semaphore, #tpu.memory_space<semaphore_mem>>)
      %dma_wait3A = arith.constant 0 : i32
      %dma_wait3A_256 = arith.constant 0 : i32
      %dma_wait3A_257 = tpu.memref_slice %arg8[%dma_wait3A, %dma_wait3A_256] : memref<64x128xf32, #tpu.memory_space<vmem>> -> memref<56x128xf32, #tpu.memory_space<vmem>>
      %dma_wait3A_258 = arith.constant 0 : i32
      %dma_wait3A_259 = tpu.memref_slice %arg12[%add3A_43, %dma_wait3A_258] : memref<10112x128xf32, #tpu.memory_space<vmem_shared>> -> memref<56x128xf32, #tpu.memory_space<vmem_shared>>
      %dma_wait3A_260 = arith.constant 0 : i32
      %dma_wait3A_261 = tpu.memref_slice %arg12[%add3A_43, %dma_wait3A_260] : memref<10112x128xf32, #tpu.memory_space<vmem_shared>> -> memref<56x128xf32, #tpu.memory_space<vmem_shared>>
      %dma_wait3A_262 = arith.constant 0 : i32
      %dma_wait3A_263 = arith.constant 0 : i32
      %dma_wait3A_264 = tpu.memref_slice %arg8[%dma_wait3A_262, %dma_wait3A_263] : memref<64x128xf32, #tpu.memory_space<vmem>> -> memref<56x128xf32, #tpu.memory_space<vmem>>
      tpu.wait_dma2 semaphore(%run_scoped3A : memref<!tpu.dma_semaphore, #tpu.memory_space<semaphore_mem>>) src(%dma_wait3A_264 : memref<56x128xf32, #tpu.memory_space<vmem>>) dst(%dma_wait3A_261 : memref<56x128xf32, #tpu.memory_space<vmem_shared>>)
      tpu.yield
    }) : () -> ()
    %barrier3A = arith.constant 0 : index
    tpu.barrier barrier_id(%barrier3A)
    %mul3A_44 = arith.constant 2 : i32
    %mul3A_45 = arith.muli %arg1, %mul3A_44 : i32
    %add3A_46 = arith.addi %mul3A_45, %arg0 : i32
    %mul3A_47 = arith.constant 160 : i32
    %mul3A_48 = arith.muli %add3A_46, %mul3A_47 : i32
    %add3A_49 = arith.constant 0 : i32
    %add3A_50 = arith.addi %mul3A_48, %add3A_49 : i32
    "tpu.region"() ({
      %run_scoped3A = tpu.sem_alloc : memref<!tpu.dma_semaphore, #tpu.memory_space<semaphore_mem>>
      %dma_start3A_246 = arith.constant 0 : i32
      %dma_start3A_247 = tpu.memref_slice %arg2[%add3A_50, %dma_start3A_246] : memref<5120x64xi32, #tpu.memory_space<hbm>> -> memref<32x64xi32, #tpu.memory_space<hbm>>
      %dma_start3A_248 = arith.constant 0 : i32
      %dma_start3A_249 = tpu.memref_slice %arg2[%add3A_50, %dma_start3A_248] : memref<5120x64xi32, #tpu.memory_space<hbm>> -> memref<32x64xi32, #tpu.memory_space<hbm>>
      tpu.enqueue_dma source(%dma_start3A_249 : memref<32x64xi32, #tpu.memory_space<hbm>>) target(%arg6 : memref<32x64xi32, #tpu.memory_space<vmem>>) target_semaphore(%run_scoped3A : memref<!tpu.dma_semaphore, #tpu.memory_space<semaphore_mem>>)
      %dma_wait3A = arith.constant 0 : i32
      %dma_wait3A_250 = tpu.memref_slice %arg2[%add3A_50, %dma_wait3A] : memref<5120x64xi32, #tpu.memory_space<hbm>> -> memref<32x64xi32, #tpu.memory_space<hbm>>
      %dma_wait3A_251 = arith.constant 0 : i32
      %dma_wait3A_252 = tpu.memref_slice %arg2[%add3A_50, %dma_wait3A_251] : memref<5120x64xi32, #tpu.memory_space<hbm>> -> memref<32x64xi32, #tpu.memory_space<hbm>>
      tpu.wait_dma2 semaphore(%run_scoped3A : memref<!tpu.dma_semaphore, #tpu.memory_space<semaphore_mem>>) src(%dma_wait3A_252 : memref<32x64xi32, #tpu.memory_space<hbm>>) dst(%arg6 : memref<32x64xi32, #tpu.memory_space<vmem>>)
      tpu.yield
    }) : () -> ()
    %add3A_51 = arith.constant 0 : i32
    %add3A_52 = arith.addi %mul3A_48, %add3A_51 : i32
    "tpu.region"() ({
      %run_scoped3A = tpu.sem_alloc : memref<!tpu.dma_semaphore, #tpu.memory_space<semaphore_mem>>
      %dma_start3A_246 = arith.constant 0 : i32
      %dma_start3A_247 = tpu.memref_slice %arg3[%add3A_52, %dma_start3A_246] : memref<5120x64xi32, #tpu.memory_space<hbm>> -> memref<32x64xi32, #tpu.memory_space<hbm>>
      %dma_start3A_248 = arith.constant 0 : i32
      %dma_start3A_249 = tpu.memref_slice %arg3[%add3A_52, %dma_start3A_248] : memref<5120x64xi32, #tpu.memory_space<hbm>> -> memref<32x64xi32, #tpu.memory_space<hbm>>
      tpu.enqueue_dma source(%dma_start3A_249 : memref<32x64xi32, #tpu.memory_space<hbm>>) target(%arg7 : memref<32x64xi32, #tpu.memory_space<vmem>>) target_semaphore(%run_scoped3A : memref<!tpu.dma_semaphore, #tpu.memory_space<semaphore_mem>>)
      %dma_wait3A = arith.constant 0 : i32
      %dma_wait3A_250 = tpu.memref_slice %arg3[%add3A_52, %dma_wait3A] : memref<5120x64xi32, #tpu.memory_space<hbm>> -> memref<32x64xi32, #tpu.memory_space<hbm>>
      %dma_wait3A_251 = arith.constant 0 : i32
      %dma_wait3A_252 = tpu.memref_slice %arg3[%add3A_52, %dma_wait3A_251] : memref<5120x64xi32, #tpu.memory_space<hbm>> -> memref<32x64xi32, #tpu.memory_space<hbm>>
      tpu.wait_dma2 semaphore(%run_scoped3A : memref<!tpu.dma_semaphore, #tpu.memory_space<semaphore_mem>>) src(%dma_wait3A_252 : memref<32x64xi32, #tpu.memory_space<hbm>>) dst(%arg7 : memref<32x64xi32, #tpu.memory_space<vmem>>)
      tpu.yield
    }) : () -> ()
    %dma_start3A = arith.constant 0 : i32
    %dma_start3A_53 = arith.constant 0 : i32
    %dma_start3A_54 = tpu.memref_slice %arg6[%dma_start3A, %dma_start3A_53] : memref<32x64xi32, #tpu.memory_space<vmem>> -> memref<1x64xi32, #tpu.memory_space<vmem>>
    %dma_start3A_55 = tpu.memref_squeeze %dma_start3A_54 : memref<1x64xi32, #tpu.memory_space<vmem>> -> memref<64xi32, #tpu.memory_space<vmem>>
    %dma_start3A_56 = arith.constant 0 : i32
    %dma_start3A_57 = arith.constant 0 : i32
    %dma_start3A_58 = tpu.memref_slice %arg4[%dma_start3A_56, %dma_start3A_57] : memref<10112x128xf32, #tpu.memory_space<hbm>> -> memref<10112x128xf32, #tpu.memory_space<hbm>>
    tpu.enqueue_indirect_dma source(%dma_start3A_58 : memref<10112x128xf32, #tpu.memory_space<hbm>>) target(%arg8 : memref<64x128xf32, #tpu.memory_space<vmem>>) offsets(%dma_start3A_55 : memref<64xi32, #tpu.memory_space<vmem>>) semaphore(%arg13 : memref<!tpu.dma_semaphore, #tpu.memory_space<semaphore_mem>>)
    %dma_start3A_59 = arith.constant 1 : i32
    %dma_start3A_60 = arith.constant 0 : i32
    %dma_start3A_61 = tpu.memref_slice %arg6[%dma_start3A_59, %dma_start3A_60] : memref<32x64xi32, #tpu.memory_space<vmem>> -> memref<1x64xi32, #tpu.memory_space<vmem>>
    %dma_start3A_62 = tpu.memref_squeeze %dma_start3A_61 : memref<1x64xi32, #tpu.memory_space<vmem>> -> memref<64xi32, #tpu.memory_space<vmem>>
    %dma_start3A_63 = arith.constant 0 : i32
    %dma_start3A_64 = arith.constant 0 : i32
    %dma_start3A_65 = tpu.memref_slice %arg4[%dma_start3A_63, %dma_start3A_64] : memref<10112x128xf32, #tpu.memory_space<hbm>> -> memref<10112x128xf32, #tpu.memory_space<hbm>>
    tpu.enqueue_indirect_dma source(%dma_start3A_65 : memref<10112x128xf32, #tpu.memory_space<hbm>>) target(%arg9 : memref<64x128xf32, #tpu.memory_space<vmem>>) offsets(%dma_start3A_62 : memref<64xi32, #tpu.memory_space<vmem>>) semaphore(%arg14 : memref<!tpu.dma_semaphore, #tpu.memory_space<semaphore_mem>>)
    %dma_start3A_66 = arith.constant 2 : i32
    %dma_start3A_67 = arith.constant 0 : i32
    %dma_start3A_68 = tpu.memref_slice %arg6[%dma_start3A_66, %dma_start3A_67] : memref<32x64xi32, #tpu.memory_space<vmem>> -> memref<1x64xi32, #tpu.memory_space<vmem>>
    %dma_start3A_69 = tpu.memref_squeeze %dma_start3A_68 : memref<1x64xi32, #tpu.memory_space<vmem>> -> memref<64xi32, #tpu.memory_space<vmem>>
    %dma_start3A_70 = arith.constant 0 : i32
    %dma_start3A_71 = arith.constant 0 : i32
    %dma_start3A_72 = tpu.memref_slice %arg4[%dma_start3A_70, %dma_start3A_71] : memref<10112x128xf32, #tpu.memory_space<hbm>> -> memref<10112x128xf32, #tpu.memory_space<hbm>>
    tpu.enqueue_indirect_dma source(%dma_start3A_72 : memref<10112x128xf32, #tpu.memory_space<hbm>>) target(%arg10 : memref<64x128xf32, #tpu.memory_space<vmem>>) offsets(%dma_start3A_69 : memref<64xi32, #tpu.memory_space<vmem>>) semaphore(%arg15 : memref<!tpu.dma_semaphore, #tpu.memory_space<semaphore_mem>>)
    %dma_start3A_73 = arith.constant 3 : i32
    %dma_start3A_74 = arith.constant 0 : i32
    %dma_start3A_75 = tpu.memref_slice %arg6[%dma_start3A_73, %dma_start3A_74] : memref<32x64xi32, #tpu.memory_space<vmem>> -> memref<1x64xi32, #tpu.memory_space<vmem>>
    %dma_start3A_76 = tpu.memref_squeeze %dma_start3A_75 : memref<1x64xi32, #tpu.memory_space<vmem>> -> memref<64xi32, #tpu.memory_space<vmem>>
    %dma_start3A_77 = arith.constant 0 : i32
    %dma_start3A_78 = arith.constant 0 : i32
    %dma_start3A_79 = tpu.memref_slice %arg4[%dma_start3A_77, %dma_start3A_78] : memref<10112x128xf32, #tpu.memory_space<hbm>> -> memref<10112x128xf32, #tpu.memory_space<hbm>>
    tpu.enqueue_indirect_dma source(%dma_start3A_79 : memref<10112x128xf32, #tpu.memory_space<hbm>>) target(%arg11 : memref<64x128xf32, #tpu.memory_space<vmem>>) offsets(%dma_start3A_76 : memref<64xi32, #tpu.memory_space<vmem>>) semaphore(%arg16 : memref<!tpu.dma_semaphore, #tpu.memory_space<semaphore_mem>>)
    %scan3A_80 = arith.constant 0 : i32
    %scan3A_81 = arith.constant 0 : i32
    %scan3A_82 = arith.constant 8 : i32
    %scan3A_83 = arith.addi %scan3A_81, %scan3A_82 : i32
    %scan3A_84 = arith.constant 1 : i32
    scf.for %scan3A_246 = %scan3A_81 to %scan3A_83 step %scan3A_84  : i32 {
      %mul3A_247 = arith.constant 4 : i32
      %mul3A_248 = arith.muli %mul3A_247, %scan3A_246 : i32
      %add3A_249 = arith.constant 0 : i32
      %add3A_250 = arith.addi %mul3A_248, %add3A_249 : i32
      %dma_wait3A = arith.constant 0 : i32
      %dma_wait3A_251 = arith.constant 0 : i32
      %dma_wait3A_252 = tpu.memref_slice %arg6[%dma_wait3A, %dma_wait3A_251] : memref<32x64xi32, #tpu.memory_space<vmem>> -> memref<1x64xi32, #tpu.memory_space<vmem>>
      %dma_wait3A_253 = tpu.memref_squeeze %dma_wait3A_252 : memref<1x64xi32, #tpu.memory_space<vmem>> -> memref<64xi32, #tpu.memory_space<vmem>>
      %dma_wait3A_254 = arith.constant 0 : i32
      %dma_wait3A_255 = arith.constant 0 : i32
      %dma_wait3A_256 = tpu.memref_slice %arg4[%dma_wait3A_254, %dma_wait3A_255] : memref<10112x128xf32, #tpu.memory_space<hbm>> -> memref<10112x128xf32, #tpu.memory_space<hbm>>
      tpu.wait_indirect_dma semaphore(%arg13 : memref<!tpu.dma_semaphore, #tpu.memory_space<semaphore_mem>>) src(%dma_wait3A_256 : memref<10112x128xf32, #tpu.memory_space<hbm>>) dst(%arg8 : memref<64x128xf32, #tpu.memory_space<vmem>>)
      "tpu.region"() ({
        %run_scoped3A = tpu.sem_alloc : memref<!tpu.dma_semaphore, #tpu.memory_space<semaphore_mem>>
        %dma_start3A_315 = arith.constant 0 : i32
        %dma_start3A_316 = tpu.memref_slice %arg7[%add3A_250, %dma_start3A_315] : memref<32x64xi32, #tpu.memory_space<vmem>> -> memref<1x64xi32, #tpu.memory_space<vmem>>
        %dma_start3A_317 = tpu.memref_squeeze %dma_start3A_316 : memref<1x64xi32, #tpu.memory_space<vmem>> -> memref<64xi32, #tpu.memory_space<vmem>>
        %dma_start3A_318 = arith.constant 0 : i32
        %dma_start3A_319 = arith.constant 0 : i32
        %dma_start3A_320 = tpu.memref_slice %arg12[%dma_start3A_318, %dma_start3A_319] : memref<10112x128xf32, #tpu.memory_space<vmem_shared>> -> memref<10112x128xf32, #tpu.memory_space<vmem_shared>>
        tpu.enqueue_indirect_dma source(%arg8 : memref<64x128xf32, #tpu.memory_space<vmem>>) target(%dma_start3A_320 : memref<10112x128xf32, #tpu.memory_space<vmem_shared>>) offsets(%dma_start3A_317 : memref<64xi32, #tpu.memory_space<vmem>>) semaphore(%run_scoped3A : memref<!tpu.dma_semaphore, #tpu.memory_space<semaphore_mem>>) {add = true}
        %dma_wait3A_321 = arith.constant 0 : i32
        %dma_wait3A_322 = tpu.memref_slice %arg7[%add3A_250, %dma_wait3A_321] : memref<32x64xi32, #tpu.memory_space<vmem>> -> memref<1x64xi32, #tpu.memory_space<vmem>>
        %dma_wait3A_323 = tpu.memref_squeeze %dma_wait3A_322 : memref<1x64xi32, #tpu.memory_space<vmem>> -> memref<64xi32, #tpu.memory_space<vmem>>
        %dma_wait3A_324 = arith.constant 0 : i32
        %dma_wait3A_325 = arith.constant 0 : i32
        %dma_wait3A_326 = tpu.memref_slice %arg12[%dma_wait3A_324, %dma_wait3A_325] : memref<10112x128xf32, #tpu.memory_space<vmem_shared>> -> memref<10112x128xf32, #tpu.memory_space<vmem_shared>>
        tpu.wait_indirect_dma semaphore(%run_scoped3A : memref<!tpu.dma_semaphore, #tpu.memory_space<semaphore_mem>>) src(%arg8 : memref<64x128xf32, #tpu.memory_space<vmem>>) dst(%dma_wait3A_326 : memref<10112x128xf32, #tpu.memory_space<vmem_shared>>)
        tpu.yield
      }) : () -> ()
      %add3A_257 = arith.constant 4 : i32
      %add3A_258 = arith.addi %add3A_250, %add3A_257 : i32
      %lt3A = arith.constant 32 : i32
      %lt3A_259 = arith.cmpi slt, %add3A_258, %lt3A : i32
      %convert_element_type3A = arith.extui %lt3A_259 : i1 to i32
      %cond3A = arith.constant 0 : i32
      %cond3A_260 = arith.cmpi ne, %convert_element_type3A, %cond3A : i32
      scf.if %cond3A_260 {
        %add3A_315 = arith.constant 4 : i32
        %add3A_316 = arith.addi %add3A_250, %add3A_315 : i32
        %dma_start3A_317 = arith.constant 0 : i32
        %dma_start3A_318 = tpu.memref_slice %arg6[%add3A_316, %dma_start3A_317] : memref<32x64xi32, #tpu.memory_space<vmem>> -> memref<1x64xi32, #tpu.memory_space<vmem>>
        %dma_start3A_319 = tpu.memref_squeeze %dma_start3A_318 : memref<1x64xi32, #tpu.memory_space<vmem>> -> memref<64xi32, #tpu.memory_space<vmem>>
        %dma_start3A_320 = arith.constant 0 : i32
        %dma_start3A_321 = arith.constant 0 : i32
        %dma_start3A_322 = tpu.memref_slice %arg4[%dma_start3A_320, %dma_start3A_321] : memref<10112x128xf32, #tpu.memory_space<hbm>> -> memref<10112x128xf32, #tpu.memory_space<hbm>>
        tpu.enqueue_indirect_dma source(%dma_start3A_322 : memref<10112x128xf32, #tpu.memory_space<hbm>>) target(%arg8 : memref<64x128xf32, #tpu.memory_space<vmem>>) offsets(%dma_start3A_319 : memref<64xi32, #tpu.memory_space<vmem>>) semaphore(%arg13 : memref<!tpu.dma_semaphore, #tpu.memory_space<semaphore_mem>>)
      } else {
      }
      %mul3A_261 = arith.constant 4 : i32
      %mul3A_262 = arith.muli %mul3A_261, %scan3A_246 : i32
      %add3A_263 = arith.constant 1 : i32
      %add3A_264 = arith.addi %mul3A_262, %add3A_263 : i32
      %dma_wait3A_265 = arith.constant 0 : i32
      %dma_wait3A_266 = arith.constant 0 : i32
      %dma_wait3A_267 = tpu.memref_slice %arg6[%dma_wait3A_265, %dma_wait3A_266] : memref<32x64xi32, #tpu.memory_space<vmem>> -> memref<1x64xi32, #tpu.memory_space<vmem>>
      %dma_wait3A_268 = tpu.memref_squeeze %dma_wait3A_267 : memref<1x64xi32, #tpu.memory_space<vmem>> -> memref<64xi32, #tpu.memory_space<vmem>>
      %dma_wait3A_269 = arith.constant 0 : i32
      %dma_wait3A_270 = arith.constant 0 : i32
      %dma_wait3A_271 = tpu.memref_slice %arg4[%dma_wait3A_269, %dma_wait3A_270] : memref<10112x128xf32, #tpu.memory_space<hbm>> -> memref<10112x128xf32, #tpu.memory_space<hbm>>
      tpu.wait_indirect_dma semaphore(%arg14 : memref<!tpu.dma_semaphore, #tpu.memory_space<semaphore_mem>>) src(%dma_wait3A_271 : memref<10112x128xf32, #tpu.memory_space<hbm>>) dst(%arg9 : memref<64x128xf32, #tpu.memory_space<vmem>>)
      "tpu.region"() ({
        %run_scoped3A = tpu.sem_alloc : memref<!tpu.dma_semaphore, #tpu.memory_space<semaphore_mem>>
        %dma_start3A_315 = arith.constant 0 : i32
        %dma_start3A_316 = tpu.memref_slice %arg7[%add3A_264, %dma_start3A_315] : memref<32x64xi32, #tpu.memory_space<vmem>> -> memref<1x64xi32, #tpu.memory_space<vmem>>
        %dma_start3A_317 = tpu.memref_squeeze %dma_start3A_316 : memref<1x64xi32, #tpu.memory_space<vmem>> -> memref<64xi32, #tpu.memory_space<vmem>>
        %dma_start3A_318 = arith.constant 0 : i32
        %dma_start3A_319 = arith.constant 0 : i32
        %dma_start3A_320 = tpu.memref_slice %arg12[%dma_start3A_318, %dma_start3A_319] : memref<10112x128xf32, #tpu.memory_space<vmem_shared>> -> memref<10112x128xf32, #tpu.memory_space<vmem_shared>>
        tpu.enqueue_indirect_dma source(%arg9 : memref<64x128xf32, #tpu.memory_space<vmem>>) target(%dma_start3A_320 : memref<10112x128xf32, #tpu.memory_space<vmem_shared>>) offsets(%dma_start3A_317 : memref<64xi32, #tpu.memory_space<vmem>>) semaphore(%run_scoped3A : memref<!tpu.dma_semaphore, #tpu.memory_space<semaphore_mem>>) {add = true}
        %dma_wait3A_321 = arith.constant 0 : i32
        %dma_wait3A_322 = tpu.memref_slice %arg7[%add3A_264, %dma_wait3A_321] : memref<32x64xi32, #tpu.memory_space<vmem>> -> memref<1x64xi32, #tpu.memory_space<vmem>>
        %dma_wait3A_323 = tpu.memref_squeeze %dma_wait3A_322 : memref<1x64xi32, #tpu.memory_space<vmem>> -> memref<64xi32, #tpu.memory_space<vmem>>
        %dma_wait3A_324 = arith.constant 0 : i32
        %dma_wait3A_325 = arith.constant 0 : i32
        %dma_wait3A_326 = tpu.memref_slice %arg12[%dma_wait3A_324, %dma_wait3A_325] : memref<10112x128xf32, #tpu.memory_space<vmem_shared>> -> memref<10112x128xf32, #tpu.memory_space<vmem_shared>>
        tpu.wait_indirect_dma semaphore(%run_scoped3A : memref<!tpu.dma_semaphore, #tpu.memory_space<semaphore_mem>>) src(%arg9 : memref<64x128xf32, #tpu.memory_space<vmem>>) dst(%dma_wait3A_326 : memref<10112x128xf32, #tpu.memory_space<vmem_shared>>)
        tpu.yield
      }) : () -> ()
      %add3A_272 = arith.constant 4 : i32
      %add3A_273 = arith.addi %add3A_264, %add3A_272 : i32
      %lt3A_274 = arith.constant 32 : i32
      %lt3A_275 = arith.cmpi slt, %add3A_273, %lt3A_274 : i32
      %convert_element_type3A_276 = arith.extui %lt3A_275 : i1 to i32
      %cond3A_277 = arith.constant 0 : i32
      %cond3A_278 = arith.cmpi ne, %convert_element_type3A_276, %cond3A_277 : i32
      scf.if %cond3A_278 {
        %add3A_315 = arith.constant 4 : i32
        %add3A_316 = arith.addi %add3A_264, %add3A_315 : i32
        %dma_start3A_317 = arith.constant 0 : i32
        %dma_start3A_318 = tpu.memref_slice %arg6[%add3A_316, %dma_start3A_317] : memref<32x64xi32, #tpu.memory_space<vmem>> -> memref<1x64xi32, #tpu.memory_space<vmem>>
        %dma_start3A_319 = tpu.memref_squeeze %dma_start3A_318 : memref<1x64xi32, #tpu.memory_space<vmem>> -> memref<64xi32, #tpu.memory_space<vmem>>
        %dma_start3A_320 = arith.constant 0 : i32
        %dma_start3A_321 = arith.constant 0 : i32
        %dma_start3A_322 = tpu.memref_slice %arg4[%dma_start3A_320, %dma_start3A_321] : memref<10112x128xf32, #tpu.memory_space<hbm>> -> memref<10112x128xf32, #tpu.memory_space<hbm>>
        tpu.enqueue_indirect_dma source(%dma_start3A_322 : memref<10112x128xf32, #tpu.memory_space<hbm>>) target(%arg9 : memref<64x128xf32, #tpu.memory_space<vmem>>) offsets(%dma_start3A_319 : memref<64xi32, #tpu.memory_space<vmem>>) semaphore(%arg14 : memref<!tpu.dma_semaphore, #tpu.memory_space<semaphore_mem>>)
      } else {
      }
      %mul3A_279 = arith.constant 4 : i32
      %mul3A_280 = arith.muli %mul3A_279, %scan3A_246 : i32
      %add3A_281 = arith.constant 2 : i32
      %add3A_282 = arith.addi %mul3A_280, %add3A_281 : i32
      %dma_wait3A_283 = arith.constant 0 : i32
      %dma_wait3A_284 = arith.constant 0 : i32
      %dma_wait3A_285 = tpu.memref_slice %arg6[%dma_wait3A_283, %dma_wait3A_284] : memref<32x64xi32, #tpu.memory_space<vmem>> -> memref<1x64xi32, #tpu.memory_space<vmem>>
      %dma_wait3A_286 = tpu.memref_squeeze %dma_wait3A_285 : memref<1x64xi32, #tpu.memory_space<vmem>> -> memref<64xi32, #tpu.memory_space<vmem>>
      %dma_wait3A_287 = arith.constant 0 : i32
      %dma_wait3A_288 = arith.constant 0 : i32
      %dma_wait3A_289 = tpu.memref_slice %arg4[%dma_wait3A_287, %dma_wait3A_288] : memref<10112x128xf32, #tpu.memory_space<hbm>> -> memref<10112x128xf32, #tpu.memory_space<hbm>>
      tpu.wait_indirect_dma semaphore(%arg15 : memref<!tpu.dma_semaphore, #tpu.memory_space<semaphore_mem>>) src(%dma_wait3A_289 : memref<10112x128xf32, #tpu.memory_space<hbm>>) dst(%arg10 : memref<64x128xf32, #tpu.memory_space<vmem>>)
      "tpu.region"() ({
        %run_scoped3A = tpu.sem_alloc : memref<!tpu.dma_semaphore, #tpu.memory_space<semaphore_mem>>
        %dma_start3A_315 = arith.constant 0 : i32
        %dma_start3A_316 = tpu.memref_slice %arg7[%add3A_282, %dma_start3A_315] : memref<32x64xi32, #tpu.memory_space<vmem>> -> memref<1x64xi32, #tpu.memory_space<vmem>>
        %dma_start3A_317 = tpu.memref_squeeze %dma_start3A_316 : memref<1x64xi32, #tpu.memory_space<vmem>> -> memref<64xi32, #tpu.memory_space<vmem>>
        %dma_start3A_318 = arith.constant 0 : i32
        %dma_start3A_319 = arith.constant 0 : i32
        %dma_start3A_320 = tpu.memref_slice %arg12[%dma_start3A_318, %dma_start3A_319] : memref<10112x128xf32, #tpu.memory_space<vmem_shared>> -> memref<10112x128xf32, #tpu.memory_space<vmem_shared>>
        tpu.enqueue_indirect_dma source(%arg10 : memref<64x128xf32, #tpu.memory_space<vmem>>) target(%dma_start3A_320 : memref<10112x128xf32, #tpu.memory_space<vmem_shared>>) offsets(%dma_start3A_317 : memref<64xi32, #tpu.memory_space<vmem>>) semaphore(%run_scoped3A : memref<!tpu.dma_semaphore, #tpu.memory_space<semaphore_mem>>) {add = true}
        %dma_wait3A_321 = arith.constant 0 : i32
        %dma_wait3A_322 = tpu.memref_slice %arg7[%add3A_282, %dma_wait3A_321] : memref<32x64xi32, #tpu.memory_space<vmem>> -> memref<1x64xi32, #tpu.memory_space<vmem>>
        %dma_wait3A_323 = tpu.memref_squeeze %dma_wait3A_322 : memref<1x64xi32, #tpu.memory_space<vmem>> -> memref<64xi32, #tpu.memory_space<vmem>>
        %dma_wait3A_324 = arith.constant 0 : i32
        %dma_wait3A_325 = arith.constant 0 : i32
        %dma_wait3A_326 = tpu.memref_slice %arg12[%dma_wait3A_324, %dma_wait3A_325] : memref<10112x128xf32, #tpu.memory_space<vmem_shared>> -> memref<10112x128xf32, #tpu.memory_space<vmem_shared>>
        tpu.wait_indirect_dma semaphore(%run_scoped3A : memref<!tpu.dma_semaphore, #tpu.memory_space<semaphore_mem>>) src(%arg10 : memref<64x128xf32, #tpu.memory_space<vmem>>) dst(%dma_wait3A_326 : memref<10112x128xf32, #tpu.memory_space<vmem_shared>>)
        tpu.yield
      }) : () -> ()
      %add3A_290 = arith.constant 4 : i32
      %add3A_291 = arith.addi %add3A_282, %add3A_290 : i32
      %lt3A_292 = arith.constant 32 : i32
      %lt3A_293 = arith.cmpi slt, %add3A_291, %lt3A_292 : i32
      %convert_element_type3A_294 = arith.extui %lt3A_293 : i1 to i32
      %cond3A_295 = arith.constant 0 : i32
      %cond3A_296 = arith.cmpi ne, %convert_element_type3A_294, %cond3A_295 : i32
      scf.if %cond3A_296 {
        %add3A_315 = arith.constant 4 : i32
        %add3A_316 = arith.addi %add3A_282, %add3A_315 : i32
        %dma_start3A_317 = arith.constant 0 : i32
        %dma_start3A_318 = tpu.memref_slice %arg6[%add3A_316, %dma_start3A_317] : memref<32x64xi32, #tpu.memory_space<vmem>> -> memref<1x64xi32, #tpu.memory_space<vmem>>
        %dma_start3A_319 = tpu.memref_squeeze %dma_start3A_318 : memref<1x64xi32, #tpu.memory_space<vmem>> -> memref<64xi32, #tpu.memory_space<vmem>>
        %dma_start3A_320 = arith.constant 0 : i32
        %dma_start3A_321 = arith.constant 0 : i32
        %dma_start3A_322 = tpu.memref_slice %arg4[%dma_start3A_320, %dma_start3A_321] : memref<10112x128xf32, #tpu.memory_space<hbm>> -> memref<10112x128xf32, #tpu.memory_space<hbm>>
        tpu.enqueue_indirect_dma source(%dma_start3A_322 : memref<10112x128xf32, #tpu.memory_space<hbm>>) target(%arg10 : memref<64x128xf32, #tpu.memory_space<vmem>>) offsets(%dma_start3A_319 : memref<64xi32, #tpu.memory_space<vmem>>) semaphore(%arg15 : memref<!tpu.dma_semaphore, #tpu.memory_space<semaphore_mem>>)
      } else {
      }
      %mul3A_297 = arith.constant 4 : i32
      %mul3A_298 = arith.muli %mul3A_297, %scan3A_246 : i32
      %add3A_299 = arith.constant 3 : i32
      %add3A_300 = arith.addi %mul3A_298, %add3A_299 : i32
      %dma_wait3A_301 = arith.constant 0 : i32
      %dma_wait3A_302 = arith.constant 0 : i32
      %dma_wait3A_303 = tpu.memref_slice %arg6[%dma_wait3A_301, %dma_wait3A_302] : memref<32x64xi32, #tpu.memory_space<vmem>> -> memref<1x64xi32, #tpu.memory_space<vmem>>
      %dma_wait3A_304 = tpu.memref_squeeze %dma_wait3A_303 : memref<1x64xi32, #tpu.memory_space<vmem>> -> memref<64xi32, #tpu.memory_space<vmem>>
      %dma_wait3A_305 = arith.constant 0 : i32
      %dma_wait3A_306 = arith.constant 0 : i32
      %dma_wait3A_307 = tpu.memref_slice %arg4[%dma_wait3A_305, %dma_wait3A_306] : memref<10112x128xf32, #tpu.memory_space<hbm>> -> memref<10112x128xf32, #tpu.memory_space<hbm>>
      tpu.wait_indirect_dma semaphore(%arg16 : memref<!tpu.dma_semaphore, #tpu.memory_space<semaphore_mem>>) src(%dma_wait3A_307 : memref<10112x128xf32, #tpu.memory_space<hbm>>) dst(%arg11 : memref<64x128xf32, #tpu.memory_space<vmem>>)
      "tpu.region"() ({
        %run_scoped3A = tpu.sem_alloc : memref<!tpu.dma_semaphore, #tpu.memory_space<semaphore_mem>>
        %dma_start3A_315 = arith.constant 0 : i32
        %dma_start3A_316 = tpu.memref_slice %arg7[%add3A_300, %dma_start3A_315] : memref<32x64xi32, #tpu.memory_space<vmem>> -> memref<1x64xi32, #tpu.memory_space<vmem>>
        %dma_start3A_317 = tpu.memref_squeeze %dma_start3A_316 : memref<1x64xi32, #tpu.memory_space<vmem>> -> memref<64xi32, #tpu.memory_space<vmem>>
        %dma_start3A_318 = arith.constant 0 : i32
        %dma_start3A_319 = arith.constant 0 : i32
        %dma_start3A_320 = tpu.memref_slice %arg12[%dma_start3A_318, %dma_start3A_319] : memref<10112x128xf32, #tpu.memory_space<vmem_shared>> -> memref<10112x128xf32, #tpu.memory_space<vmem_shared>>
        tpu.enqueue_indirect_dma source(%arg11 : memref<64x128xf32, #tpu.memory_space<vmem>>) target(%dma_start3A_320 : memref<10112x128xf32, #tpu.memory_space<vmem_shared>>) offsets(%dma_start3A_317 : memref<64xi32, #tpu.memory_space<vmem>>) semaphore(%run_scoped3A : memref<!tpu.dma_semaphore, #tpu.memory_space<semaphore_mem>>) {add = true}
        %dma_wait3A_321 = arith.constant 0 : i32
        %dma_wait3A_322 = tpu.memref_slice %arg7[%add3A_300, %dma_wait3A_321] : memref<32x64xi32, #tpu.memory_space<vmem>> -> memref<1x64xi32, #tpu.memory_space<vmem>>
        %dma_wait3A_323 = tpu.memref_squeeze %dma_wait3A_322 : memref<1x64xi32, #tpu.memory_space<vmem>> -> memref<64xi32, #tpu.memory_space<vmem>>
        %dma_wait3A_324 = arith.constant 0 : i32
        %dma_wait3A_325 = arith.constant 0 : i32
        %dma_wait3A_326 = tpu.memref_slice %arg12[%dma_wait3A_324, %dma_wait3A_325] : memref<10112x128xf32, #tpu.memory_space<vmem_shared>> -> memref<10112x128xf32, #tpu.memory_space<vmem_shared>>
        tpu.wait_indirect_dma semaphore(%run_scoped3A : memref<!tpu.dma_semaphore, #tpu.memory_space<semaphore_mem>>) src(%arg11 : memref<64x128xf32, #tpu.memory_space<vmem>>) dst(%dma_wait3A_326 : memref<10112x128xf32, #tpu.memory_space<vmem_shared>>)
        tpu.yield
      }) : () -> ()
      %add3A_308 = arith.constant 4 : i32
      %add3A_309 = arith.addi %add3A_300, %add3A_308 : i32
      %lt3A_310 = arith.constant 32 : i32
      %lt3A_311 = arith.cmpi slt, %add3A_309, %lt3A_310 : i32
      %convert_element_type3A_312 = arith.extui %lt3A_311 : i1 to i32
      %cond3A_313 = arith.constant 0 : i32
      %cond3A_314 = arith.cmpi ne, %convert_element_type3A_312, %cond3A_313 : i32
      scf.if %cond3A_314 {
        %add3A_315 = arith.constant 4 : i32
        %add3A_316 = arith.addi %add3A_300, %add3A_315 : i32
        %dma_start3A_317 = arith.constant 0 : i32
        %dma_start3A_318 = tpu.memref_slice %arg6[%add3A_316, %dma_start3A_317] : memref<32x64xi32, #tpu.memory_space<vmem>> -> memref<1x64xi32, #tpu.memory_space<vmem>>
        %dma_start3A_319 = tpu.memref_squeeze %dma_start3A_318 : memref<1x64xi32, #tpu.memory_space<vmem>> -> memref<64xi32, #tpu.memory_space<vmem>>
        %dma_start3A_320 = arith.constant 0 : i32
        %dma_start3A_321 = arith.constant 0 : i32
        %dma_start3A_322 = tpu.memref_slice %arg4[%dma_start3A_320, %dma_start3A_321] : memref<10112x128xf32, #tpu.memory_space<hbm>> -> memref<10112x128xf32, #tpu.memory_space<hbm>>
        tpu.enqueue_indirect_dma source(%dma_start3A_322 : memref<10112x128xf32, #tpu.memory_space<hbm>>) target(%arg11 : memref<64x128xf32, #tpu.memory_space<vmem>>) offsets(%dma_start3A_319 : memref<64xi32, #tpu.memory_space<vmem>>) semaphore(%arg16 : memref<!tpu.dma_semaphore, #tpu.memory_space<semaphore_mem>>)
      } else {
      }
    }
    %scan3A_85 = arith.constant 8 : i32
    %add3A_86 = arith.constant 32 : i32
    %add3A_87 = arith.addi %mul3A_48, %add3A_86 : i32
    "tpu.region"() ({
      %run_scoped3A = tpu.sem_alloc : memref<!tpu.dma_semaphore, #tpu.memory_space<semaphore_mem>>
      %dma_start3A_246 = arith.constant 0 : i32
      %dma_start3A_247 = tpu.memref_slice %arg2[%add3A_87, %dma_start3A_246] : memref<5120x64xi32, #tpu.memory_space<hbm>> -> memref<32x64xi32, #tpu.memory_space<hbm>>
      %dma_start3A_248 = arith.constant 0 : i32
      %dma_start3A_249 = tpu.memref_slice %arg2[%add3A_87, %dma_start3A_248] : memref<5120x64xi32, #tpu.memory_space<hbm>> -> memref<32x64xi32, #tpu.memory_space<hbm>>
      tpu.enqueue_dma source(%dma_start3A_249 : memref<32x64xi32, #tpu.memory_space<hbm>>) target(%arg6 : memref<32x64xi32, #tpu.memory_space<vmem>>) target_semaphore(%run_scoped3A : memref<!tpu.dma_semaphore, #tpu.memory_space<semaphore_mem>>)
      %dma_wait3A = arith.constant 0 : i32
      %dma_wait3A_250 = tpu.memref_slice %arg2[%add3A_87, %dma_wait3A] : memref<5120x64xi32, #tpu.memory_space<hbm>> -> memref<32x64xi32, #tpu.memory_space<hbm>>
      %dma_wait3A_251 = arith.constant 0 : i32
      %dma_wait3A_252 = tpu.memref_slice %arg2[%add3A_87, %dma_wait3A_251] : memref<5120x64xi32, #tpu.memory_space<hbm>> -> memref<32x64xi32, #tpu.memory_space<hbm>>
      tpu.wait_dma2 semaphore(%run_scoped3A : memref<!tpu.dma_semaphore, #tpu.memory_space<semaphore_mem>>) src(%dma_wait3A_252 : memref<32x64xi32, #tpu.memory_space<hbm>>) dst(%arg6 : memref<32x64xi32, #tpu.memory_space<vmem>>)
      tpu.yield
    }) : () -> ()
    %add3A_88 = arith.constant 32 : i32
    %add3A_89 = arith.addi %mul3A_48, %add3A_88 : i32
    "tpu.region"() ({
      %run_scoped3A = tpu.sem_alloc : memref<!tpu.dma_semaphore, #tpu.memory_space<semaphore_mem>>
      %dma_start3A_246 = arith.constant 0 : i32
      %dma_start3A_247 = tpu.memref_slice %arg3[%add3A_89, %dma_start3A_246] : memref<5120x64xi32, #tpu.memory_space<hbm>> -> memref<32x64xi32, #tpu.memory_space<hbm>>
      %dma_start3A_248 = arith.constant 0 : i32
      %dma_start3A_249 = tpu.memref_slice %arg3[%add3A_89, %dma_start3A_248] : memref<5120x64xi32, #tpu.memory_space<hbm>> -> memref<32x64xi32, #tpu.memory_space<hbm>>
      tpu.enqueue_dma source(%dma_start3A_249 : memref<32x64xi32, #tpu.memory_space<hbm>>) target(%arg7 : memref<32x64xi32, #tpu.memory_space<vmem>>) target_semaphore(%run_scoped3A : memref<!tpu.dma_semaphore, #tpu.memory_space<semaphore_mem>>)
      %dma_wait3A = arith.constant 0 : i32
      %dma_wait3A_250 = tpu.memref_slice %arg3[%add3A_89, %dma_wait3A] : memref<5120x64xi32, #tpu.memory_space<hbm>> -> memref<32x64xi32, #tpu.memory_space<hbm>>
      %dma_wait3A_251 = arith.constant 0 : i32
      %dma_wait3A_252 = tpu.memref_slice %arg3[%add3A_89, %dma_wait3A_251] : memref<5120x64xi32, #tpu.memory_space<hbm>> -> memref<32x64xi32, #tpu.memory_space<hbm>>
      tpu.wait_dma2 semaphore(%run_scoped3A : memref<!tpu.dma_semaphore, #tpu.memory_space<semaphore_mem>>) src(%dma_wait3A_252 : memref<32x64xi32, #tpu.memory_space<hbm>>) dst(%arg7 : memref<32x64xi32, #tpu.memory_space<vmem>>)
      tpu.yield
    }) : () -> ()
    %dma_start3A_90 = arith.constant 0 : i32
    %dma_start3A_91 = arith.constant 0 : i32
    %dma_start3A_92 = tpu.memref_slice %arg6[%dma_start3A_90, %dma_start3A_91] : memref<32x64xi32, #tpu.memory_space<vmem>> -> memref<1x64xi32, #tpu.memory_space<vmem>>
    %dma_start3A_93 = tpu.memref_squeeze %dma_start3A_92 : memref<1x64xi32, #tpu.memory_space<vmem>> -> memref<64xi32, #tpu.memory_space<vmem>>
    %dma_start3A_94 = arith.constant 0 : i32
    %dma_start3A_95 = arith.constant 0 : i32
    %dma_start3A_96 = tpu.memref_slice %arg4[%dma_start3A_94, %dma_start3A_95] : memref<10112x128xf32, #tpu.memory_space<hbm>> -> memref<10112x128xf32, #tpu.memory_space<hbm>>
    tpu.enqueue_indirect_dma source(%dma_start3A_96 : memref<10112x128xf32, #tpu.memory_space<hbm>>) target(%arg8 : memref<64x128xf32, #tpu.memory_space<vmem>>) offsets(%dma_start3A_93 : memref<64xi32, #tpu.memory_space<vmem>>) semaphore(%arg13 : memref<!tpu.dma_semaphore, #tpu.memory_space<semaphore_mem>>)
    %dma_start3A_97 = arith.constant 1 : i32
    %dma_start3A_98 = arith.constant 0 : i32
    %dma_start3A_99 = tpu.memref_slice %arg6[%dma_start3A_97, %dma_start3A_98] : memref<32x64xi32, #tpu.memory_space<vmem>> -> memref<1x64xi32, #tpu.memory_space<vmem>>
    %dma_start3A_100 = tpu.memref_squeeze %dma_start3A_99 : memref<1x64xi32, #tpu.memory_space<vmem>> -> memref<64xi32, #tpu.memory_space<vmem>>
    %dma_start3A_101 = arith.constant 0 : i32
    %dma_start3A_102 = arith.constant 0 : i32
    %dma_start3A_103 = tpu.memref_slice %arg4[%dma_start3A_101, %dma_start3A_102] : memref<10112x128xf32, #tpu.memory_space<hbm>> -> memref<10112x128xf32, #tpu.memory_space<hbm>>
    tpu.enqueue_indirect_dma source(%dma_start3A_103 : memref<10112x128xf32, #tpu.memory_space<hbm>>) target(%arg9 : memref<64x128xf32, #tpu.memory_space<vmem>>) offsets(%dma_start3A_100 : memref<64xi32, #tpu.memory_space<vmem>>) semaphore(%arg14 : memref<!tpu.dma_semaphore, #tpu.memory_space<semaphore_mem>>)
    %dma_start3A_104 = arith.constant 2 : i32
    %dma_start3A_105 = arith.constant 0 : i32
    %dma_start3A_106 = tpu.memref_slice %arg6[%dma_start3A_104, %dma_start3A_105] : memref<32x64xi32, #tpu.memory_space<vmem>> -> memref<1x64xi32, #tpu.memory_space<vmem>>
    %dma_start3A_107 = tpu.memref_squeeze %dma_start3A_106 : memref<1x64xi32, #tpu.memory_space<vmem>> -> memref<64xi32, #tpu.memory_space<vmem>>
    %dma_start3A_108 = arith.constant 0 : i32
    %dma_start3A_109 = arith.constant 0 : i32
    %dma_start3A_110 = tpu.memref_slice %arg4[%dma_start3A_108, %dma_start3A_109] : memref<10112x128xf32, #tpu.memory_space<hbm>> -> memref<10112x128xf32, #tpu.memory_space<hbm>>
    tpu.enqueue_indirect_dma source(%dma_start3A_110 : memref<10112x128xf32, #tpu.memory_space<hbm>>) target(%arg10 : memref<64x128xf32, #tpu.memory_space<vmem>>) offsets(%dma_start3A_107 : memref<64xi32, #tpu.memory_space<vmem>>) semaphore(%arg15 : memref<!tpu.dma_semaphore, #tpu.memory_space<semaphore_mem>>)
    %dma_start3A_111 = arith.constant 3 : i32
    %dma_start3A_112 = arith.constant 0 : i32
    %dma_start3A_113 = tpu.memref_slice %arg6[%dma_start3A_111, %dma_start3A_112] : memref<32x64xi32, #tpu.memory_space<vmem>> -> memref<1x64xi32, #tpu.memory_space<vmem>>
    %dma_start3A_114 = tpu.memref_squeeze %dma_start3A_113 : memref<1x64xi32, #tpu.memory_space<vmem>> -> memref<64xi32, #tpu.memory_space<vmem>>
    %dma_start3A_115 = arith.constant 0 : i32
    %dma_start3A_116 = arith.constant 0 : i32
    %dma_start3A_117 = tpu.memref_slice %arg4[%dma_start3A_115, %dma_start3A_116] : memref<10112x128xf32, #tpu.memory_space<hbm>> -> memref<10112x128xf32, #tpu.memory_space<hbm>>
    tpu.enqueue_indirect_dma source(%dma_start3A_117 : memref<10112x128xf32, #tpu.memory_space<hbm>>) target(%arg11 : memref<64x128xf32, #tpu.memory_space<vmem>>) offsets(%dma_start3A_114 : memref<64xi32, #tpu.memory_space<vmem>>) semaphore(%arg16 : memref<!tpu.dma_semaphore, #tpu.memory_space<semaphore_mem>>)
    %scan3A_118 = arith.constant 0 : i32
    %scan3A_119 = arith.constant 0 : i32
    %scan3A_120 = arith.constant 8 : i32
    %scan3A_121 = arith.addi %scan3A_119, %scan3A_120 : i32
    %scan3A_122 = arith.constant 1 : i32
    scf.for %scan3A_246 = %scan3A_119 to %scan3A_121 step %scan3A_122  : i32 {
      %mul3A_247 = arith.constant 4 : i32
      %mul3A_248 = arith.muli %mul3A_247, %scan3A_246 : i32
      %add3A_249 = arith.constant 0 : i32
      %add3A_250 = arith.addi %mul3A_248, %add3A_249 : i32
      %dma_wait3A = arith.constant 0 : i32
      %dma_wait3A_251 = arith.constant 0 : i32
      %dma_wait3A_252 = tpu.memref_slice %arg6[%dma_wait3A, %dma_wait3A_251] : memref<32x64xi32, #tpu.memory_space<vmem>> -> memref<1x64xi32, #tpu.memory_space<vmem>>
      %dma_wait3A_253 = tpu.memref_squeeze %dma_wait3A_252 : memref<1x64xi32, #tpu.memory_space<vmem>> -> memref<64xi32, #tpu.memory_space<vmem>>
      %dma_wait3A_254 = arith.constant 0 : i32
      %dma_wait3A_255 = arith.constant 0 : i32
      %dma_wait3A_256 = tpu.memref_slice %arg4[%dma_wait3A_254, %dma_wait3A_255] : memref<10112x128xf32, #tpu.memory_space<hbm>> -> memref<10112x128xf32, #tpu.memory_space<hbm>>
      tpu.wait_indirect_dma semaphore(%arg13 : memref<!tpu.dma_semaphore, #tpu.memory_space<semaphore_mem>>) src(%dma_wait3A_256 : memref<10112x128xf32, #tpu.memory_space<hbm>>) dst(%arg8 : memref<64x128xf32, #tpu.memory_space<vmem>>)
      "tpu.region"() ({
        %run_scoped3A = tpu.sem_alloc : memref<!tpu.dma_semaphore, #tpu.memory_space<semaphore_mem>>
        %dma_start3A_315 = arith.constant 0 : i32
        %dma_start3A_316 = tpu.memref_slice %arg7[%add3A_250, %dma_start3A_315] : memref<32x64xi32, #tpu.memory_space<vmem>> -> memref<1x64xi32, #tpu.memory_space<vmem>>
        %dma_start3A_317 = tpu.memref_squeeze %dma_start3A_316 : memref<1x64xi32, #tpu.memory_space<vmem>> -> memref<64xi32, #tpu.memory_space<vmem>>
        %dma_start3A_318 = arith.constant 0 : i32
        %dma_start3A_319 = arith.constant 0 : i32
        %dma_start3A_320 = tpu.memref_slice %arg12[%dma_start3A_318, %dma_start3A_319] : memref<10112x128xf32, #tpu.memory_space<vmem_shared>> -> memref<10112x128xf32, #tpu.memory_space<vmem_shared>>
        tpu.enqueue_indirect_dma source(%arg8 : memref<64x128xf32, #tpu.memory_space<vmem>>) target(%dma_start3A_320 : memref<10112x128xf32, #tpu.memory_space<vmem_shared>>) offsets(%dma_start3A_317 : memref<64xi32, #tpu.memory_space<vmem>>) semaphore(%run_scoped3A : memref<!tpu.dma_semaphore, #tpu.memory_space<semaphore_mem>>) {add = true}
        %dma_wait3A_321 = arith.constant 0 : i32
        %dma_wait3A_322 = tpu.memref_slice %arg7[%add3A_250, %dma_wait3A_321] : memref<32x64xi32, #tpu.memory_space<vmem>> -> memref<1x64xi32, #tpu.memory_space<vmem>>
        %dma_wait3A_323 = tpu.memref_squeeze %dma_wait3A_322 : memref<1x64xi32, #tpu.memory_space<vmem>> -> memref<64xi32, #tpu.memory_space<vmem>>
        %dma_wait3A_324 = arith.constant 0 : i32
        %dma_wait3A_325 = arith.constant 0 : i32
        %dma_wait3A_326 = tpu.memref_slice %arg12[%dma_wait3A_324, %dma_wait3A_325] : memref<10112x128xf32, #tpu.memory_space<vmem_shared>> -> memref<10112x128xf32, #tpu.memory_space<vmem_shared>>
        tpu.wait_indirect_dma semaphore(%run_scoped3A : memref<!tpu.dma_semaphore, #tpu.memory_space<semaphore_mem>>) src(%arg8 : memref<64x128xf32, #tpu.memory_space<vmem>>) dst(%dma_wait3A_326 : memref<10112x128xf32, #tpu.memory_space<vmem_shared>>)
        tpu.yield
      }) : () -> ()
      %add3A_257 = arith.constant 4 : i32
      %add3A_258 = arith.addi %add3A_250, %add3A_257 : i32
      %lt3A = arith.constant 32 : i32
      %lt3A_259 = arith.cmpi slt, %add3A_258, %lt3A : i32
      %convert_element_type3A = arith.extui %lt3A_259 : i1 to i32
      %cond3A = arith.constant 0 : i32
      %cond3A_260 = arith.cmpi ne, %convert_element_type3A, %cond3A : i32
      scf.if %cond3A_260 {
        %add3A_315 = arith.constant 4 : i32
        %add3A_316 = arith.addi %add3A_250, %add3A_315 : i32
        %dma_start3A_317 = arith.constant 0 : i32
        %dma_start3A_318 = tpu.memref_slice %arg6[%add3A_316, %dma_start3A_317] : memref<32x64xi32, #tpu.memory_space<vmem>> -> memref<1x64xi32, #tpu.memory_space<vmem>>
        %dma_start3A_319 = tpu.memref_squeeze %dma_start3A_318 : memref<1x64xi32, #tpu.memory_space<vmem>> -> memref<64xi32, #tpu.memory_space<vmem>>
        %dma_start3A_320 = arith.constant 0 : i32
        %dma_start3A_321 = arith.constant 0 : i32
        %dma_start3A_322 = tpu.memref_slice %arg4[%dma_start3A_320, %dma_start3A_321] : memref<10112x128xf32, #tpu.memory_space<hbm>> -> memref<10112x128xf32, #tpu.memory_space<hbm>>
        tpu.enqueue_indirect_dma source(%dma_start3A_322 : memref<10112x128xf32, #tpu.memory_space<hbm>>) target(%arg8 : memref<64x128xf32, #tpu.memory_space<vmem>>) offsets(%dma_start3A_319 : memref<64xi32, #tpu.memory_space<vmem>>) semaphore(%arg13 : memref<!tpu.dma_semaphore, #tpu.memory_space<semaphore_mem>>)
      } else {
      }
      %mul3A_261 = arith.constant 4 : i32
      %mul3A_262 = arith.muli %mul3A_261, %scan3A_246 : i32
      %add3A_263 = arith.constant 1 : i32
      %add3A_264 = arith.addi %mul3A_262, %add3A_263 : i32
      %dma_wait3A_265 = arith.constant 0 : i32
      %dma_wait3A_266 = arith.constant 0 : i32
      %dma_wait3A_267 = tpu.memref_slice %arg6[%dma_wait3A_265, %dma_wait3A_266] : memref<32x64xi32, #tpu.memory_space<vmem>> -> memref<1x64xi32, #tpu.memory_space<vmem>>
      %dma_wait3A_268 = tpu.memref_squeeze %dma_wait3A_267 : memref<1x64xi32, #tpu.memory_space<vmem>> -> memref<64xi32, #tpu.memory_space<vmem>>
      %dma_wait3A_269 = arith.constant 0 : i32
      %dma_wait3A_270 = arith.constant 0 : i32
      %dma_wait3A_271 = tpu.memref_slice %arg4[%dma_wait3A_269, %dma_wait3A_270] : memref<10112x128xf32, #tpu.memory_space<hbm>> -> memref<10112x128xf32, #tpu.memory_space<hbm>>
      tpu.wait_indirect_dma semaphore(%arg14 : memref<!tpu.dma_semaphore, #tpu.memory_space<semaphore_mem>>) src(%dma_wait3A_271 : memref<10112x128xf32, #tpu.memory_space<hbm>>) dst(%arg9 : memref<64x128xf32, #tpu.memory_space<vmem>>)
      "tpu.region"() ({
        %run_scoped3A = tpu.sem_alloc : memref<!tpu.dma_semaphore, #tpu.memory_space<semaphore_mem>>
        %dma_start3A_315 = arith.constant 0 : i32
        %dma_start3A_316 = tpu.memref_slice %arg7[%add3A_264, %dma_start3A_315] : memref<32x64xi32, #tpu.memory_space<vmem>> -> memref<1x64xi32, #tpu.memory_space<vmem>>
        %dma_start3A_317 = tpu.memref_squeeze %dma_start3A_316 : memref<1x64xi32, #tpu.memory_space<vmem>> -> memref<64xi32, #tpu.memory_space<vmem>>
        %dma_start3A_318 = arith.constant 0 : i32
        %dma_start3A_319 = arith.constant 0 : i32
        %dma_start3A_320 = tpu.memref_slice %arg12[%dma_start3A_318, %dma_start3A_319] : memref<10112x128xf32, #tpu.memory_space<vmem_shared>> -> memref<10112x128xf32, #tpu.memory_space<vmem_shared>>
        tpu.enqueue_indirect_dma source(%arg9 : memref<64x128xf32, #tpu.memory_space<vmem>>) target(%dma_start3A_320 : memref<10112x128xf32, #tpu.memory_space<vmem_shared>>) offsets(%dma_start3A_317 : memref<64xi32, #tpu.memory_space<vmem>>) semaphore(%run_scoped3A : memref<!tpu.dma_semaphore, #tpu.memory_space<semaphore_mem>>) {add = true}
        %dma_wait3A_321 = arith.constant 0 : i32
        %dma_wait3A_322 = tpu.memref_slice %arg7[%add3A_264, %dma_wait3A_321] : memref<32x64xi32, #tpu.memory_space<vmem>> -> memref<1x64xi32, #tpu.memory_space<vmem>>
        %dma_wait3A_323 = tpu.memref_squeeze %dma_wait3A_322 : memref<1x64xi32, #tpu.memory_space<vmem>> -> memref<64xi32, #tpu.memory_space<vmem>>
        %dma_wait3A_324 = arith.constant 0 : i32
        %dma_wait3A_325 = arith.constant 0 : i32
        %dma_wait3A_326 = tpu.memref_slice %arg12[%dma_wait3A_324, %dma_wait3A_325] : memref<10112x128xf32, #tpu.memory_space<vmem_shared>> -> memref<10112x128xf32, #tpu.memory_space<vmem_shared>>
        tpu.wait_indirect_dma semaphore(%run_scoped3A : memref<!tpu.dma_semaphore, #tpu.memory_space<semaphore_mem>>) src(%arg9 : memref<64x128xf32, #tpu.memory_space<vmem>>) dst(%dma_wait3A_326 : memref<10112x128xf32, #tpu.memory_space<vmem_shared>>)
        tpu.yield
      }) : () -> ()
      %add3A_272 = arith.constant 4 : i32
      %add3A_273 = arith.addi %add3A_264, %add3A_272 : i32
      %lt3A_274 = arith.constant 32 : i32
      %lt3A_275 = arith.cmpi slt, %add3A_273, %lt3A_274 : i32
      %convert_element_type3A_276 = arith.extui %lt3A_275 : i1 to i32
      %cond3A_277 = arith.constant 0 : i32
      %cond3A_278 = arith.cmpi ne, %convert_element_type3A_276, %cond3A_277 : i32
      scf.if %cond3A_278 {
        %add3A_315 = arith.constant 4 : i32
        %add3A_316 = arith.addi %add3A_264, %add3A_315 : i32
        %dma_start3A_317 = arith.constant 0 : i32
        %dma_start3A_318 = tpu.memref_slice %arg6[%add3A_316, %dma_start3A_317] : memref<32x64xi32, #tpu.memory_space<vmem>> -> memref<1x64xi32, #tpu.memory_space<vmem>>
        %dma_start3A_319 = tpu.memref_squeeze %dma_start3A_318 : memref<1x64xi32, #tpu.memory_space<vmem>> -> memref<64xi32, #tpu.memory_space<vmem>>
        %dma_start3A_320 = arith.constant 0 : i32
        %dma_start3A_321 = arith.constant 0 : i32
        %dma_start3A_322 = tpu.memref_slice %arg4[%dma_start3A_320, %dma_start3A_321] : memref<10112x128xf32, #tpu.memory_space<hbm>> -> memref<10112x128xf32, #tpu.memory_space<hbm>>
        tpu.enqueue_indirect_dma source(%dma_start3A_322 : memref<10112x128xf32, #tpu.memory_space<hbm>>) target(%arg9 : memref<64x128xf32, #tpu.memory_space<vmem>>) offsets(%dma_start3A_319 : memref<64xi32, #tpu.memory_space<vmem>>) semaphore(%arg14 : memref<!tpu.dma_semaphore, #tpu.memory_space<semaphore_mem>>)
      } else {
      }
      %mul3A_279 = arith.constant 4 : i32
      %mul3A_280 = arith.muli %mul3A_279, %scan3A_246 : i32
      %add3A_281 = arith.constant 2 : i32
      %add3A_282 = arith.addi %mul3A_280, %add3A_281 : i32
      %dma_wait3A_283 = arith.constant 0 : i32
      %dma_wait3A_284 = arith.constant 0 : i32
      %dma_wait3A_285 = tpu.memref_slice %arg6[%dma_wait3A_283, %dma_wait3A_284] : memref<32x64xi32, #tpu.memory_space<vmem>> -> memref<1x64xi32, #tpu.memory_space<vmem>>
      %dma_wait3A_286 = tpu.memref_squeeze %dma_wait3A_285 : memref<1x64xi32, #tpu.memory_space<vmem>> -> memref<64xi32, #tpu.memory_space<vmem>>
      %dma_wait3A_287 = arith.constant 0 : i32
      %dma_wait3A_288 = arith.constant 0 : i32
      %dma_wait3A_289 = tpu.memref_slice %arg4[%dma_wait3A_287, %dma_wait3A_288] : memref<10112x128xf32, #tpu.memory_space<hbm>> -> memref<10112x128xf32, #tpu.memory_space<hbm>>
      tpu.wait_indirect_dma semaphore(%arg15 : memref<!tpu.dma_semaphore, #tpu.memory_space<semaphore_mem>>) src(%dma_wait3A_289 : memref<10112x128xf32, #tpu.memory_space<hbm>>) dst(%arg10 : memref<64x128xf32, #tpu.memory_space<vmem>>)
      "tpu.region"() ({
        %run_scoped3A = tpu.sem_alloc : memref<!tpu.dma_semaphore, #tpu.memory_space<semaphore_mem>>
        %dma_start3A_315 = arith.constant 0 : i32
        %dma_start3A_316 = tpu.memref_slice %arg7[%add3A_282, %dma_start3A_315] : memref<32x64xi32, #tpu.memory_space<vmem>> -> memref<1x64xi32, #tpu.memory_space<vmem>>
        %dma_start3A_317 = tpu.memref_squeeze %dma_start3A_316 : memref<1x64xi32, #tpu.memory_space<vmem>> -> memref<64xi32, #tpu.memory_space<vmem>>
        %dma_start3A_318 = arith.constant 0 : i32
        %dma_start3A_319 = arith.constant 0 : i32
        %dma_start3A_320 = tpu.memref_slice %arg12[%dma_start3A_318, %dma_start3A_319] : memref<10112x128xf32, #tpu.memory_space<vmem_shared>> -> memref<10112x128xf32, #tpu.memory_space<vmem_shared>>
        tpu.enqueue_indirect_dma source(%arg10 : memref<64x128xf32, #tpu.memory_space<vmem>>) target(%dma_start3A_320 : memref<10112x128xf32, #tpu.memory_space<vmem_shared>>) offsets(%dma_start3A_317 : memref<64xi32, #tpu.memory_space<vmem>>) semaphore(%run_scoped3A : memref<!tpu.dma_semaphore, #tpu.memory_space<semaphore_mem>>) {add = true}
        %dma_wait3A_321 = arith.constant 0 : i32
        %dma_wait3A_322 = tpu.memref_slice %arg7[%add3A_282, %dma_wait3A_321] : memref<32x64xi32, #tpu.memory_space<vmem>> -> memref<1x64xi32, #tpu.memory_space<vmem>>
        %dma_wait3A_323 = tpu.memref_squeeze %dma_wait3A_322 : memref<1x64xi32, #tpu.memory_space<vmem>> -> memref<64xi32, #tpu.memory_space<vmem>>
        %dma_wait3A_324 = arith.constant 0 : i32
        %dma_wait3A_325 = arith.constant 0 : i32
        %dma_wait3A_326 = tpu.memref_slice %arg12[%dma_wait3A_324, %dma_wait3A_325] : memref<10112x128xf32, #tpu.memory_space<vmem_shared>> -> memref<10112x128xf32, #tpu.memory_space<vmem_shared>>
        tpu.wait_indirect_dma semaphore(%run_scoped3A : memref<!tpu.dma_semaphore, #tpu.memory_space<semaphore_mem>>) src(%arg10 : memref<64x128xf32, #tpu.memory_space<vmem>>) dst(%dma_wait3A_326 : memref<10112x128xf32, #tpu.memory_space<vmem_shared>>)
        tpu.yield
      }) : () -> ()
      %add3A_290 = arith.constant 4 : i32
      %add3A_291 = arith.addi %add3A_282, %add3A_290 : i32
      %lt3A_292 = arith.constant 32 : i32
      %lt3A_293 = arith.cmpi slt, %add3A_291, %lt3A_292 : i32
      %convert_element_type3A_294 = arith.extui %lt3A_293 : i1 to i32
      %cond3A_295 = arith.constant 0 : i32
      %cond3A_296 = arith.cmpi ne, %convert_element_type3A_294, %cond3A_295 : i32
      scf.if %cond3A_296 {
        %add3A_315 = arith.constant 4 : i32
        %add3A_316 = arith.addi %add3A_282, %add3A_315 : i32
        %dma_start3A_317 = arith.constant 0 : i32
        %dma_start3A_318 = tpu.memref_slice %arg6[%add3A_316, %dma_start3A_317] : memref<32x64xi32, #tpu.memory_space<vmem>> -> memref<1x64xi32, #tpu.memory_space<vmem>>
        %dma_start3A_319 = tpu.memref_squeeze %dma_start3A_318 : memref<1x64xi32, #tpu.memory_space<vmem>> -> memref<64xi32, #tpu.memory_space<vmem>>
        %dma_start3A_320 = arith.constant 0 : i32
        %dma_start3A_321 = arith.constant 0 : i32
        %dma_start3A_322 = tpu.memref_slice %arg4[%dma_start3A_320, %dma_start3A_321] : memref<10112x128xf32, #tpu.memory_space<hbm>> -> memref<10112x128xf32, #tpu.memory_space<hbm>>
        tpu.enqueue_indirect_dma source(%dma_start3A_322 : memref<10112x128xf32, #tpu.memory_space<hbm>>) target(%arg10 : memref<64x128xf32, #tpu.memory_space<vmem>>) offsets(%dma_start3A_319 : memref<64xi32, #tpu.memory_space<vmem>>) semaphore(%arg15 : memref<!tpu.dma_semaphore, #tpu.memory_space<semaphore_mem>>)
      } else {
      }
      %mul3A_297 = arith.constant 4 : i32
      %mul3A_298 = arith.muli %mul3A_297, %scan3A_246 : i32
      %add3A_299 = arith.constant 3 : i32
      %add3A_300 = arith.addi %mul3A_298, %add3A_299 : i32
      %dma_wait3A_301 = arith.constant 0 : i32
      %dma_wait3A_302 = arith.constant 0 : i32
      %dma_wait3A_303 = tpu.memref_slice %arg6[%dma_wait3A_301, %dma_wait3A_302] : memref<32x64xi32, #tpu.memory_space<vmem>> -> memref<1x64xi32, #tpu.memory_space<vmem>>
      %dma_wait3A_304 = tpu.memref_squeeze %dma_wait3A_303 : memref<1x64xi32, #tpu.memory_space<vmem>> -> memref<64xi32, #tpu.memory_space<vmem>>
      %dma_wait3A_305 = arith.constant 0 : i32
      %dma_wait3A_306 = arith.constant 0 : i32
      %dma_wait3A_307 = tpu.memref_slice %arg4[%dma_wait3A_305, %dma_wait3A_306] : memref<10112x128xf32, #tpu.memory_space<hbm>> -> memref<10112x128xf32, #tpu.memory_space<hbm>>
      tpu.wait_indirect_dma semaphore(%arg16 : memref<!tpu.dma_semaphore, #tpu.memory_space<semaphore_mem>>) src(%dma_wait3A_307 : memref<10112x128xf32, #tpu.memory_space<hbm>>) dst(%arg11 : memref<64x128xf32, #tpu.memory_space<vmem>>)
      "tpu.region"() ({
        %run_scoped3A = tpu.sem_alloc : memref<!tpu.dma_semaphore, #tpu.memory_space<semaphore_mem>>
        %dma_start3A_315 = arith.constant 0 : i32
        %dma_start3A_316 = tpu.memref_slice %arg7[%add3A_300, %dma_start3A_315] : memref<32x64xi32, #tpu.memory_space<vmem>> -> memref<1x64xi32, #tpu.memory_space<vmem>>
        %dma_start3A_317 = tpu.memref_squeeze %dma_start3A_316 : memref<1x64xi32, #tpu.memory_space<vmem>> -> memref<64xi32, #tpu.memory_space<vmem>>
        %dma_start3A_318 = arith.constant 0 : i32
        %dma_start3A_319 = arith.constant 0 : i32
        %dma_start3A_320 = tpu.memref_slice %arg12[%dma_start3A_318, %dma_start3A_319] : memref<10112x128xf32, #tpu.memory_space<vmem_shared>> -> memref<10112x128xf32, #tpu.memory_space<vmem_shared>>
        tpu.enqueue_indirect_dma source(%arg11 : memref<64x128xf32, #tpu.memory_space<vmem>>) target(%dma_start3A_320 : memref<10112x128xf32, #tpu.memory_space<vmem_shared>>) offsets(%dma_start3A_317 : memref<64xi32, #tpu.memory_space<vmem>>) semaphore(%run_scoped3A : memref<!tpu.dma_semaphore, #tpu.memory_space<semaphore_mem>>) {add = true}
        %dma_wait3A_321 = arith.constant 0 : i32
        %dma_wait3A_322 = tpu.memref_slice %arg7[%add3A_300, %dma_wait3A_321] : memref<32x64xi32, #tpu.memory_space<vmem>> -> memref<1x64xi32, #tpu.memory_space<vmem>>
        %dma_wait3A_323 = tpu.memref_squeeze %dma_wait3A_322 : memref<1x64xi32, #tpu.memory_space<vmem>> -> memref<64xi32, #tpu.memory_space<vmem>>
        %dma_wait3A_324 = arith.constant 0 : i32
        %dma_wait3A_325 = arith.constant 0 : i32
        %dma_wait3A_326 = tpu.memref_slice %arg12[%dma_wait3A_324, %dma_wait3A_325] : memref<10112x128xf32, #tpu.memory_space<vmem_shared>> -> memref<10112x128xf32, #tpu.memory_space<vmem_shared>>
        tpu.wait_indirect_dma semaphore(%run_scoped3A : memref<!tpu.dma_semaphore, #tpu.memory_space<semaphore_mem>>) src(%arg11 : memref<64x128xf32, #tpu.memory_space<vmem>>) dst(%dma_wait3A_326 : memref<10112x128xf32, #tpu.memory_space<vmem_shared>>)
        tpu.yield
      }) : () -> ()
      %add3A_308 = arith.constant 4 : i32
      %add3A_309 = arith.addi %add3A_300, %add3A_308 : i32
      %lt3A_310 = arith.constant 32 : i32
      %lt3A_311 = arith.cmpi slt, %add3A_309, %lt3A_310 : i32
      %convert_element_type3A_312 = arith.extui %lt3A_311 : i1 to i32
      %cond3A_313 = arith.constant 0 : i32
      %cond3A_314 = arith.cmpi ne, %convert_element_type3A_312, %cond3A_313 : i32
      scf.if %cond3A_314 {
        %add3A_315 = arith.constant 4 : i32
        %add3A_316 = arith.addi %add3A_300, %add3A_315 : i32
        %dma_start3A_317 = arith.constant 0 : i32
        %dma_start3A_318 = tpu.memref_slice %arg6[%add3A_316, %dma_start3A_317] : memref<32x64xi32, #tpu.memory_space<vmem>> -> memref<1x64xi32, #tpu.memory_space<vmem>>
        %dma_start3A_319 = tpu.memref_squeeze %dma_start3A_318 : memref<1x64xi32, #tpu.memory_space<vmem>> -> memref<64xi32, #tpu.memory_space<vmem>>
        %dma_start3A_320 = arith.constant 0 : i32
        %dma_start3A_321 = arith.constant 0 : i32
        %dma_start3A_322 = tpu.memref_slice %arg4[%dma_start3A_320, %dma_start3A_321] : memref<10112x128xf32, #tpu.memory_space<hbm>> -> memref<10112x128xf32, #tpu.memory_space<hbm>>
        tpu.enqueue_indirect_dma source(%dma_start3A_322 : memref<10112x128xf32, #tpu.memory_space<hbm>>) target(%arg11 : memref<64x128xf32, #tpu.memory_space<vmem>>) offsets(%dma_start3A_319 : memref<64xi32, #tpu.memory_space<vmem>>) semaphore(%arg16 : memref<!tpu.dma_semaphore, #tpu.memory_space<semaphore_mem>>)
      } else {
      }
    }
    %scan3A_123 = arith.constant 8 : i32
    %add3A_124 = arith.constant 64 : i32
    %add3A_125 = arith.addi %mul3A_48, %add3A_124 : i32
    "tpu.region"() ({
      %run_scoped3A = tpu.sem_alloc : memref<!tpu.dma_semaphore, #tpu.memory_space<semaphore_mem>>
      %dma_start3A_246 = arith.constant 0 : i32
      %dma_start3A_247 = tpu.memref_slice %arg2[%add3A_125, %dma_start3A_246] : memref<5120x64xi32, #tpu.memory_space<hbm>> -> memref<32x64xi32, #tpu.memory_space<hbm>>
      %dma_start3A_248 = arith.constant 0 : i32
      %dma_start3A_249 = tpu.memref_slice %arg2[%add3A_125, %dma_start3A_248] : memref<5120x64xi32, #tpu.memory_space<hbm>> -> memref<32x64xi32, #tpu.memory_space<hbm>>
      tpu.enqueue_dma source(%dma_start3A_249 : memref<32x64xi32, #tpu.memory_space<hbm>>) target(%arg6 : memref<32x64xi32, #tpu.memory_space<vmem>>) target_semaphore(%run_scoped3A : memref<!tpu.dma_semaphore, #tpu.memory_space<semaphore_mem>>)
      %dma_wait3A = arith.constant 0 : i32
      %dma_wait3A_250 = tpu.memref_slice %arg2[%add3A_125, %dma_wait3A] : memref<5120x64xi32, #tpu.memory_space<hbm>> -> memref<32x64xi32, #tpu.memory_space<hbm>>
      %dma_wait3A_251 = arith.constant 0 : i32
      %dma_wait3A_252 = tpu.memref_slice %arg2[%add3A_125, %dma_wait3A_251] : memref<5120x64xi32, #tpu.memory_space<hbm>> -> memref<32x64xi32, #tpu.memory_space<hbm>>
      tpu.wait_dma2 semaphore(%run_scoped3A : memref<!tpu.dma_semaphore, #tpu.memory_space<semaphore_mem>>) src(%dma_wait3A_252 : memref<32x64xi32, #tpu.memory_space<hbm>>) dst(%arg6 : memref<32x64xi32, #tpu.memory_space<vmem>>)
      tpu.yield
    }) : () -> ()
    %add3A_126 = arith.constant 64 : i32
    %add3A_127 = arith.addi %mul3A_48, %add3A_126 : i32
    "tpu.region"() ({
      %run_scoped3A = tpu.sem_alloc : memref<!tpu.dma_semaphore, #tpu.memory_space<semaphore_mem>>
      %dma_start3A_246 = arith.constant 0 : i32
      %dma_start3A_247 = tpu.memref_slice %arg3[%add3A_127, %dma_start3A_246] : memref<5120x64xi32, #tpu.memory_space<hbm>> -> memref<32x64xi32, #tpu.memory_space<hbm>>
      %dma_start3A_248 = arith.constant 0 : i32
      %dma_start3A_249 = tpu.memref_slice %arg3[%add3A_127, %dma_start3A_248] : memref<5120x64xi32, #tpu.memory_space<hbm>> -> memref<32x64xi32, #tpu.memory_space<hbm>>
      tpu.enqueue_dma source(%dma_start3A_249 : memref<32x64xi32, #tpu.memory_space<hbm>>) target(%arg7 : memref<32x64xi32, #tpu.memory_space<vmem>>) target_semaphore(%run_scoped3A : memref<!tpu.dma_semaphore, #tpu.memory_space<semaphore_mem>>)
      %dma_wait3A = arith.constant 0 : i32
      %dma_wait3A_250 = tpu.memref_slice %arg3[%add3A_127, %dma_wait3A] : memref<5120x64xi32, #tpu.memory_space<hbm>> -> memref<32x64xi32, #tpu.memory_space<hbm>>
      %dma_wait3A_251 = arith.constant 0 : i32
      %dma_wait3A_252 = tpu.memref_slice %arg3[%add3A_127, %dma_wait3A_251] : memref<5120x64xi32, #tpu.memory_space<hbm>> -> memref<32x64xi32, #tpu.memory_space<hbm>>
      tpu.wait_dma2 semaphore(%run_scoped3A : memref<!tpu.dma_semaphore, #tpu.memory_space<semaphore_mem>>) src(%dma_wait3A_252 : memref<32x64xi32, #tpu.memory_space<hbm>>) dst(%arg7 : memref<32x64xi32, #tpu.memory_space<vmem>>)
      tpu.yield
    }) : () -> ()
    %dma_start3A_128 = arith.constant 0 : i32
    %dma_start3A_129 = arith.constant 0 : i32
    %dma_start3A_130 = tpu.memref_slice %arg6[%dma_start3A_128, %dma_start3A_129] : memref<32x64xi32, #tpu.memory_space<vmem>> -> memref<1x64xi32, #tpu.memory_space<vmem>>
    %dma_start3A_131 = tpu.memref_squeeze %dma_start3A_130 : memref<1x64xi32, #tpu.memory_space<vmem>> -> memref<64xi32, #tpu.memory_space<vmem>>
    %dma_start3A_132 = arith.constant 0 : i32
    %dma_start3A_133 = arith.constant 0 : i32
    %dma_start3A_134 = tpu.memref_slice %arg4[%dma_start3A_132, %dma_start3A_133] : memref<10112x128xf32, #tpu.memory_space<hbm>> -> memref<10112x128xf32, #tpu.memory_space<hbm>>
    tpu.enqueue_indirect_dma source(%dma_start3A_134 : memref<10112x128xf32, #tpu.memory_space<hbm>>) target(%arg8 : memref<64x128xf32, #tpu.memory_space<vmem>>) offsets(%dma_start3A_131 : memref<64xi32, #tpu.memory_space<vmem>>) semaphore(%arg13 : memref<!tpu.dma_semaphore, #tpu.memory_space<semaphore_mem>>)
    %dma_start3A_135 = arith.constant 1 : i32
    %dma_start3A_136 = arith.constant 0 : i32
    %dma_start3A_137 = tpu.memref_slice %arg6[%dma_start3A_135, %dma_start3A_136] : memref<32x64xi32, #tpu.memory_space<vmem>> -> memref<1x64xi32, #tpu.memory_space<vmem>>
    %dma_start3A_138 = tpu.memref_squeeze %dma_start3A_137 : memref<1x64xi32, #tpu.memory_space<vmem>> -> memref<64xi32, #tpu.memory_space<vmem>>
    %dma_start3A_139 = arith.constant 0 : i32
    %dma_start3A_140 = arith.constant 0 : i32
    %dma_start3A_141 = tpu.memref_slice %arg4[%dma_start3A_139, %dma_start3A_140] : memref<10112x128xf32, #tpu.memory_space<hbm>> -> memref<10112x128xf32, #tpu.memory_space<hbm>>
    tpu.enqueue_indirect_dma source(%dma_start3A_141 : memref<10112x128xf32, #tpu.memory_space<hbm>>) target(%arg9 : memref<64x128xf32, #tpu.memory_space<vmem>>) offsets(%dma_start3A_138 : memref<64xi32, #tpu.memory_space<vmem>>) semaphore(%arg14 : memref<!tpu.dma_semaphore, #tpu.memory_space<semaphore_mem>>)
    %dma_start3A_142 = arith.constant 2 : i32
    %dma_start3A_143 = arith.constant 0 : i32
    %dma_start3A_144 = tpu.memref_slice %arg6[%dma_start3A_142, %dma_start3A_143] : memref<32x64xi32, #tpu.memory_space<vmem>> -> memref<1x64xi32, #tpu.memory_space<vmem>>
    %dma_start3A_145 = tpu.memref_squeeze %dma_start3A_144 : memref<1x64xi32, #tpu.memory_space<vmem>> -> memref<64xi32, #tpu.memory_space<vmem>>
    %dma_start3A_146 = arith.constant 0 : i32
    %dma_start3A_147 = arith.constant 0 : i32
    %dma_start3A_148 = tpu.memref_slice %arg4[%dma_start3A_146, %dma_start3A_147] : memref<10112x128xf32, #tpu.memory_space<hbm>> -> memref<10112x128xf32, #tpu.memory_space<hbm>>
    tpu.enqueue_indirect_dma source(%dma_start3A_148 : memref<10112x128xf32, #tpu.memory_space<hbm>>) target(%arg10 : memref<64x128xf32, #tpu.memory_space<vmem>>) offsets(%dma_start3A_145 : memref<64xi32, #tpu.memory_space<vmem>>) semaphore(%arg15 : memref<!tpu.dma_semaphore, #tpu.memory_space<semaphore_mem>>)
    %dma_start3A_149 = arith.constant 3 : i32
    %dma_start3A_150 = arith.constant 0 : i32
    %dma_start3A_151 = tpu.memref_slice %arg6[%dma_start3A_149, %dma_start3A_150] : memref<32x64xi32, #tpu.memory_space<vmem>> -> memref<1x64xi32, #tpu.memory_space<vmem>>
    %dma_start3A_152 = tpu.memref_squeeze %dma_start3A_151 : memref<1x64xi32, #tpu.memory_space<vmem>> -> memref<64xi32, #tpu.memory_space<vmem>>
    %dma_start3A_153 = arith.constant 0 : i32
    %dma_start3A_154 = arith.constant 0 : i32
    %dma_start3A_155 = tpu.memref_slice %arg4[%dma_start3A_153, %dma_start3A_154] : memref<10112x128xf32, #tpu.memory_space<hbm>> -> memref<10112x128xf32, #tpu.memory_space<hbm>>
    tpu.enqueue_indirect_dma source(%dma_start3A_155 : memref<10112x128xf32, #tpu.memory_space<hbm>>) target(%arg11 : memref<64x128xf32, #tpu.memory_space<vmem>>) offsets(%dma_start3A_152 : memref<64xi32, #tpu.memory_space<vmem>>) semaphore(%arg16 : memref<!tpu.dma_semaphore, #tpu.memory_space<semaphore_mem>>)
    %scan3A_156 = arith.constant 0 : i32
    %scan3A_157 = arith.constant 0 : i32
    %scan3A_158 = arith.constant 8 : i32
    %scan3A_159 = arith.addi %scan3A_157, %scan3A_158 : i32
    %scan3A_160 = arith.constant 1 : i32
    scf.for %scan3A_246 = %scan3A_157 to %scan3A_159 step %scan3A_160  : i32 {
      %mul3A_247 = arith.constant 4 : i32
      %mul3A_248 = arith.muli %mul3A_247, %scan3A_246 : i32
      %add3A_249 = arith.constant 0 : i32
      %add3A_250 = arith.addi %mul3A_248, %add3A_249 : i32
      %dma_wait3A = arith.constant 0 : i32
      %dma_wait3A_251 = arith.constant 0 : i32
      %dma_wait3A_252 = tpu.memref_slice %arg6[%dma_wait3A, %dma_wait3A_251] : memref<32x64xi32, #tpu.memory_space<vmem>> -> memref<1x64xi32, #tpu.memory_space<vmem>>
      %dma_wait3A_253 = tpu.memref_squeeze %dma_wait3A_252 : memref<1x64xi32, #tpu.memory_space<vmem>> -> memref<64xi32, #tpu.memory_space<vmem>>
      %dma_wait3A_254 = arith.constant 0 : i32
      %dma_wait3A_255 = arith.constant 0 : i32
      %dma_wait3A_256 = tpu.memref_slice %arg4[%dma_wait3A_254, %dma_wait3A_255] : memref<10112x128xf32, #tpu.memory_space<hbm>> -> memref<10112x128xf32, #tpu.memory_space<hbm>>
      tpu.wait_indirect_dma semaphore(%arg13 : memref<!tpu.dma_semaphore, #tpu.memory_space<semaphore_mem>>) src(%dma_wait3A_256 : memref<10112x128xf32, #tpu.memory_space<hbm>>) dst(%arg8 : memref<64x128xf32, #tpu.memory_space<vmem>>)
      "tpu.region"() ({
        %run_scoped3A = tpu.sem_alloc : memref<!tpu.dma_semaphore, #tpu.memory_space<semaphore_mem>>
        %dma_start3A_315 = arith.constant 0 : i32
        %dma_start3A_316 = tpu.memref_slice %arg7[%add3A_250, %dma_start3A_315] : memref<32x64xi32, #tpu.memory_space<vmem>> -> memref<1x64xi32, #tpu.memory_space<vmem>>
        %dma_start3A_317 = tpu.memref_squeeze %dma_start3A_316 : memref<1x64xi32, #tpu.memory_space<vmem>> -> memref<64xi32, #tpu.memory_space<vmem>>
        %dma_start3A_318 = arith.constant 0 : i32
        %dma_start3A_319 = arith.constant 0 : i32
        %dma_start3A_320 = tpu.memref_slice %arg12[%dma_start3A_318, %dma_start3A_319] : memref<10112x128xf32, #tpu.memory_space<vmem_shared>> -> memref<10112x128xf32, #tpu.memory_space<vmem_shared>>
        tpu.enqueue_indirect_dma source(%arg8 : memref<64x128xf32, #tpu.memory_space<vmem>>) target(%dma_start3A_320 : memref<10112x128xf32, #tpu.memory_space<vmem_shared>>) offsets(%dma_start3A_317 : memref<64xi32, #tpu.memory_space<vmem>>) semaphore(%run_scoped3A : memref<!tpu.dma_semaphore, #tpu.memory_space<semaphore_mem>>) {add = true}
        %dma_wait3A_321 = arith.constant 0 : i32
        %dma_wait3A_322 = tpu.memref_slice %arg7[%add3A_250, %dma_wait3A_321] : memref<32x64xi32, #tpu.memory_space<vmem>> -> memref<1x64xi32, #tpu.memory_space<vmem>>
        %dma_wait3A_323 = tpu.memref_squeeze %dma_wait3A_322 : memref<1x64xi32, #tpu.memory_space<vmem>> -> memref<64xi32, #tpu.memory_space<vmem>>
        %dma_wait3A_324 = arith.constant 0 : i32
        %dma_wait3A_325 = arith.constant 0 : i32
        %dma_wait3A_326 = tpu.memref_slice %arg12[%dma_wait3A_324, %dma_wait3A_325] : memref<10112x128xf32, #tpu.memory_space<vmem_shared>> -> memref<10112x128xf32, #tpu.memory_space<vmem_shared>>
        tpu.wait_indirect_dma semaphore(%run_scoped3A : memref<!tpu.dma_semaphore, #tpu.memory_space<semaphore_mem>>) src(%arg8 : memref<64x128xf32, #tpu.memory_space<vmem>>) dst(%dma_wait3A_326 : memref<10112x128xf32, #tpu.memory_space<vmem_shared>>)
        tpu.yield
      }) : () -> ()
      %add3A_257 = arith.constant 4 : i32
      %add3A_258 = arith.addi %add3A_250, %add3A_257 : i32
      %lt3A = arith.constant 32 : i32
      %lt3A_259 = arith.cmpi slt, %add3A_258, %lt3A : i32
      %convert_element_type3A = arith.extui %lt3A_259 : i1 to i32
      %cond3A = arith.constant 0 : i32
      %cond3A_260 = arith.cmpi ne, %convert_element_type3A, %cond3A : i32
      scf.if %cond3A_260 {
        %add3A_315 = arith.constant 4 : i32
        %add3A_316 = arith.addi %add3A_250, %add3A_315 : i32
        %dma_start3A_317 = arith.constant 0 : i32
        %dma_start3A_318 = tpu.memref_slice %arg6[%add3A_316, %dma_start3A_317] : memref<32x64xi32, #tpu.memory_space<vmem>> -> memref<1x64xi32, #tpu.memory_space<vmem>>
        %dma_start3A_319 = tpu.memref_squeeze %dma_start3A_318 : memref<1x64xi32, #tpu.memory_space<vmem>> -> memref<64xi32, #tpu.memory_space<vmem>>
        %dma_start3A_320 = arith.constant 0 : i32
        %dma_start3A_321 = arith.constant 0 : i32
        %dma_start3A_322 = tpu.memref_slice %arg4[%dma_start3A_320, %dma_start3A_321] : memref<10112x128xf32, #tpu.memory_space<hbm>> -> memref<10112x128xf32, #tpu.memory_space<hbm>>
        tpu.enqueue_indirect_dma source(%dma_start3A_322 : memref<10112x128xf32, #tpu.memory_space<hbm>>) target(%arg8 : memref<64x128xf32, #tpu.memory_space<vmem>>) offsets(%dma_start3A_319 : memref<64xi32, #tpu.memory_space<vmem>>) semaphore(%arg13 : memref<!tpu.dma_semaphore, #tpu.memory_space<semaphore_mem>>)
      } else {
      }
      %mul3A_261 = arith.constant 4 : i32
      %mul3A_262 = arith.muli %mul3A_261, %scan3A_246 : i32
      %add3A_263 = arith.constant 1 : i32
      %add3A_264 = arith.addi %mul3A_262, %add3A_263 : i32
      %dma_wait3A_265 = arith.constant 0 : i32
      %dma_wait3A_266 = arith.constant 0 : i32
      %dma_wait3A_267 = tpu.memref_slice %arg6[%dma_wait3A_265, %dma_wait3A_266] : memref<32x64xi32, #tpu.memory_space<vmem>> -> memref<1x64xi32, #tpu.memory_space<vmem>>
      %dma_wait3A_268 = tpu.memref_squeeze %dma_wait3A_267 : memref<1x64xi32, #tpu.memory_space<vmem>> -> memref<64xi32, #tpu.memory_space<vmem>>
      %dma_wait3A_269 = arith.constant 0 : i32
      %dma_wait3A_270 = arith.constant 0 : i32
      %dma_wait3A_271 = tpu.memref_slice %arg4[%dma_wait3A_269, %dma_wait3A_270] : memref<10112x128xf32, #tpu.memory_space<hbm>> -> memref<10112x128xf32, #tpu.memory_space<hbm>>
      tpu.wait_indirect_dma semaphore(%arg14 : memref<!tpu.dma_semaphore, #tpu.memory_space<semaphore_mem>>) src(%dma_wait3A_271 : memref<10112x128xf32, #tpu.memory_space<hbm>>) dst(%arg9 : memref<64x128xf32, #tpu.memory_space<vmem>>)
      "tpu.region"() ({
        %run_scoped3A = tpu.sem_alloc : memref<!tpu.dma_semaphore, #tpu.memory_space<semaphore_mem>>
        %dma_start3A_315 = arith.constant 0 : i32
        %dma_start3A_316 = tpu.memref_slice %arg7[%add3A_264, %dma_start3A_315] : memref<32x64xi32, #tpu.memory_space<vmem>> -> memref<1x64xi32, #tpu.memory_space<vmem>>
        %dma_start3A_317 = tpu.memref_squeeze %dma_start3A_316 : memref<1x64xi32, #tpu.memory_space<vmem>> -> memref<64xi32, #tpu.memory_space<vmem>>
        %dma_start3A_318 = arith.constant 0 : i32
        %dma_start3A_319 = arith.constant 0 : i32
        %dma_start3A_320 = tpu.memref_slice %arg12[%dma_start3A_318, %dma_start3A_319] : memref<10112x128xf32, #tpu.memory_space<vmem_shared>> -> memref<10112x128xf32, #tpu.memory_space<vmem_shared>>
        tpu.enqueue_indirect_dma source(%arg9 : memref<64x128xf32, #tpu.memory_space<vmem>>) target(%dma_start3A_320 : memref<10112x128xf32, #tpu.memory_space<vmem_shared>>) offsets(%dma_start3A_317 : memref<64xi32, #tpu.memory_space<vmem>>) semaphore(%run_scoped3A : memref<!tpu.dma_semaphore, #tpu.memory_space<semaphore_mem>>) {add = true}
        %dma_wait3A_321 = arith.constant 0 : i32
        %dma_wait3A_322 = tpu.memref_slice %arg7[%add3A_264, %dma_wait3A_321] : memref<32x64xi32, #tpu.memory_space<vmem>> -> memref<1x64xi32, #tpu.memory_space<vmem>>
        %dma_wait3A_323 = tpu.memref_squeeze %dma_wait3A_322 : memref<1x64xi32, #tpu.memory_space<vmem>> -> memref<64xi32, #tpu.memory_space<vmem>>
        %dma_wait3A_324 = arith.constant 0 : i32
        %dma_wait3A_325 = arith.constant 0 : i32
        %dma_wait3A_326 = tpu.memref_slice %arg12[%dma_wait3A_324, %dma_wait3A_325] : memref<10112x128xf32, #tpu.memory_space<vmem_shared>> -> memref<10112x128xf32, #tpu.memory_space<vmem_shared>>
        tpu.wait_indirect_dma semaphore(%run_scoped3A : memref<!tpu.dma_semaphore, #tpu.memory_space<semaphore_mem>>) src(%arg9 : memref<64x128xf32, #tpu.memory_space<vmem>>) dst(%dma_wait3A_326 : memref<10112x128xf32, #tpu.memory_space<vmem_shared>>)
        tpu.yield
      }) : () -> ()
      %add3A_272 = arith.constant 4 : i32
      %add3A_273 = arith.addi %add3A_264, %add3A_272 : i32
      %lt3A_274 = arith.constant 32 : i32
      %lt3A_275 = arith.cmpi slt, %add3A_273, %lt3A_274 : i32
      %convert_element_type3A_276 = arith.extui %lt3A_275 : i1 to i32
      %cond3A_277 = arith.constant 0 : i32
      %cond3A_278 = arith.cmpi ne, %convert_element_type3A_276, %cond3A_277 : i32
      scf.if %cond3A_278 {
        %add3A_315 = arith.constant 4 : i32
        %add3A_316 = arith.addi %add3A_264, %add3A_315 : i32
        %dma_start3A_317 = arith.constant 0 : i32
        %dma_start3A_318 = tpu.memref_slice %arg6[%add3A_316, %dma_start3A_317] : memref<32x64xi32, #tpu.memory_space<vmem>> -> memref<1x64xi32, #tpu.memory_space<vmem>>
        %dma_start3A_319 = tpu.memref_squeeze %dma_start3A_318 : memref<1x64xi32, #tpu.memory_space<vmem>> -> memref<64xi32, #tpu.memory_space<vmem>>
        %dma_start3A_320 = arith.constant 0 : i32
        %dma_start3A_321 = arith.constant 0 : i32
        %dma_start3A_322 = tpu.memref_slice %arg4[%dma_start3A_320, %dma_start3A_321] : memref<10112x128xf32, #tpu.memory_space<hbm>> -> memref<10112x128xf32, #tpu.memory_space<hbm>>
        tpu.enqueue_indirect_dma source(%dma_start3A_322 : memref<10112x128xf32, #tpu.memory_space<hbm>>) target(%arg9 : memref<64x128xf32, #tpu.memory_space<vmem>>) offsets(%dma_start3A_319 : memref<64xi32, #tpu.memory_space<vmem>>) semaphore(%arg14 : memref<!tpu.dma_semaphore, #tpu.memory_space<semaphore_mem>>)
      } else {
      }
      %mul3A_279 = arith.constant 4 : i32
      %mul3A_280 = arith.muli %mul3A_279, %scan3A_246 : i32
      %add3A_281 = arith.constant 2 : i32
      %add3A_282 = arith.addi %mul3A_280, %add3A_281 : i32
      %dma_wait3A_283 = arith.constant 0 : i32
      %dma_wait3A_284 = arith.constant 0 : i32
      %dma_wait3A_285 = tpu.memref_slice %arg6[%dma_wait3A_283, %dma_wait3A_284] : memref<32x64xi32, #tpu.memory_space<vmem>> -> memref<1x64xi32, #tpu.memory_space<vmem>>
      %dma_wait3A_286 = tpu.memref_squeeze %dma_wait3A_285 : memref<1x64xi32, #tpu.memory_space<vmem>> -> memref<64xi32, #tpu.memory_space<vmem>>
      %dma_wait3A_287 = arith.constant 0 : i32
      %dma_wait3A_288 = arith.constant 0 : i32
      %dma_wait3A_289 = tpu.memref_slice %arg4[%dma_wait3A_287, %dma_wait3A_288] : memref<10112x128xf32, #tpu.memory_space<hbm>> -> memref<10112x128xf32, #tpu.memory_space<hbm>>
      tpu.wait_indirect_dma semaphore(%arg15 : memref<!tpu.dma_semaphore, #tpu.memory_space<semaphore_mem>>) src(%dma_wait3A_289 : memref<10112x128xf32, #tpu.memory_space<hbm>>) dst(%arg10 : memref<64x128xf32, #tpu.memory_space<vmem>>)
      "tpu.region"() ({
        %run_scoped3A = tpu.sem_alloc : memref<!tpu.dma_semaphore, #tpu.memory_space<semaphore_mem>>
        %dma_start3A_315 = arith.constant 0 : i32
        %dma_start3A_316 = tpu.memref_slice %arg7[%add3A_282, %dma_start3A_315] : memref<32x64xi32, #tpu.memory_space<vmem>> -> memref<1x64xi32, #tpu.memory_space<vmem>>
        %dma_start3A_317 = tpu.memref_squeeze %dma_start3A_316 : memref<1x64xi32, #tpu.memory_space<vmem>> -> memref<64xi32, #tpu.memory_space<vmem>>
        %dma_start3A_318 = arith.constant 0 : i32
        %dma_start3A_319 = arith.constant 0 : i32
        %dma_start3A_320 = tpu.memref_slice %arg12[%dma_start3A_318, %dma_start3A_319] : memref<10112x128xf32, #tpu.memory_space<vmem_shared>> -> memref<10112x128xf32, #tpu.memory_space<vmem_shared>>
        tpu.enqueue_indirect_dma source(%arg10 : memref<64x128xf32, #tpu.memory_space<vmem>>) target(%dma_start3A_320 : memref<10112x128xf32, #tpu.memory_space<vmem_shared>>) offsets(%dma_start3A_317 : memref<64xi32, #tpu.memory_space<vmem>>) semaphore(%run_scoped3A : memref<!tpu.dma_semaphore, #tpu.memory_space<semaphore_mem>>) {add = true}
        %dma_wait3A_321 = arith.constant 0 : i32
        %dma_wait3A_322 = tpu.memref_slice %arg7[%add3A_282, %dma_wait3A_321] : memref<32x64xi32, #tpu.memory_space<vmem>> -> memref<1x64xi32, #tpu.memory_space<vmem>>
        %dma_wait3A_323 = tpu.memref_squeeze %dma_wait3A_322 : memref<1x64xi32, #tpu.memory_space<vmem>> -> memref<64xi32, #tpu.memory_space<vmem>>
        %dma_wait3A_324 = arith.constant 0 : i32
        %dma_wait3A_325 = arith.constant 0 : i32
        %dma_wait3A_326 = tpu.memref_slice %arg12[%dma_wait3A_324, %dma_wait3A_325] : memref<10112x128xf32, #tpu.memory_space<vmem_shared>> -> memref<10112x128xf32, #tpu.memory_space<vmem_shared>>
        tpu.wait_indirect_dma semaphore(%run_scoped3A : memref<!tpu.dma_semaphore, #tpu.memory_space<semaphore_mem>>) src(%arg10 : memref<64x128xf32, #tpu.memory_space<vmem>>) dst(%dma_wait3A_326 : memref<10112x128xf32, #tpu.memory_space<vmem_shared>>)
        tpu.yield
      }) : () -> ()
      %add3A_290 = arith.constant 4 : i32
      %add3A_291 = arith.addi %add3A_282, %add3A_290 : i32
      %lt3A_292 = arith.constant 32 : i32
      %lt3A_293 = arith.cmpi slt, %add3A_291, %lt3A_292 : i32
      %convert_element_type3A_294 = arith.extui %lt3A_293 : i1 to i32
      %cond3A_295 = arith.constant 0 : i32
      %cond3A_296 = arith.cmpi ne, %convert_element_type3A_294, %cond3A_295 : i32
      scf.if %cond3A_296 {
        %add3A_315 = arith.constant 4 : i32
        %add3A_316 = arith.addi %add3A_282, %add3A_315 : i32
        %dma_start3A_317 = arith.constant 0 : i32
        %dma_start3A_318 = tpu.memref_slice %arg6[%add3A_316, %dma_start3A_317] : memref<32x64xi32, #tpu.memory_space<vmem>> -> memref<1x64xi32, #tpu.memory_space<vmem>>
        %dma_start3A_319 = tpu.memref_squeeze %dma_start3A_318 : memref<1x64xi32, #tpu.memory_space<vmem>> -> memref<64xi32, #tpu.memory_space<vmem>>
        %dma_start3A_320 = arith.constant 0 : i32
        %dma_start3A_321 = arith.constant 0 : i32
        %dma_start3A_322 = tpu.memref_slice %arg4[%dma_start3A_320, %dma_start3A_321] : memref<10112x128xf32, #tpu.memory_space<hbm>> -> memref<10112x128xf32, #tpu.memory_space<hbm>>
        tpu.enqueue_indirect_dma source(%dma_start3A_322 : memref<10112x128xf32, #tpu.memory_space<hbm>>) target(%arg10 : memref<64x128xf32, #tpu.memory_space<vmem>>) offsets(%dma_start3A_319 : memref<64xi32, #tpu.memory_space<vmem>>) semaphore(%arg15 : memref<!tpu.dma_semaphore, #tpu.memory_space<semaphore_mem>>)
      } else {
      }
      %mul3A_297 = arith.constant 4 : i32
      %mul3A_298 = arith.muli %mul3A_297, %scan3A_246 : i32
      %add3A_299 = arith.constant 3 : i32
      %add3A_300 = arith.addi %mul3A_298, %add3A_299 : i32
      %dma_wait3A_301 = arith.constant 0 : i32
      %dma_wait3A_302 = arith.constant 0 : i32
      %dma_wait3A_303 = tpu.memref_slice %arg6[%dma_wait3A_301, %dma_wait3A_302] : memref<32x64xi32, #tpu.memory_space<vmem>> -> memref<1x64xi32, #tpu.memory_space<vmem>>
      %dma_wait3A_304 = tpu.memref_squeeze %dma_wait3A_303 : memref<1x64xi32, #tpu.memory_space<vmem>> -> memref<64xi32, #tpu.memory_space<vmem>>
      %dma_wait3A_305 = arith.constant 0 : i32
      %dma_wait3A_306 = arith.constant 0 : i32
      %dma_wait3A_307 = tpu.memref_slice %arg4[%dma_wait3A_305, %dma_wait3A_306] : memref<10112x128xf32, #tpu.memory_space<hbm>> -> memref<10112x128xf32, #tpu.memory_space<hbm>>
      tpu.wait_indirect_dma semaphore(%arg16 : memref<!tpu.dma_semaphore, #tpu.memory_space<semaphore_mem>>) src(%dma_wait3A_307 : memref<10112x128xf32, #tpu.memory_space<hbm>>) dst(%arg11 : memref<64x128xf32, #tpu.memory_space<vmem>>)
      "tpu.region"() ({
        %run_scoped3A = tpu.sem_alloc : memref<!tpu.dma_semaphore, #tpu.memory_space<semaphore_mem>>
        %dma_start3A_315 = arith.constant 0 : i32
        %dma_start3A_316 = tpu.memref_slice %arg7[%add3A_300, %dma_start3A_315] : memref<32x64xi32, #tpu.memory_space<vmem>> -> memref<1x64xi32, #tpu.memory_space<vmem>>
        %dma_start3A_317 = tpu.memref_squeeze %dma_start3A_316 : memref<1x64xi32, #tpu.memory_space<vmem>> -> memref<64xi32, #tpu.memory_space<vmem>>
        %dma_start3A_318 = arith.constant 0 : i32
        %dma_start3A_319 = arith.constant 0 : i32
        %dma_start3A_320 = tpu.memref_slice %arg12[%dma_start3A_318, %dma_start3A_319] : memref<10112x128xf32, #tpu.memory_space<vmem_shared>> -> memref<10112x128xf32, #tpu.memory_space<vmem_shared>>
        tpu.enqueue_indirect_dma source(%arg11 : memref<64x128xf32, #tpu.memory_space<vmem>>) target(%dma_start3A_320 : memref<10112x128xf32, #tpu.memory_space<vmem_shared>>) offsets(%dma_start3A_317 : memref<64xi32, #tpu.memory_space<vmem>>) semaphore(%run_scoped3A : memref<!tpu.dma_semaphore, #tpu.memory_space<semaphore_mem>>) {add = true}
        %dma_wait3A_321 = arith.constant 0 : i32
        %dma_wait3A_322 = tpu.memref_slice %arg7[%add3A_300, %dma_wait3A_321] : memref<32x64xi32, #tpu.memory_space<vmem>> -> memref<1x64xi32, #tpu.memory_space<vmem>>
        %dma_wait3A_323 = tpu.memref_squeeze %dma_wait3A_322 : memref<1x64xi32, #tpu.memory_space<vmem>> -> memref<64xi32, #tpu.memory_space<vmem>>
        %dma_wait3A_324 = arith.constant 0 : i32
        %dma_wait3A_325 = arith.constant 0 : i32
        %dma_wait3A_326 = tpu.memref_slice %arg12[%dma_wait3A_324, %dma_wait3A_325] : memref<10112x128xf32, #tpu.memory_space<vmem_shared>> -> memref<10112x128xf32, #tpu.memory_space<vmem_shared>>
        tpu.wait_indirect_dma semaphore(%run_scoped3A : memref<!tpu.dma_semaphore, #tpu.memory_space<semaphore_mem>>) src(%arg11 : memref<64x128xf32, #tpu.memory_space<vmem>>) dst(%dma_wait3A_326 : memref<10112x128xf32, #tpu.memory_space<vmem_shared>>)
        tpu.yield
      }) : () -> ()
      %add3A_308 = arith.constant 4 : i32
      %add3A_309 = arith.addi %add3A_300, %add3A_308 : i32
      %lt3A_310 = arith.constant 32 : i32
      %lt3A_311 = arith.cmpi slt, %add3A_309, %lt3A_310 : i32
      %convert_element_type3A_312 = arith.extui %lt3A_311 : i1 to i32
      %cond3A_313 = arith.constant 0 : i32
      %cond3A_314 = arith.cmpi ne, %convert_element_type3A_312, %cond3A_313 : i32
      scf.if %cond3A_314 {
        %add3A_315 = arith.constant 4 : i32
        %add3A_316 = arith.addi %add3A_300, %add3A_315 : i32
        %dma_start3A_317 = arith.constant 0 : i32
        %dma_start3A_318 = tpu.memref_slice %arg6[%add3A_316, %dma_start3A_317] : memref<32x64xi32, #tpu.memory_space<vmem>> -> memref<1x64xi32, #tpu.memory_space<vmem>>
        %dma_start3A_319 = tpu.memref_squeeze %dma_start3A_318 : memref<1x64xi32, #tpu.memory_space<vmem>> -> memref<64xi32, #tpu.memory_space<vmem>>
        %dma_start3A_320 = arith.constant 0 : i32
        %dma_start3A_321 = arith.constant 0 : i32
        %dma_start3A_322 = tpu.memref_slice %arg4[%dma_start3A_320, %dma_start3A_321] : memref<10112x128xf32, #tpu.memory_space<hbm>> -> memref<10112x128xf32, #tpu.memory_space<hbm>>
        tpu.enqueue_indirect_dma source(%dma_start3A_322 : memref<10112x128xf32, #tpu.memory_space<hbm>>) target(%arg11 : memref<64x128xf32, #tpu.memory_space<vmem>>) offsets(%dma_start3A_319 : memref<64xi32, #tpu.memory_space<vmem>>) semaphore(%arg16 : memref<!tpu.dma_semaphore, #tpu.memory_space<semaphore_mem>>)
      } else {
      }
    }
    %scan3A_161 = arith.constant 8 : i32
    %add3A_162 = arith.constant 96 : i32
    %add3A_163 = arith.addi %mul3A_48, %add3A_162 : i32
    "tpu.region"() ({
      %run_scoped3A = tpu.sem_alloc : memref<!tpu.dma_semaphore, #tpu.memory_space<semaphore_mem>>
      %dma_start3A_246 = arith.constant 0 : i32
      %dma_start3A_247 = tpu.memref_slice %arg2[%add3A_163, %dma_start3A_246] : memref<5120x64xi32, #tpu.memory_space<hbm>> -> memref<32x64xi32, #tpu.memory_space<hbm>>
      %dma_start3A_248 = arith.constant 0 : i32
      %dma_start3A_249 = tpu.memref_slice %arg2[%add3A_163, %dma_start3A_248] : memref<5120x64xi32, #tpu.memory_space<hbm>> -> memref<32x64xi32, #tpu.memory_space<hbm>>
      tpu.enqueue_dma source(%dma_start3A_249 : memref<32x64xi32, #tpu.memory_space<hbm>>) target(%arg6 : memref<32x64xi32, #tpu.memory_space<vmem>>) target_semaphore(%run_scoped3A : memref<!tpu.dma_semaphore, #tpu.memory_space<semaphore_mem>>)
      %dma_wait3A = arith.constant 0 : i32
      %dma_wait3A_250 = tpu.memref_slice %arg2[%add3A_163, %dma_wait3A] : memref<5120x64xi32, #tpu.memory_space<hbm>> -> memref<32x64xi32, #tpu.memory_space<hbm>>
      %dma_wait3A_251 = arith.constant 0 : i32
      %dma_wait3A_252 = tpu.memref_slice %arg2[%add3A_163, %dma_wait3A_251] : memref<5120x64xi32, #tpu.memory_space<hbm>> -> memref<32x64xi32, #tpu.memory_space<hbm>>
      tpu.wait_dma2 semaphore(%run_scoped3A : memref<!tpu.dma_semaphore, #tpu.memory_space<semaphore_mem>>) src(%dma_wait3A_252 : memref<32x64xi32, #tpu.memory_space<hbm>>) dst(%arg6 : memref<32x64xi32, #tpu.memory_space<vmem>>)
      tpu.yield
    }) : () -> ()
    %add3A_164 = arith.constant 96 : i32
    %add3A_165 = arith.addi %mul3A_48, %add3A_164 : i32
    "tpu.region"() ({
      %run_scoped3A = tpu.sem_alloc : memref<!tpu.dma_semaphore, #tpu.memory_space<semaphore_mem>>
      %dma_start3A_246 = arith.constant 0 : i32
      %dma_start3A_247 = tpu.memref_slice %arg3[%add3A_165, %dma_start3A_246] : memref<5120x64xi32, #tpu.memory_space<hbm>> -> memref<32x64xi32, #tpu.memory_space<hbm>>
      %dma_start3A_248 = arith.constant 0 : i32
      %dma_start3A_249 = tpu.memref_slice %arg3[%add3A_165, %dma_start3A_248] : memref<5120x64xi32, #tpu.memory_space<hbm>> -> memref<32x64xi32, #tpu.memory_space<hbm>>
      tpu.enqueue_dma source(%dma_start3A_249 : memref<32x64xi32, #tpu.memory_space<hbm>>) target(%arg7 : memref<32x64xi32, #tpu.memory_space<vmem>>) target_semaphore(%run_scoped3A : memref<!tpu.dma_semaphore, #tpu.memory_space<semaphore_mem>>)
      %dma_wait3A = arith.constant 0 : i32
      %dma_wait3A_250 = tpu.memref_slice %arg3[%add3A_165, %dma_wait3A] : memref<5120x64xi32, #tpu.memory_space<hbm>> -> memref<32x64xi32, #tpu.memory_space<hbm>>
      %dma_wait3A_251 = arith.constant 0 : i32
      %dma_wait3A_252 = tpu.memref_slice %arg3[%add3A_165, %dma_wait3A_251] : memref<5120x64xi32, #tpu.memory_space<hbm>> -> memref<32x64xi32, #tpu.memory_space<hbm>>
      tpu.wait_dma2 semaphore(%run_scoped3A : memref<!tpu.dma_semaphore, #tpu.memory_space<semaphore_mem>>) src(%dma_wait3A_252 : memref<32x64xi32, #tpu.memory_space<hbm>>) dst(%arg7 : memref<32x64xi32, #tpu.memory_space<vmem>>)
      tpu.yield
    }) : () -> ()
    %dma_start3A_166 = arith.constant 0 : i32
    %dma_start3A_167 = arith.constant 0 : i32
    %dma_start3A_168 = tpu.memref_slice %arg6[%dma_start3A_166, %dma_start3A_167] : memref<32x64xi32, #tpu.memory_space<vmem>> -> memref<1x64xi32, #tpu.memory_space<vmem>>
    %dma_start3A_169 = tpu.memref_squeeze %dma_start3A_168 : memref<1x64xi32, #tpu.memory_space<vmem>> -> memref<64xi32, #tpu.memory_space<vmem>>
    %dma_start3A_170 = arith.constant 0 : i32
    %dma_start3A_171 = arith.constant 0 : i32
    %dma_start3A_172 = tpu.memref_slice %arg4[%dma_start3A_170, %dma_start3A_171] : memref<10112x128xf32, #tpu.memory_space<hbm>> -> memref<10112x128xf32, #tpu.memory_space<hbm>>
    tpu.enqueue_indirect_dma source(%dma_start3A_172 : memref<10112x128xf32, #tpu.memory_space<hbm>>) target(%arg8 : memref<64x128xf32, #tpu.memory_space<vmem>>) offsets(%dma_start3A_169 : memref<64xi32, #tpu.memory_space<vmem>>) semaphore(%arg13 : memref<!tpu.dma_semaphore, #tpu.memory_space<semaphore_mem>>)
    %dma_start3A_173 = arith.constant 1 : i32
    %dma_start3A_174 = arith.constant 0 : i32
    %dma_start3A_175 = tpu.memref_slice %arg6[%dma_start3A_173, %dma_start3A_174] : memref<32x64xi32, #tpu.memory_space<vmem>> -> memref<1x64xi32, #tpu.memory_space<vmem>>
    %dma_start3A_176 = tpu.memref_squeeze %dma_start3A_175 : memref<1x64xi32, #tpu.memory_space<vmem>> -> memref<64xi32, #tpu.memory_space<vmem>>
    %dma_start3A_177 = arith.constant 0 : i32
    %dma_start3A_178 = arith.constant 0 : i32
    %dma_start3A_179 = tpu.memref_slice %arg4[%dma_start3A_177, %dma_start3A_178] : memref<10112x128xf32, #tpu.memory_space<hbm>> -> memref<10112x128xf32, #tpu.memory_space<hbm>>
    tpu.enqueue_indirect_dma source(%dma_start3A_179 : memref<10112x128xf32, #tpu.memory_space<hbm>>) target(%arg9 : memref<64x128xf32, #tpu.memory_space<vmem>>) offsets(%dma_start3A_176 : memref<64xi32, #tpu.memory_space<vmem>>) semaphore(%arg14 : memref<!tpu.dma_semaphore, #tpu.memory_space<semaphore_mem>>)
    %dma_start3A_180 = arith.constant 2 : i32
    %dma_start3A_181 = arith.constant 0 : i32
    %dma_start3A_182 = tpu.memref_slice %arg6[%dma_start3A_180, %dma_start3A_181] : memref<32x64xi32, #tpu.memory_space<vmem>> -> memref<1x64xi32, #tpu.memory_space<vmem>>
    %dma_start3A_183 = tpu.memref_squeeze %dma_start3A_182 : memref<1x64xi32, #tpu.memory_space<vmem>> -> memref<64xi32, #tpu.memory_space<vmem>>
    %dma_start3A_184 = arith.constant 0 : i32
    %dma_start3A_185 = arith.constant 0 : i32
    %dma_start3A_186 = tpu.memref_slice %arg4[%dma_start3A_184, %dma_start3A_185] : memref<10112x128xf32, #tpu.memory_space<hbm>> -> memref<10112x128xf32, #tpu.memory_space<hbm>>
    tpu.enqueue_indirect_dma source(%dma_start3A_186 : memref<10112x128xf32, #tpu.memory_space<hbm>>) target(%arg10 : memref<64x128xf32, #tpu.memory_space<vmem>>) offsets(%dma_start3A_183 : memref<64xi32, #tpu.memory_space<vmem>>) semaphore(%arg15 : memref<!tpu.dma_semaphore, #tpu.memory_space<semaphore_mem>>)
    %dma_start3A_187 = arith.constant 3 : i32
    %dma_start3A_188 = arith.constant 0 : i32
    %dma_start3A_189 = tpu.memref_slice %arg6[%dma_start3A_187, %dma_start3A_188] : memref<32x64xi32, #tpu.memory_space<vmem>> -> memref<1x64xi32, #tpu.memory_space<vmem>>
    %dma_start3A_190 = tpu.memref_squeeze %dma_start3A_189 : memref<1x64xi32, #tpu.memory_space<vmem>> -> memref<64xi32, #tpu.memory_space<vmem>>
    %dma_start3A_191 = arith.constant 0 : i32
    %dma_start3A_192 = arith.constant 0 : i32
    %dma_start3A_193 = tpu.memref_slice %arg4[%dma_start3A_191, %dma_start3A_192] : memref<10112x128xf32, #tpu.memory_space<hbm>> -> memref<10112x128xf32, #tpu.memory_space<hbm>>
    tpu.enqueue_indirect_dma source(%dma_start3A_193 : memref<10112x128xf32, #tpu.memory_space<hbm>>) target(%arg11 : memref<64x128xf32, #tpu.memory_space<vmem>>) offsets(%dma_start3A_190 : memref<64xi32, #tpu.memory_space<vmem>>) semaphore(%arg16 : memref<!tpu.dma_semaphore, #tpu.memory_space<semaphore_mem>>)
    %scan3A_194 = arith.constant 0 : i32
    %scan3A_195 = arith.constant 0 : i32
    %scan3A_196 = arith.constant 8 : i32
    %scan3A_197 = arith.addi %scan3A_195, %scan3A_196 : i32
    %scan3A_198 = arith.constant 1 : i32
    scf.for %scan3A_246 = %scan3A_195 to %scan3A_197 step %scan3A_198  : i32 {
      %mul3A_247 = arith.constant 4 : i32
      %mul3A_248 = arith.muli %mul3A_247, %scan3A_246 : i32
      %add3A_249 = arith.constant 0 : i32
      %add3A_250 = arith.addi %mul3A_248, %add3A_249 : i32
      %dma_wait3A = arith.constant 0 : i32
      %dma_wait3A_251 = arith.constant 0 : i32
      %dma_wait3A_252 = tpu.memref_slice %arg6[%dma_wait3A, %dma_wait3A_251] : memref<32x64xi32, #tpu.memory_space<vmem>> -> memref<1x64xi32, #tpu.memory_space<vmem>>
      %dma_wait3A_253 = tpu.memref_squeeze %dma_wait3A_252 : memref<1x64xi32, #tpu.memory_space<vmem>> -> memref<64xi32, #tpu.memory_space<vmem>>
      %dma_wait3A_254 = arith.constant 0 : i32
      %dma_wait3A_255 = arith.constant 0 : i32
      %dma_wait3A_256 = tpu.memref_slice %arg4[%dma_wait3A_254, %dma_wait3A_255] : memref<10112x128xf32, #tpu.memory_space<hbm>> -> memref<10112x128xf32, #tpu.memory_space<hbm>>
      tpu.wait_indirect_dma semaphore(%arg13 : memref<!tpu.dma_semaphore, #tpu.memory_space<semaphore_mem>>) src(%dma_wait3A_256 : memref<10112x128xf32, #tpu.memory_space<hbm>>) dst(%arg8 : memref<64x128xf32, #tpu.memory_space<vmem>>)
      "tpu.region"() ({
        %run_scoped3A = tpu.sem_alloc : memref<!tpu.dma_semaphore, #tpu.memory_space<semaphore_mem>>
        %dma_start3A_315 = arith.constant 0 : i32
        %dma_start3A_316 = tpu.memref_slice %arg7[%add3A_250, %dma_start3A_315] : memref<32x64xi32, #tpu.memory_space<vmem>> -> memref<1x64xi32, #tpu.memory_space<vmem>>
        %dma_start3A_317 = tpu.memref_squeeze %dma_start3A_316 : memref<1x64xi32, #tpu.memory_space<vmem>> -> memref<64xi32, #tpu.memory_space<vmem>>
        %dma_start3A_318 = arith.constant 0 : i32
        %dma_start3A_319 = arith.constant 0 : i32
        %dma_start3A_320 = tpu.memref_slice %arg12[%dma_start3A_318, %dma_start3A_319] : memref<10112x128xf32, #tpu.memory_space<vmem_shared>> -> memref<10112x128xf32, #tpu.memory_space<vmem_shared>>
        tpu.enqueue_indirect_dma source(%arg8 : memref<64x128xf32, #tpu.memory_space<vmem>>) target(%dma_start3A_320 : memref<10112x128xf32, #tpu.memory_space<vmem_shared>>) offsets(%dma_start3A_317 : memref<64xi32, #tpu.memory_space<vmem>>) semaphore(%run_scoped3A : memref<!tpu.dma_semaphore, #tpu.memory_space<semaphore_mem>>) {add = true}
        %dma_wait3A_321 = arith.constant 0 : i32
        %dma_wait3A_322 = tpu.memref_slice %arg7[%add3A_250, %dma_wait3A_321] : memref<32x64xi32, #tpu.memory_space<vmem>> -> memref<1x64xi32, #tpu.memory_space<vmem>>
        %dma_wait3A_323 = tpu.memref_squeeze %dma_wait3A_322 : memref<1x64xi32, #tpu.memory_space<vmem>> -> memref<64xi32, #tpu.memory_space<vmem>>
        %dma_wait3A_324 = arith.constant 0 : i32
        %dma_wait3A_325 = arith.constant 0 : i32
        %dma_wait3A_326 = tpu.memref_slice %arg12[%dma_wait3A_324, %dma_wait3A_325] : memref<10112x128xf32, #tpu.memory_space<vmem_shared>> -> memref<10112x128xf32, #tpu.memory_space<vmem_shared>>
        tpu.wait_indirect_dma semaphore(%run_scoped3A : memref<!tpu.dma_semaphore, #tpu.memory_space<semaphore_mem>>) src(%arg8 : memref<64x128xf32, #tpu.memory_space<vmem>>) dst(%dma_wait3A_326 : memref<10112x128xf32, #tpu.memory_space<vmem_shared>>)
        tpu.yield
      }) : () -> ()
      %add3A_257 = arith.constant 4 : i32
      %add3A_258 = arith.addi %add3A_250, %add3A_257 : i32
      %lt3A = arith.constant 32 : i32
      %lt3A_259 = arith.cmpi slt, %add3A_258, %lt3A : i32
      %convert_element_type3A = arith.extui %lt3A_259 : i1 to i32
      %cond3A = arith.constant 0 : i32
      %cond3A_260 = arith.cmpi ne, %convert_element_type3A, %cond3A : i32
      scf.if %cond3A_260 {
        %add3A_315 = arith.constant 4 : i32
        %add3A_316 = arith.addi %add3A_250, %add3A_315 : i32
        %dma_start3A_317 = arith.constant 0 : i32
        %dma_start3A_318 = tpu.memref_slice %arg6[%add3A_316, %dma_start3A_317] : memref<32x64xi32, #tpu.memory_space<vmem>> -> memref<1x64xi32, #tpu.memory_space<vmem>>
        %dma_start3A_319 = tpu.memref_squeeze %dma_start3A_318 : memref<1x64xi32, #tpu.memory_space<vmem>> -> memref<64xi32, #tpu.memory_space<vmem>>
        %dma_start3A_320 = arith.constant 0 : i32
        %dma_start3A_321 = arith.constant 0 : i32
        %dma_start3A_322 = tpu.memref_slice %arg4[%dma_start3A_320, %dma_start3A_321] : memref<10112x128xf32, #tpu.memory_space<hbm>> -> memref<10112x128xf32, #tpu.memory_space<hbm>>
        tpu.enqueue_indirect_dma source(%dma_start3A_322 : memref<10112x128xf32, #tpu.memory_space<hbm>>) target(%arg8 : memref<64x128xf32, #tpu.memory_space<vmem>>) offsets(%dma_start3A_319 : memref<64xi32, #tpu.memory_space<vmem>>) semaphore(%arg13 : memref<!tpu.dma_semaphore, #tpu.memory_space<semaphore_mem>>)
      } else {
      }
      %mul3A_261 = arith.constant 4 : i32
      %mul3A_262 = arith.muli %mul3A_261, %scan3A_246 : i32
      %add3A_263 = arith.constant 1 : i32
      %add3A_264 = arith.addi %mul3A_262, %add3A_263 : i32
      %dma_wait3A_265 = arith.constant 0 : i32
      %dma_wait3A_266 = arith.constant 0 : i32
      %dma_wait3A_267 = tpu.memref_slice %arg6[%dma_wait3A_265, %dma_wait3A_266] : memref<32x64xi32, #tpu.memory_space<vmem>> -> memref<1x64xi32, #tpu.memory_space<vmem>>
      %dma_wait3A_268 = tpu.memref_squeeze %dma_wait3A_267 : memref<1x64xi32, #tpu.memory_space<vmem>> -> memref<64xi32, #tpu.memory_space<vmem>>
      %dma_wait3A_269 = arith.constant 0 : i32
      %dma_wait3A_270 = arith.constant 0 : i32
      %dma_wait3A_271 = tpu.memref_slice %arg4[%dma_wait3A_269, %dma_wait3A_270] : memref<10112x128xf32, #tpu.memory_space<hbm>> -> memref<10112x128xf32, #tpu.memory_space<hbm>>
      tpu.wait_indirect_dma semaphore(%arg14 : memref<!tpu.dma_semaphore, #tpu.memory_space<semaphore_mem>>) src(%dma_wait3A_271 : memref<10112x128xf32, #tpu.memory_space<hbm>>) dst(%arg9 : memref<64x128xf32, #tpu.memory_space<vmem>>)
      "tpu.region"() ({
        %run_scoped3A = tpu.sem_alloc : memref<!tpu.dma_semaphore, #tpu.memory_space<semaphore_mem>>
        %dma_start3A_315 = arith.constant 0 : i32
        %dma_start3A_316 = tpu.memref_slice %arg7[%add3A_264, %dma_start3A_315] : memref<32x64xi32, #tpu.memory_space<vmem>> -> memref<1x64xi32, #tpu.memory_space<vmem>>
        %dma_start3A_317 = tpu.memref_squeeze %dma_start3A_316 : memref<1x64xi32, #tpu.memory_space<vmem>> -> memref<64xi32, #tpu.memory_space<vmem>>
        %dma_start3A_318 = arith.constant 0 : i32
        %dma_start3A_319 = arith.constant 0 : i32
        %dma_start3A_320 = tpu.memref_slice %arg12[%dma_start3A_318, %dma_start3A_319] : memref<10112x128xf32, #tpu.memory_space<vmem_shared>> -> memref<10112x128xf32, #tpu.memory_space<vmem_shared>>
        tpu.enqueue_indirect_dma source(%arg9 : memref<64x128xf32, #tpu.memory_space<vmem>>) target(%dma_start3A_320 : memref<10112x128xf32, #tpu.memory_space<vmem_shared>>) offsets(%dma_start3A_317 : memref<64xi32, #tpu.memory_space<vmem>>) semaphore(%run_scoped3A : memref<!tpu.dma_semaphore, #tpu.memory_space<semaphore_mem>>) {add = true}
        %dma_wait3A_321 = arith.constant 0 : i32
        %dma_wait3A_322 = tpu.memref_slice %arg7[%add3A_264, %dma_wait3A_321] : memref<32x64xi32, #tpu.memory_space<vmem>> -> memref<1x64xi32, #tpu.memory_space<vmem>>
        %dma_wait3A_323 = tpu.memref_squeeze %dma_wait3A_322 : memref<1x64xi32, #tpu.memory_space<vmem>> -> memref<64xi32, #tpu.memory_space<vmem>>
        %dma_wait3A_324 = arith.constant 0 : i32
        %dma_wait3A_325 = arith.constant 0 : i32
        %dma_wait3A_326 = tpu.memref_slice %arg12[%dma_wait3A_324, %dma_wait3A_325] : memref<10112x128xf32, #tpu.memory_space<vmem_shared>> -> memref<10112x128xf32, #tpu.memory_space<vmem_shared>>
        tpu.wait_indirect_dma semaphore(%run_scoped3A : memref<!tpu.dma_semaphore, #tpu.memory_space<semaphore_mem>>) src(%arg9 : memref<64x128xf32, #tpu.memory_space<vmem>>) dst(%dma_wait3A_326 : memref<10112x128xf32, #tpu.memory_space<vmem_shared>>)
        tpu.yield
      }) : () -> ()
      %add3A_272 = arith.constant 4 : i32
      %add3A_273 = arith.addi %add3A_264, %add3A_272 : i32
      %lt3A_274 = arith.constant 32 : i32
      %lt3A_275 = arith.cmpi slt, %add3A_273, %lt3A_274 : i32
      %convert_element_type3A_276 = arith.extui %lt3A_275 : i1 to i32
      %cond3A_277 = arith.constant 0 : i32
      %cond3A_278 = arith.cmpi ne, %convert_element_type3A_276, %cond3A_277 : i32
      scf.if %cond3A_278 {
        %add3A_315 = arith.constant 4 : i32
        %add3A_316 = arith.addi %add3A_264, %add3A_315 : i32
        %dma_start3A_317 = arith.constant 0 : i32
        %dma_start3A_318 = tpu.memref_slice %arg6[%add3A_316, %dma_start3A_317] : memref<32x64xi32, #tpu.memory_space<vmem>> -> memref<1x64xi32, #tpu.memory_space<vmem>>
        %dma_start3A_319 = tpu.memref_squeeze %dma_start3A_318 : memref<1x64xi32, #tpu.memory_space<vmem>> -> memref<64xi32, #tpu.memory_space<vmem>>
        %dma_start3A_320 = arith.constant 0 : i32
        %dma_start3A_321 = arith.constant 0 : i32
        %dma_start3A_322 = tpu.memref_slice %arg4[%dma_start3A_320, %dma_start3A_321] : memref<10112x128xf32, #tpu.memory_space<hbm>> -> memref<10112x128xf32, #tpu.memory_space<hbm>>
        tpu.enqueue_indirect_dma source(%dma_start3A_322 : memref<10112x128xf32, #tpu.memory_space<hbm>>) target(%arg9 : memref<64x128xf32, #tpu.memory_space<vmem>>) offsets(%dma_start3A_319 : memref<64xi32, #tpu.memory_space<vmem>>) semaphore(%arg14 : memref<!tpu.dma_semaphore, #tpu.memory_space<semaphore_mem>>)
      } else {
      }
      %mul3A_279 = arith.constant 4 : i32
      %mul3A_280 = arith.muli %mul3A_279, %scan3A_246 : i32
      %add3A_281 = arith.constant 2 : i32
      %add3A_282 = arith.addi %mul3A_280, %add3A_281 : i32
      %dma_wait3A_283 = arith.constant 0 : i32
      %dma_wait3A_284 = arith.constant 0 : i32
      %dma_wait3A_285 = tpu.memref_slice %arg6[%dma_wait3A_283, %dma_wait3A_284] : memref<32x64xi32, #tpu.memory_space<vmem>> -> memref<1x64xi32, #tpu.memory_space<vmem>>
      %dma_wait3A_286 = tpu.memref_squeeze %dma_wait3A_285 : memref<1x64xi32, #tpu.memory_space<vmem>> -> memref<64xi32, #tpu.memory_space<vmem>>
      %dma_wait3A_287 = arith.constant 0 : i32
      %dma_wait3A_288 = arith.constant 0 : i32
      %dma_wait3A_289 = tpu.memref_slice %arg4[%dma_wait3A_287, %dma_wait3A_288] : memref<10112x128xf32, #tpu.memory_space<hbm>> -> memref<10112x128xf32, #tpu.memory_space<hbm>>
      tpu.wait_indirect_dma semaphore(%arg15 : memref<!tpu.dma_semaphore, #tpu.memory_space<semaphore_mem>>) src(%dma_wait3A_289 : memref<10112x128xf32, #tpu.memory_space<hbm>>) dst(%arg10 : memref<64x128xf32, #tpu.memory_space<vmem>>)
      "tpu.region"() ({
        %run_scoped3A = tpu.sem_alloc : memref<!tpu.dma_semaphore, #tpu.memory_space<semaphore_mem>>
        %dma_start3A_315 = arith.constant 0 : i32
        %dma_start3A_316 = tpu.memref_slice %arg7[%add3A_282, %dma_start3A_315] : memref<32x64xi32, #tpu.memory_space<vmem>> -> memref<1x64xi32, #tpu.memory_space<vmem>>
        %dma_start3A_317 = tpu.memref_squeeze %dma_start3A_316 : memref<1x64xi32, #tpu.memory_space<vmem>> -> memref<64xi32, #tpu.memory_space<vmem>>
        %dma_start3A_318 = arith.constant 0 : i32
        %dma_start3A_319 = arith.constant 0 : i32
        %dma_start3A_320 = tpu.memref_slice %arg12[%dma_start3A_318, %dma_start3A_319] : memref<10112x128xf32, #tpu.memory_space<vmem_shared>> -> memref<10112x128xf32, #tpu.memory_space<vmem_shared>>
        tpu.enqueue_indirect_dma source(%arg10 : memref<64x128xf32, #tpu.memory_space<vmem>>) target(%dma_start3A_320 : memref<10112x128xf32, #tpu.memory_space<vmem_shared>>) offsets(%dma_start3A_317 : memref<64xi32, #tpu.memory_space<vmem>>) semaphore(%run_scoped3A : memref<!tpu.dma_semaphore, #tpu.memory_space<semaphore_mem>>) {add = true}
        %dma_wait3A_321 = arith.constant 0 : i32
        %dma_wait3A_322 = tpu.memref_slice %arg7[%add3A_282, %dma_wait3A_321] : memref<32x64xi32, #tpu.memory_space<vmem>> -> memref<1x64xi32, #tpu.memory_space<vmem>>
        %dma_wait3A_323 = tpu.memref_squeeze %dma_wait3A_322 : memref<1x64xi32, #tpu.memory_space<vmem>> -> memref<64xi32, #tpu.memory_space<vmem>>
        %dma_wait3A_324 = arith.constant 0 : i32
        %dma_wait3A_325 = arith.constant 0 : i32
        %dma_wait3A_326 = tpu.memref_slice %arg12[%dma_wait3A_324, %dma_wait3A_325] : memref<10112x128xf32, #tpu.memory_space<vmem_shared>> -> memref<10112x128xf32, #tpu.memory_space<vmem_shared>>
        tpu.wait_indirect_dma semaphore(%run_scoped3A : memref<!tpu.dma_semaphore, #tpu.memory_space<semaphore_mem>>) src(%arg10 : memref<64x128xf32, #tpu.memory_space<vmem>>) dst(%dma_wait3A_326 : memref<10112x128xf32, #tpu.memory_space<vmem_shared>>)
        tpu.yield
      }) : () -> ()
      %add3A_290 = arith.constant 4 : i32
      %add3A_291 = arith.addi %add3A_282, %add3A_290 : i32
      %lt3A_292 = arith.constant 32 : i32
      %lt3A_293 = arith.cmpi slt, %add3A_291, %lt3A_292 : i32
      %convert_element_type3A_294 = arith.extui %lt3A_293 : i1 to i32
      %cond3A_295 = arith.constant 0 : i32
      %cond3A_296 = arith.cmpi ne, %convert_element_type3A_294, %cond3A_295 : i32
      scf.if %cond3A_296 {
        %add3A_315 = arith.constant 4 : i32
        %add3A_316 = arith.addi %add3A_282, %add3A_315 : i32
        %dma_start3A_317 = arith.constant 0 : i32
        %dma_start3A_318 = tpu.memref_slice %arg6[%add3A_316, %dma_start3A_317] : memref<32x64xi32, #tpu.memory_space<vmem>> -> memref<1x64xi32, #tpu.memory_space<vmem>>
        %dma_start3A_319 = tpu.memref_squeeze %dma_start3A_318 : memref<1x64xi32, #tpu.memory_space<vmem>> -> memref<64xi32, #tpu.memory_space<vmem>>
        %dma_start3A_320 = arith.constant 0 : i32
        %dma_start3A_321 = arith.constant 0 : i32
        %dma_start3A_322 = tpu.memref_slice %arg4[%dma_start3A_320, %dma_start3A_321] : memref<10112x128xf32, #tpu.memory_space<hbm>> -> memref<10112x128xf32, #tpu.memory_space<hbm>>
        tpu.enqueue_indirect_dma source(%dma_start3A_322 : memref<10112x128xf32, #tpu.memory_space<hbm>>) target(%arg10 : memref<64x128xf32, #tpu.memory_space<vmem>>) offsets(%dma_start3A_319 : memref<64xi32, #tpu.memory_space<vmem>>) semaphore(%arg15 : memref<!tpu.dma_semaphore, #tpu.memory_space<semaphore_mem>>)
      } else {
      }
      %mul3A_297 = arith.constant 4 : i32
      %mul3A_298 = arith.muli %mul3A_297, %scan3A_246 : i32
      %add3A_299 = arith.constant 3 : i32
      %add3A_300 = arith.addi %mul3A_298, %add3A_299 : i32
      %dma_wait3A_301 = arith.constant 0 : i32
      %dma_wait3A_302 = arith.constant 0 : i32
      %dma_wait3A_303 = tpu.memref_slice %arg6[%dma_wait3A_301, %dma_wait3A_302] : memref<32x64xi32, #tpu.memory_space<vmem>> -> memref<1x64xi32, #tpu.memory_space<vmem>>
      %dma_wait3A_304 = tpu.memref_squeeze %dma_wait3A_303 : memref<1x64xi32, #tpu.memory_space<vmem>> -> memref<64xi32, #tpu.memory_space<vmem>>
      %dma_wait3A_305 = arith.constant 0 : i32
      %dma_wait3A_306 = arith.constant 0 : i32
      %dma_wait3A_307 = tpu.memref_slice %arg4[%dma_wait3A_305, %dma_wait3A_306] : memref<10112x128xf32, #tpu.memory_space<hbm>> -> memref<10112x128xf32, #tpu.memory_space<hbm>>
      tpu.wait_indirect_dma semaphore(%arg16 : memref<!tpu.dma_semaphore, #tpu.memory_space<semaphore_mem>>) src(%dma_wait3A_307 : memref<10112x128xf32, #tpu.memory_space<hbm>>) dst(%arg11 : memref<64x128xf32, #tpu.memory_space<vmem>>)
      "tpu.region"() ({
        %run_scoped3A = tpu.sem_alloc : memref<!tpu.dma_semaphore, #tpu.memory_space<semaphore_mem>>
        %dma_start3A_315 = arith.constant 0 : i32
        %dma_start3A_316 = tpu.memref_slice %arg7[%add3A_300, %dma_start3A_315] : memref<32x64xi32, #tpu.memory_space<vmem>> -> memref<1x64xi32, #tpu.memory_space<vmem>>
        %dma_start3A_317 = tpu.memref_squeeze %dma_start3A_316 : memref<1x64xi32, #tpu.memory_space<vmem>> -> memref<64xi32, #tpu.memory_space<vmem>>
        %dma_start3A_318 = arith.constant 0 : i32
        %dma_start3A_319 = arith.constant 0 : i32
        %dma_start3A_320 = tpu.memref_slice %arg12[%dma_start3A_318, %dma_start3A_319] : memref<10112x128xf32, #tpu.memory_space<vmem_shared>> -> memref<10112x128xf32, #tpu.memory_space<vmem_shared>>
        tpu.enqueue_indirect_dma source(%arg11 : memref<64x128xf32, #tpu.memory_space<vmem>>) target(%dma_start3A_320 : memref<10112x128xf32, #tpu.memory_space<vmem_shared>>) offsets(%dma_start3A_317 : memref<64xi32, #tpu.memory_space<vmem>>) semaphore(%run_scoped3A : memref<!tpu.dma_semaphore, #tpu.memory_space<semaphore_mem>>) {add = true}
        %dma_wait3A_321 = arith.constant 0 : i32
        %dma_wait3A_322 = tpu.memref_slice %arg7[%add3A_300, %dma_wait3A_321] : memref<32x64xi32, #tpu.memory_space<vmem>> -> memref<1x64xi32, #tpu.memory_space<vmem>>
        %dma_wait3A_323 = tpu.memref_squeeze %dma_wait3A_322 : memref<1x64xi32, #tpu.memory_space<vmem>> -> memref<64xi32, #tpu.memory_space<vmem>>
        %dma_wait3A_324 = arith.constant 0 : i32
        %dma_wait3A_325 = arith.constant 0 : i32
        %dma_wait3A_326 = tpu.memref_slice %arg12[%dma_wait3A_324, %dma_wait3A_325] : memref<10112x128xf32, #tpu.memory_space<vmem_shared>> -> memref<10112x128xf32, #tpu.memory_space<vmem_shared>>
        tpu.wait_indirect_dma semaphore(%run_scoped3A : memref<!tpu.dma_semaphore, #tpu.memory_space<semaphore_mem>>) src(%arg11 : memref<64x128xf32, #tpu.memory_space<vmem>>) dst(%dma_wait3A_326 : memref<10112x128xf32, #tpu.memory_space<vmem_shared>>)
        tpu.yield
      }) : () -> ()
      %add3A_308 = arith.constant 4 : i32
      %add3A_309 = arith.addi %add3A_300, %add3A_308 : i32
      %lt3A_310 = arith.constant 32 : i32
      %lt3A_311 = arith.cmpi slt, %add3A_309, %lt3A_310 : i32
      %convert_element_type3A_312 = arith.extui %lt3A_311 : i1 to i32
      %cond3A_313 = arith.constant 0 : i32
      %cond3A_314 = arith.cmpi ne, %convert_element_type3A_312, %cond3A_313 : i32
      scf.if %cond3A_314 {
        %add3A_315 = arith.constant 4 : i32
        %add3A_316 = arith.addi %add3A_300, %add3A_315 : i32
        %dma_start3A_317 = arith.constant 0 : i32
        %dma_start3A_318 = tpu.memref_slice %arg6[%add3A_316, %dma_start3A_317] : memref<32x64xi32, #tpu.memory_space<vmem>> -> memref<1x64xi32, #tpu.memory_space<vmem>>
        %dma_start3A_319 = tpu.memref_squeeze %dma_start3A_318 : memref<1x64xi32, #tpu.memory_space<vmem>> -> memref<64xi32, #tpu.memory_space<vmem>>
        %dma_start3A_320 = arith.constant 0 : i32
        %dma_start3A_321 = arith.constant 0 : i32
        %dma_start3A_322 = tpu.memref_slice %arg4[%dma_start3A_320, %dma_start3A_321] : memref<10112x128xf32, #tpu.memory_space<hbm>> -> memref<10112x128xf32, #tpu.memory_space<hbm>>
        tpu.enqueue_indirect_dma source(%dma_start3A_322 : memref<10112x128xf32, #tpu.memory_space<hbm>>) target(%arg11 : memref<64x128xf32, #tpu.memory_space<vmem>>) offsets(%dma_start3A_319 : memref<64xi32, #tpu.memory_space<vmem>>) semaphore(%arg16 : memref<!tpu.dma_semaphore, #tpu.memory_space<semaphore_mem>>)
      } else {
      }
    }
    %scan3A_199 = arith.constant 8 : i32
    %add3A_200 = arith.constant 128 : i32
    %add3A_201 = arith.addi %mul3A_48, %add3A_200 : i32
    "tpu.region"() ({
      %run_scoped3A = tpu.sem_alloc : memref<!tpu.dma_semaphore, #tpu.memory_space<semaphore_mem>>
      %dma_start3A_246 = arith.constant 0 : i32
      %dma_start3A_247 = tpu.memref_slice %arg2[%add3A_201, %dma_start3A_246] : memref<5120x64xi32, #tpu.memory_space<hbm>> -> memref<32x64xi32, #tpu.memory_space<hbm>>
      %dma_start3A_248 = arith.constant 0 : i32
      %dma_start3A_249 = tpu.memref_slice %arg2[%add3A_201, %dma_start3A_248] : memref<5120x64xi32, #tpu.memory_space<hbm>> -> memref<32x64xi32, #tpu.memory_space<hbm>>
      tpu.enqueue_dma source(%dma_start3A_249 : memref<32x64xi32, #tpu.memory_space<hbm>>) target(%arg6 : memref<32x64xi32, #tpu.memory_space<vmem>>) target_semaphore(%run_scoped3A : memref<!tpu.dma_semaphore, #tpu.memory_space<semaphore_mem>>)
      %dma_wait3A = arith.constant 0 : i32
      %dma_wait3A_250 = tpu.memref_slice %arg2[%add3A_201, %dma_wait3A] : memref<5120x64xi32, #tpu.memory_space<hbm>> -> memref<32x64xi32, #tpu.memory_space<hbm>>
      %dma_wait3A_251 = arith.constant 0 : i32
      %dma_wait3A_252 = tpu.memref_slice %arg2[%add3A_201, %dma_wait3A_251] : memref<5120x64xi32, #tpu.memory_space<hbm>> -> memref<32x64xi32, #tpu.memory_space<hbm>>
      tpu.wait_dma2 semaphore(%run_scoped3A : memref<!tpu.dma_semaphore, #tpu.memory_space<semaphore_mem>>) src(%dma_wait3A_252 : memref<32x64xi32, #tpu.memory_space<hbm>>) dst(%arg6 : memref<32x64xi32, #tpu.memory_space<vmem>>)
      tpu.yield
    }) : () -> ()
    %add3A_202 = arith.constant 128 : i32
    %add3A_203 = arith.addi %mul3A_48, %add3A_202 : i32
    "tpu.region"() ({
      %run_scoped3A = tpu.sem_alloc : memref<!tpu.dma_semaphore, #tpu.memory_space<semaphore_mem>>
      %dma_start3A_246 = arith.constant 0 : i32
      %dma_start3A_247 = tpu.memref_slice %arg3[%add3A_203, %dma_start3A_246] : memref<5120x64xi32, #tpu.memory_space<hbm>> -> memref<32x64xi32, #tpu.memory_space<hbm>>
      %dma_start3A_248 = arith.constant 0 : i32
      %dma_start3A_249 = tpu.memref_slice %arg3[%add3A_203, %dma_start3A_248] : memref<5120x64xi32, #tpu.memory_space<hbm>> -> memref<32x64xi32, #tpu.memory_space<hbm>>
      tpu.enqueue_dma source(%dma_start3A_249 : memref<32x64xi32, #tpu.memory_space<hbm>>) target(%arg7 : memref<32x64xi32, #tpu.memory_space<vmem>>) target_semaphore(%run_scoped3A : memref<!tpu.dma_semaphore, #tpu.memory_space<semaphore_mem>>)
      %dma_wait3A = arith.constant 0 : i32
      %dma_wait3A_250 = tpu.memref_slice %arg3[%add3A_203, %dma_wait3A] : memref<5120x64xi32, #tpu.memory_space<hbm>> -> memref<32x64xi32, #tpu.memory_space<hbm>>
      %dma_wait3A_251 = arith.constant 0 : i32
      %dma_wait3A_252 = tpu.memref_slice %arg3[%add3A_203, %dma_wait3A_251] : memref<5120x64xi32, #tpu.memory_space<hbm>> -> memref<32x64xi32, #tpu.memory_space<hbm>>
      tpu.wait_dma2 semaphore(%run_scoped3A : memref<!tpu.dma_semaphore, #tpu.memory_space<semaphore_mem>>) src(%dma_wait3A_252 : memref<32x64xi32, #tpu.memory_space<hbm>>) dst(%arg7 : memref<32x64xi32, #tpu.memory_space<vmem>>)
      tpu.yield
    }) : () -> ()
    %dma_start3A_204 = arith.constant 0 : i32
    %dma_start3A_205 = arith.constant 0 : i32
    %dma_start3A_206 = tpu.memref_slice %arg6[%dma_start3A_204, %dma_start3A_205] : memref<32x64xi32, #tpu.memory_space<vmem>> -> memref<1x64xi32, #tpu.memory_space<vmem>>
    %dma_start3A_207 = tpu.memref_squeeze %dma_start3A_206 : memref<1x64xi32, #tpu.memory_space<vmem>> -> memref<64xi32, #tpu.memory_space<vmem>>
    %dma_start3A_208 = arith.constant 0 : i32
    %dma_start3A_209 = arith.constant 0 : i32
    %dma_start3A_210 = tpu.memref_slice %arg4[%dma_start3A_208, %dma_start3A_209] : memref<10112x128xf32, #tpu.memory_space<hbm>> -> memref<10112x128xf32, #tpu.memory_space<hbm>>
    tpu.enqueue_indirect_dma source(%dma_start3A_210 : memref<10112x128xf32, #tpu.memory_space<hbm>>) target(%arg8 : memref<64x128xf32, #tpu.memory_space<vmem>>) offsets(%dma_start3A_207 : memref<64xi32, #tpu.memory_space<vmem>>) semaphore(%arg13 : memref<!tpu.dma_semaphore, #tpu.memory_space<semaphore_mem>>)
    %dma_start3A_211 = arith.constant 1 : i32
    %dma_start3A_212 = arith.constant 0 : i32
    %dma_start3A_213 = tpu.memref_slice %arg6[%dma_start3A_211, %dma_start3A_212] : memref<32x64xi32, #tpu.memory_space<vmem>> -> memref<1x64xi32, #tpu.memory_space<vmem>>
    %dma_start3A_214 = tpu.memref_squeeze %dma_start3A_213 : memref<1x64xi32, #tpu.memory_space<vmem>> -> memref<64xi32, #tpu.memory_space<vmem>>
    %dma_start3A_215 = arith.constant 0 : i32
    %dma_start3A_216 = arith.constant 0 : i32
    %dma_start3A_217 = tpu.memref_slice %arg4[%dma_start3A_215, %dma_start3A_216] : memref<10112x128xf32, #tpu.memory_space<hbm>> -> memref<10112x128xf32, #tpu.memory_space<hbm>>
    tpu.enqueue_indirect_dma source(%dma_start3A_217 : memref<10112x128xf32, #tpu.memory_space<hbm>>) target(%arg9 : memref<64x128xf32, #tpu.memory_space<vmem>>) offsets(%dma_start3A_214 : memref<64xi32, #tpu.memory_space<vmem>>) semaphore(%arg14 : memref<!tpu.dma_semaphore, #tpu.memory_space<semaphore_mem>>)
    %dma_start3A_218 = arith.constant 2 : i32
    %dma_start3A_219 = arith.constant 0 : i32
    %dma_start3A_220 = tpu.memref_slice %arg6[%dma_start3A_218, %dma_start3A_219] : memref<32x64xi32, #tpu.memory_space<vmem>> -> memref<1x64xi32, #tpu.memory_space<vmem>>
    %dma_start3A_221 = tpu.memref_squeeze %dma_start3A_220 : memref<1x64xi32, #tpu.memory_space<vmem>> -> memref<64xi32, #tpu.memory_space<vmem>>
    %dma_start3A_222 = arith.constant 0 : i32
    %dma_start3A_223 = arith.constant 0 : i32
    %dma_start3A_224 = tpu.memref_slice %arg4[%dma_start3A_222, %dma_start3A_223] : memref<10112x128xf32, #tpu.memory_space<hbm>> -> memref<10112x128xf32, #tpu.memory_space<hbm>>
    tpu.enqueue_indirect_dma source(%dma_start3A_224 : memref<10112x128xf32, #tpu.memory_space<hbm>>) target(%arg10 : memref<64x128xf32, #tpu.memory_space<vmem>>) offsets(%dma_start3A_221 : memref<64xi32, #tpu.memory_space<vmem>>) semaphore(%arg15 : memref<!tpu.dma_semaphore, #tpu.memory_space<semaphore_mem>>)
    %dma_start3A_225 = arith.constant 3 : i32
    %dma_start3A_226 = arith.constant 0 : i32
    %dma_start3A_227 = tpu.memref_slice %arg6[%dma_start3A_225, %dma_start3A_226] : memref<32x64xi32, #tpu.memory_space<vmem>> -> memref<1x64xi32, #tpu.memory_space<vmem>>
    %dma_start3A_228 = tpu.memref_squeeze %dma_start3A_227 : memref<1x64xi32, #tpu.memory_space<vmem>> -> memref<64xi32, #tpu.memory_space<vmem>>
    %dma_start3A_229 = arith.constant 0 : i32
    %dma_start3A_230 = arith.constant 0 : i32
    %dma_start3A_231 = tpu.memref_slice %arg4[%dma_start3A_229, %dma_start3A_230] : memref<10112x128xf32, #tpu.memory_space<hbm>> -> memref<10112x128xf32, #tpu.memory_space<hbm>>
    tpu.enqueue_indirect_dma source(%dma_start3A_231 : memref<10112x128xf32, #tpu.memory_space<hbm>>) target(%arg11 : memref<64x128xf32, #tpu.memory_space<vmem>>) offsets(%dma_start3A_228 : memref<64xi32, #tpu.memory_space<vmem>>) semaphore(%arg16 : memref<!tpu.dma_semaphore, #tpu.memory_space<semaphore_mem>>)
    %scan3A_232 = arith.constant 0 : i32
    %scan3A_233 = arith.constant 0 : i32
    %scan3A_234 = arith.constant 8 : i32
    %scan3A_235 = arith.addi %scan3A_233, %scan3A_234 : i32
    %scan3A_236 = arith.constant 1 : i32
    scf.for %scan3A_246 = %scan3A_233 to %scan3A_235 step %scan3A_236  : i32 {
      %mul3A_247 = arith.constant 4 : i32
      %mul3A_248 = arith.muli %mul3A_247, %scan3A_246 : i32
      %add3A_249 = arith.constant 0 : i32
      %add3A_250 = arith.addi %mul3A_248, %add3A_249 : i32
      %dma_wait3A = arith.constant 0 : i32
      %dma_wait3A_251 = arith.constant 0 : i32
      %dma_wait3A_252 = tpu.memref_slice %arg6[%dma_wait3A, %dma_wait3A_251] : memref<32x64xi32, #tpu.memory_space<vmem>> -> memref<1x64xi32, #tpu.memory_space<vmem>>
      %dma_wait3A_253 = tpu.memref_squeeze %dma_wait3A_252 : memref<1x64xi32, #tpu.memory_space<vmem>> -> memref<64xi32, #tpu.memory_space<vmem>>
      %dma_wait3A_254 = arith.constant 0 : i32
      %dma_wait3A_255 = arith.constant 0 : i32
      %dma_wait3A_256 = tpu.memref_slice %arg4[%dma_wait3A_254, %dma_wait3A_255] : memref<10112x128xf32, #tpu.memory_space<hbm>> -> memref<10112x128xf32, #tpu.memory_space<hbm>>
      tpu.wait_indirect_dma semaphore(%arg13 : memref<!tpu.dma_semaphore, #tpu.memory_space<semaphore_mem>>) src(%dma_wait3A_256 : memref<10112x128xf32, #tpu.memory_space<hbm>>) dst(%arg8 : memref<64x128xf32, #tpu.memory_space<vmem>>)
      "tpu.region"() ({
        %run_scoped3A = tpu.sem_alloc : memref<!tpu.dma_semaphore, #tpu.memory_space<semaphore_mem>>
        %dma_start3A_315 = arith.constant 0 : i32
        %dma_start3A_316 = tpu.memref_slice %arg7[%add3A_250, %dma_start3A_315] : memref<32x64xi32, #tpu.memory_space<vmem>> -> memref<1x64xi32, #tpu.memory_space<vmem>>
        %dma_start3A_317 = tpu.memref_squeeze %dma_start3A_316 : memref<1x64xi32, #tpu.memory_space<vmem>> -> memref<64xi32, #tpu.memory_space<vmem>>
        %dma_start3A_318 = arith.constant 0 : i32
        %dma_start3A_319 = arith.constant 0 : i32
        %dma_start3A_320 = tpu.memref_slice %arg12[%dma_start3A_318, %dma_start3A_319] : memref<10112x128xf32, #tpu.memory_space<vmem_shared>> -> memref<10112x128xf32, #tpu.memory_space<vmem_shared>>
        tpu.enqueue_indirect_dma source(%arg8 : memref<64x128xf32, #tpu.memory_space<vmem>>) target(%dma_start3A_320 : memref<10112x128xf32, #tpu.memory_space<vmem_shared>>) offsets(%dma_start3A_317 : memref<64xi32, #tpu.memory_space<vmem>>) semaphore(%run_scoped3A : memref<!tpu.dma_semaphore, #tpu.memory_space<semaphore_mem>>) {add = true}
        %dma_wait3A_321 = arith.constant 0 : i32
        %dma_wait3A_322 = tpu.memref_slice %arg7[%add3A_250, %dma_wait3A_321] : memref<32x64xi32, #tpu.memory_space<vmem>> -> memref<1x64xi32, #tpu.memory_space<vmem>>
        %dma_wait3A_323 = tpu.memref_squeeze %dma_wait3A_322 : memref<1x64xi32, #tpu.memory_space<vmem>> -> memref<64xi32, #tpu.memory_space<vmem>>
        %dma_wait3A_324 = arith.constant 0 : i32
        %dma_wait3A_325 = arith.constant 0 : i32
        %dma_wait3A_326 = tpu.memref_slice %arg12[%dma_wait3A_324, %dma_wait3A_325] : memref<10112x128xf32, #tpu.memory_space<vmem_shared>> -> memref<10112x128xf32, #tpu.memory_space<vmem_shared>>
        tpu.wait_indirect_dma semaphore(%run_scoped3A : memref<!tpu.dma_semaphore, #tpu.memory_space<semaphore_mem>>) src(%arg8 : memref<64x128xf32, #tpu.memory_space<vmem>>) dst(%dma_wait3A_326 : memref<10112x128xf32, #tpu.memory_space<vmem_shared>>)
        tpu.yield
      }) : () -> ()
      %add3A_257 = arith.constant 4 : i32
      %add3A_258 = arith.addi %add3A_250, %add3A_257 : i32
      %lt3A = arith.constant 32 : i32
      %lt3A_259 = arith.cmpi slt, %add3A_258, %lt3A : i32
      %convert_element_type3A = arith.extui %lt3A_259 : i1 to i32
      %cond3A = arith.constant 0 : i32
      %cond3A_260 = arith.cmpi ne, %convert_element_type3A, %cond3A : i32
      scf.if %cond3A_260 {
        %add3A_315 = arith.constant 4 : i32
        %add3A_316 = arith.addi %add3A_250, %add3A_315 : i32
        %dma_start3A_317 = arith.constant 0 : i32
        %dma_start3A_318 = tpu.memref_slice %arg6[%add3A_316, %dma_start3A_317] : memref<32x64xi32, #tpu.memory_space<vmem>> -> memref<1x64xi32, #tpu.memory_space<vmem>>
        %dma_start3A_319 = tpu.memref_squeeze %dma_start3A_318 : memref<1x64xi32, #tpu.memory_space<vmem>> -> memref<64xi32, #tpu.memory_space<vmem>>
        %dma_start3A_320 = arith.constant 0 : i32
        %dma_start3A_321 = arith.constant 0 : i32
        %dma_start3A_322 = tpu.memref_slice %arg4[%dma_start3A_320, %dma_start3A_321] : memref<10112x128xf32, #tpu.memory_space<hbm>> -> memref<10112x128xf32, #tpu.memory_space<hbm>>
        tpu.enqueue_indirect_dma source(%dma_start3A_322 : memref<10112x128xf32, #tpu.memory_space<hbm>>) target(%arg8 : memref<64x128xf32, #tpu.memory_space<vmem>>) offsets(%dma_start3A_319 : memref<64xi32, #tpu.memory_space<vmem>>) semaphore(%arg13 : memref<!tpu.dma_semaphore, #tpu.memory_space<semaphore_mem>>)
      } else {
      }
      %mul3A_261 = arith.constant 4 : i32
      %mul3A_262 = arith.muli %mul3A_261, %scan3A_246 : i32
      %add3A_263 = arith.constant 1 : i32
      %add3A_264 = arith.addi %mul3A_262, %add3A_263 : i32
      %dma_wait3A_265 = arith.constant 0 : i32
      %dma_wait3A_266 = arith.constant 0 : i32
      %dma_wait3A_267 = tpu.memref_slice %arg6[%dma_wait3A_265, %dma_wait3A_266] : memref<32x64xi32, #tpu.memory_space<vmem>> -> memref<1x64xi32, #tpu.memory_space<vmem>>
      %dma_wait3A_268 = tpu.memref_squeeze %dma_wait3A_267 : memref<1x64xi32, #tpu.memory_space<vmem>> -> memref<64xi32, #tpu.memory_space<vmem>>
      %dma_wait3A_269 = arith.constant 0 : i32
      %dma_wait3A_270 = arith.constant 0 : i32
      %dma_wait3A_271 = tpu.memref_slice %arg4[%dma_wait3A_269, %dma_wait3A_270] : memref<10112x128xf32, #tpu.memory_space<hbm>> -> memref<10112x128xf32, #tpu.memory_space<hbm>>
      tpu.wait_indirect_dma semaphore(%arg14 : memref<!tpu.dma_semaphore, #tpu.memory_space<semaphore_mem>>) src(%dma_wait3A_271 : memref<10112x128xf32, #tpu.memory_space<hbm>>) dst(%arg9 : memref<64x128xf32, #tpu.memory_space<vmem>>)
      "tpu.region"() ({
        %run_scoped3A = tpu.sem_alloc : memref<!tpu.dma_semaphore, #tpu.memory_space<semaphore_mem>>
        %dma_start3A_315 = arith.constant 0 : i32
        %dma_start3A_316 = tpu.memref_slice %arg7[%add3A_264, %dma_start3A_315] : memref<32x64xi32, #tpu.memory_space<vmem>> -> memref<1x64xi32, #tpu.memory_space<vmem>>
        %dma_start3A_317 = tpu.memref_squeeze %dma_start3A_316 : memref<1x64xi32, #tpu.memory_space<vmem>> -> memref<64xi32, #tpu.memory_space<vmem>>
        %dma_start3A_318 = arith.constant 0 : i32
        %dma_start3A_319 = arith.constant 0 : i32
        %dma_start3A_320 = tpu.memref_slice %arg12[%dma_start3A_318, %dma_start3A_319] : memref<10112x128xf32, #tpu.memory_space<vmem_shared>> -> memref<10112x128xf32, #tpu.memory_space<vmem_shared>>
        tpu.enqueue_indirect_dma source(%arg9 : memref<64x128xf32, #tpu.memory_space<vmem>>) target(%dma_start3A_320 : memref<10112x128xf32, #tpu.memory_space<vmem_shared>>) offsets(%dma_start3A_317 : memref<64xi32, #tpu.memory_space<vmem>>) semaphore(%run_scoped3A : memref<!tpu.dma_semaphore, #tpu.memory_space<semaphore_mem>>) {add = true}
        %dma_wait3A_321 = arith.constant 0 : i32
        %dma_wait3A_322 = tpu.memref_slice %arg7[%add3A_264, %dma_wait3A_321] : memref<32x64xi32, #tpu.memory_space<vmem>> -> memref<1x64xi32, #tpu.memory_space<vmem>>
        %dma_wait3A_323 = tpu.memref_squeeze %dma_wait3A_322 : memref<1x64xi32, #tpu.memory_space<vmem>> -> memref<64xi32, #tpu.memory_space<vmem>>
        %dma_wait3A_324 = arith.constant 0 : i32
        %dma_wait3A_325 = arith.constant 0 : i32
        %dma_wait3A_326 = tpu.memref_slice %arg12[%dma_wait3A_324, %dma_wait3A_325] : memref<10112x128xf32, #tpu.memory_space<vmem_shared>> -> memref<10112x128xf32, #tpu.memory_space<vmem_shared>>
        tpu.wait_indirect_dma semaphore(%run_scoped3A : memref<!tpu.dma_semaphore, #tpu.memory_space<semaphore_mem>>) src(%arg9 : memref<64x128xf32, #tpu.memory_space<vmem>>) dst(%dma_wait3A_326 : memref<10112x128xf32, #tpu.memory_space<vmem_shared>>)
        tpu.yield
      }) : () -> ()
      %add3A_272 = arith.constant 4 : i32
      %add3A_273 = arith.addi %add3A_264, %add3A_272 : i32
      %lt3A_274 = arith.constant 32 : i32
      %lt3A_275 = arith.cmpi slt, %add3A_273, %lt3A_274 : i32
      %convert_element_type3A_276 = arith.extui %lt3A_275 : i1 to i32
      %cond3A_277 = arith.constant 0 : i32
      %cond3A_278 = arith.cmpi ne, %convert_element_type3A_276, %cond3A_277 : i32
      scf.if %cond3A_278 {
        %add3A_315 = arith.constant 4 : i32
        %add3A_316 = arith.addi %add3A_264, %add3A_315 : i32
        %dma_start3A_317 = arith.constant 0 : i32
        %dma_start3A_318 = tpu.memref_slice %arg6[%add3A_316, %dma_start3A_317] : memref<32x64xi32, #tpu.memory_space<vmem>> -> memref<1x64xi32, #tpu.memory_space<vmem>>
        %dma_start3A_319 = tpu.memref_squeeze %dma_start3A_318 : memref<1x64xi32, #tpu.memory_space<vmem>> -> memref<64xi32, #tpu.memory_space<vmem>>
        %dma_start3A_320 = arith.constant 0 : i32
        %dma_start3A_321 = arith.constant 0 : i32
        %dma_start3A_322 = tpu.memref_slice %arg4[%dma_start3A_320, %dma_start3A_321] : memref<10112x128xf32, #tpu.memory_space<hbm>> -> memref<10112x128xf32, #tpu.memory_space<hbm>>
        tpu.enqueue_indirect_dma source(%dma_start3A_322 : memref<10112x128xf32, #tpu.memory_space<hbm>>) target(%arg9 : memref<64x128xf32, #tpu.memory_space<vmem>>) offsets(%dma_start3A_319 : memref<64xi32, #tpu.memory_space<vmem>>) semaphore(%arg14 : memref<!tpu.dma_semaphore, #tpu.memory_space<semaphore_mem>>)
      } else {
      }
      %mul3A_279 = arith.constant 4 : i32
      %mul3A_280 = arith.muli %mul3A_279, %scan3A_246 : i32
      %add3A_281 = arith.constant 2 : i32
      %add3A_282 = arith.addi %mul3A_280, %add3A_281 : i32
      %dma_wait3A_283 = arith.constant 0 : i32
      %dma_wait3A_284 = arith.constant 0 : i32
      %dma_wait3A_285 = tpu.memref_slice %arg6[%dma_wait3A_283, %dma_wait3A_284] : memref<32x64xi32, #tpu.memory_space<vmem>> -> memref<1x64xi32, #tpu.memory_space<vmem>>
      %dma_wait3A_286 = tpu.memref_squeeze %dma_wait3A_285 : memref<1x64xi32, #tpu.memory_space<vmem>> -> memref<64xi32, #tpu.memory_space<vmem>>
      %dma_wait3A_287 = arith.constant 0 : i32
      %dma_wait3A_288 = arith.constant 0 : i32
      %dma_wait3A_289 = tpu.memref_slice %arg4[%dma_wait3A_287, %dma_wait3A_288] : memref<10112x128xf32, #tpu.memory_space<hbm>> -> memref<10112x128xf32, #tpu.memory_space<hbm>>
      tpu.wait_indirect_dma semaphore(%arg15 : memref<!tpu.dma_semaphore, #tpu.memory_space<semaphore_mem>>) src(%dma_wait3A_289 : memref<10112x128xf32, #tpu.memory_space<hbm>>) dst(%arg10 : memref<64x128xf32, #tpu.memory_space<vmem>>)
      "tpu.region"() ({
        %run_scoped3A = tpu.sem_alloc : memref<!tpu.dma_semaphore, #tpu.memory_space<semaphore_mem>>
        %dma_start3A_315 = arith.constant 0 : i32
        %dma_start3A_316 = tpu.memref_slice %arg7[%add3A_282, %dma_start3A_315] : memref<32x64xi32, #tpu.memory_space<vmem>> -> memref<1x64xi32, #tpu.memory_space<vmem>>
        %dma_start3A_317 = tpu.memref_squeeze %dma_start3A_316 : memref<1x64xi32, #tpu.memory_space<vmem>> -> memref<64xi32, #tpu.memory_space<vmem>>
        %dma_start3A_318 = arith.constant 0 : i32
        %dma_start3A_319 = arith.constant 0 : i32
        %dma_start3A_320 = tpu.memref_slice %arg12[%dma_start3A_318, %dma_start3A_319] : memref<10112x128xf32, #tpu.memory_space<vmem_shared>> -> memref<10112x128xf32, #tpu.memory_space<vmem_shared>>
        tpu.enqueue_indirect_dma source(%arg10 : memref<64x128xf32, #tpu.memory_space<vmem>>) target(%dma_start3A_320 : memref<10112x128xf32, #tpu.memory_space<vmem_shared>>) offsets(%dma_start3A_317 : memref<64xi32, #tpu.memory_space<vmem>>) semaphore(%run_scoped3A : memref<!tpu.dma_semaphore, #tpu.memory_space<semaphore_mem>>) {add = true}
        %dma_wait3A_321 = arith.constant 0 : i32
        %dma_wait3A_322 = tpu.memref_slice %arg7[%add3A_282, %dma_wait3A_321] : memref<32x64xi32, #tpu.memory_space<vmem>> -> memref<1x64xi32, #tpu.memory_space<vmem>>
        %dma_wait3A_323 = tpu.memref_squeeze %dma_wait3A_322 : memref<1x64xi32, #tpu.memory_space<vmem>> -> memref<64xi32, #tpu.memory_space<vmem>>
        %dma_wait3A_324 = arith.constant 0 : i32
        %dma_wait3A_325 = arith.constant 0 : i32
        %dma_wait3A_326 = tpu.memref_slice %arg12[%dma_wait3A_324, %dma_wait3A_325] : memref<10112x128xf32, #tpu.memory_space<vmem_shared>> -> memref<10112x128xf32, #tpu.memory_space<vmem_shared>>
        tpu.wait_indirect_dma semaphore(%run_scoped3A : memref<!tpu.dma_semaphore, #tpu.memory_space<semaphore_mem>>) src(%arg10 : memref<64x128xf32, #tpu.memory_space<vmem>>) dst(%dma_wait3A_326 : memref<10112x128xf32, #tpu.memory_space<vmem_shared>>)
        tpu.yield
      }) : () -> ()
      %add3A_290 = arith.constant 4 : i32
      %add3A_291 = arith.addi %add3A_282, %add3A_290 : i32
      %lt3A_292 = arith.constant 32 : i32
      %lt3A_293 = arith.cmpi slt, %add3A_291, %lt3A_292 : i32
      %convert_element_type3A_294 = arith.extui %lt3A_293 : i1 to i32
      %cond3A_295 = arith.constant 0 : i32
      %cond3A_296 = arith.cmpi ne, %convert_element_type3A_294, %cond3A_295 : i32
      scf.if %cond3A_296 {
        %add3A_315 = arith.constant 4 : i32
        %add3A_316 = arith.addi %add3A_282, %add3A_315 : i32
        %dma_start3A_317 = arith.constant 0 : i32
        %dma_start3A_318 = tpu.memref_slice %arg6[%add3A_316, %dma_start3A_317] : memref<32x64xi32, #tpu.memory_space<vmem>> -> memref<1x64xi32, #tpu.memory_space<vmem>>
        %dma_start3A_319 = tpu.memref_squeeze %dma_start3A_318 : memref<1x64xi32, #tpu.memory_space<vmem>> -> memref<64xi32, #tpu.memory_space<vmem>>
        %dma_start3A_320 = arith.constant 0 : i32
        %dma_start3A_321 = arith.constant 0 : i32
        %dma_start3A_322 = tpu.memref_slice %arg4[%dma_start3A_320, %dma_start3A_321] : memref<10112x128xf32, #tpu.memory_space<hbm>> -> memref<10112x128xf32, #tpu.memory_space<hbm>>
        tpu.enqueue_indirect_dma source(%dma_start3A_322 : memref<10112x128xf32, #tpu.memory_space<hbm>>) target(%arg10 : memref<64x128xf32, #tpu.memory_space<vmem>>) offsets(%dma_start3A_319 : memref<64xi32, #tpu.memory_space<vmem>>) semaphore(%arg15 : memref<!tpu.dma_semaphore, #tpu.memory_space<semaphore_mem>>)
      } else {
      }
      %mul3A_297 = arith.constant 4 : i32
      %mul3A_298 = arith.muli %mul3A_297, %scan3A_246 : i32
      %add3A_299 = arith.constant 3 : i32
      %add3A_300 = arith.addi %mul3A_298, %add3A_299 : i32
      %dma_wait3A_301 = arith.constant 0 : i32
      %dma_wait3A_302 = arith.constant 0 : i32
      %dma_wait3A_303 = tpu.memref_slice %arg6[%dma_wait3A_301, %dma_wait3A_302] : memref<32x64xi32, #tpu.memory_space<vmem>> -> memref<1x64xi32, #tpu.memory_space<vmem>>
      %dma_wait3A_304 = tpu.memref_squeeze %dma_wait3A_303 : memref<1x64xi32, #tpu.memory_space<vmem>> -> memref<64xi32, #tpu.memory_space<vmem>>
      %dma_wait3A_305 = arith.constant 0 : i32
      %dma_wait3A_306 = arith.constant 0 : i32
      %dma_wait3A_307 = tpu.memref_slice %arg4[%dma_wait3A_305, %dma_wait3A_306] : memref<10112x128xf32, #tpu.memory_space<hbm>> -> memref<10112x128xf32, #tpu.memory_space<hbm>>
      tpu.wait_indirect_dma semaphore(%arg16 : memref<!tpu.dma_semaphore, #tpu.memory_space<semaphore_mem>>) src(%dma_wait3A_307 : memref<10112x128xf32, #tpu.memory_space<hbm>>) dst(%arg11 : memref<64x128xf32, #tpu.memory_space<vmem>>)
      "tpu.region"() ({
        %run_scoped3A = tpu.sem_alloc : memref<!tpu.dma_semaphore, #tpu.memory_space<semaphore_mem>>
        %dma_start3A_315 = arith.constant 0 : i32
        %dma_start3A_316 = tpu.memref_slice %arg7[%add3A_300, %dma_start3A_315] : memref<32x64xi32, #tpu.memory_space<vmem>> -> memref<1x64xi32, #tpu.memory_space<vmem>>
        %dma_start3A_317 = tpu.memref_squeeze %dma_start3A_316 : memref<1x64xi32, #tpu.memory_space<vmem>> -> memref<64xi32, #tpu.memory_space<vmem>>
        %dma_start3A_318 = arith.constant 0 : i32
        %dma_start3A_319 = arith.constant 0 : i32
        %dma_start3A_320 = tpu.memref_slice %arg12[%dma_start3A_318, %dma_start3A_319] : memref<10112x128xf32, #tpu.memory_space<vmem_shared>> -> memref<10112x128xf32, #tpu.memory_space<vmem_shared>>
        tpu.enqueue_indirect_dma source(%arg11 : memref<64x128xf32, #tpu.memory_space<vmem>>) target(%dma_start3A_320 : memref<10112x128xf32, #tpu.memory_space<vmem_shared>>) offsets(%dma_start3A_317 : memref<64xi32, #tpu.memory_space<vmem>>) semaphore(%run_scoped3A : memref<!tpu.dma_semaphore, #tpu.memory_space<semaphore_mem>>) {add = true}
        %dma_wait3A_321 = arith.constant 0 : i32
        %dma_wait3A_322 = tpu.memref_slice %arg7[%add3A_300, %dma_wait3A_321] : memref<32x64xi32, #tpu.memory_space<vmem>> -> memref<1x64xi32, #tpu.memory_space<vmem>>
        %dma_wait3A_323 = tpu.memref_squeeze %dma_wait3A_322 : memref<1x64xi32, #tpu.memory_space<vmem>> -> memref<64xi32, #tpu.memory_space<vmem>>
        %dma_wait3A_324 = arith.constant 0 : i32
        %dma_wait3A_325 = arith.constant 0 : i32
        %dma_wait3A_326 = tpu.memref_slice %arg12[%dma_wait3A_324, %dma_wait3A_325] : memref<10112x128xf32, #tpu.memory_space<vmem_shared>> -> memref<10112x128xf32, #tpu.memory_space<vmem_shared>>
        tpu.wait_indirect_dma semaphore(%run_scoped3A : memref<!tpu.dma_semaphore, #tpu.memory_space<semaphore_mem>>) src(%arg11 : memref<64x128xf32, #tpu.memory_space<vmem>>) dst(%dma_wait3A_326 : memref<10112x128xf32, #tpu.memory_space<vmem_shared>>)
        tpu.yield
      }) : () -> ()
      %add3A_308 = arith.constant 4 : i32
      %add3A_309 = arith.addi %add3A_300, %add3A_308 : i32
      %lt3A_310 = arith.constant 32 : i32
      %lt3A_311 = arith.cmpi slt, %add3A_309, %lt3A_310 : i32
      %convert_element_type3A_312 = arith.extui %lt3A_311 : i1 to i32
      %cond3A_313 = arith.constant 0 : i32
      %cond3A_314 = arith.cmpi ne, %convert_element_type3A_312, %cond3A_313 : i32
      scf.if %cond3A_314 {
        %add3A_315 = arith.constant 4 : i32
        %add3A_316 = arith.addi %add3A_300, %add3A_315 : i32
        %dma_start3A_317 = arith.constant 0 : i32
        %dma_start3A_318 = tpu.memref_slice %arg6[%add3A_316, %dma_start3A_317] : memref<32x64xi32, #tpu.memory_space<vmem>> -> memref<1x64xi32, #tpu.memory_space<vmem>>
        %dma_start3A_319 = tpu.memref_squeeze %dma_start3A_318 : memref<1x64xi32, #tpu.memory_space<vmem>> -> memref<64xi32, #tpu.memory_space<vmem>>
        %dma_start3A_320 = arith.constant 0 : i32
        %dma_start3A_321 = arith.constant 0 : i32
        %dma_start3A_322 = tpu.memref_slice %arg4[%dma_start3A_320, %dma_start3A_321] : memref<10112x128xf32, #tpu.memory_space<hbm>> -> memref<10112x128xf32, #tpu.memory_space<hbm>>
        tpu.enqueue_indirect_dma source(%dma_start3A_322 : memref<10112x128xf32, #tpu.memory_space<hbm>>) target(%arg11 : memref<64x128xf32, #tpu.memory_space<vmem>>) offsets(%dma_start3A_319 : memref<64xi32, #tpu.memory_space<vmem>>) semaphore(%arg16 : memref<!tpu.dma_semaphore, #tpu.memory_space<semaphore_mem>>)
      } else {
      }
    }
    %scan3A_237 = arith.constant 8 : i32
    %barrier3A_238 = arith.constant 0 : index
    tpu.barrier barrier_id(%barrier3A_238)
    %mul3A_239 = arith.constant 632 : i32
    %mul3A_240 = arith.muli %arg1, %mul3A_239 : i32
    %mul3A_241 = arith.constant 10112 : i32
    %mul3A_242 = arith.muli %arg0, %mul3A_241 : i32
    %mul3A_243 = arith.constant 632 : i32
    %mul3A_244 = arith.muli %arg1, %mul3A_243 : i32
    %add3A_245 = arith.addi %mul3A_242, %mul3A_244 : i32
    "tpu.region"() ({
      %run_scoped3A = tpu.sem_alloc : memref<!tpu.dma_semaphore, #tpu.memory_space<semaphore_mem>>
      %dma_start3A_246 = arith.constant 0 : i32
      %dma_start3A_247 = tpu.memref_slice %arg5[%add3A_245, %dma_start3A_246] : memref<20224x128xf32, #tpu.memory_space<hbm>> -> memref<632x128xf32, #tpu.memory_space<hbm>>
      %dma_start3A_248 = arith.constant 0 : i32
      %dma_start3A_249 = tpu.memref_slice %arg12[%mul3A_240, %dma_start3A_248] : memref<10112x128xf32, #tpu.memory_space<vmem_shared>> -> memref<632x128xf32, #tpu.memory_space<vmem_shared>>
      tpu.enqueue_dma source(%dma_start3A_249 : memref<632x128xf32, #tpu.memory_space<vmem_shared>>) target(%dma_start3A_247 : memref<632x128xf32, #tpu.memory_space<hbm>>) target_semaphore(%run_scoped3A : memref<!tpu.dma_semaphore, #tpu.memory_space<semaphore_mem>>)
      %dma_wait3A = arith.constant 0 : i32
      %dma_wait3A_250 = tpu.memref_slice %arg5[%add3A_245, %dma_wait3A] : memref<20224x128xf32, #tpu.memory_space<hbm>> -> memref<632x128xf32, #tpu.memory_space<hbm>>
      %dma_wait3A_251 = arith.constant 0 : i32
      %dma_wait3A_252 = tpu.memref_slice %arg12[%mul3A_240, %dma_wait3A_251] : memref<10112x128xf32, #tpu.memory_space<vmem_shared>> -> memref<632x128xf32, #tpu.memory_space<vmem_shared>>
      tpu.wait_dma2 semaphore(%run_scoped3A : memref<!tpu.dma_semaphore, #tpu.memory_space<semaphore_mem>>) src(%dma_wait3A_252 : memref<632x128xf32, #tpu.memory_space<vmem_shared>>) dst(%dma_wait3A_250 : memref<632x128xf32, #tpu.memory_space<hbm>>)
      tpu.yield
    }) : () -> ()
    return
  }
}

#map = affine_map<(d0, d1) -> (0, 0, 0)>
#map1 = affine_map<(d0, d1) -> (0)>
module attributes {stable_mosaic.version = 14 : i64} {
  func.func @_sc_degree(%arg0: i32, %arg1: i32, %arg2: memref<32x80x128xi32, #tpu.memory_space<hbm>>, %arg3: memref<20224xf32, #tpu.memory_space<hbm>>, %arg4: memref<80x128xi32, #tpu.memory_space<vmem>>, %arg5: memref<128xf32, #tpu.memory_space<vmem>>, %arg6: memref<640xf32, #tpu.memory_space<vmem>>, %arg7: memref<10112xf32, #tpu.memory_space<vmem_shared>>, %arg8: memref<!tpu.dma_semaphore, #tpu.memory_space<semaphore_mem>>) attributes {dimension_semantics = [#tpu.dimension_semantics<core_parallel>, #tpu.dimension_semantics<subcore_parallel>], iteration_bounds = array<i64: 2, 16>, scalar_prefetch = 0 : i64, scratch_operands = 5 : i64, tpu.core_type = #tpu.core_type<sc_vector_subcore>, window_params = [{transform_indices = #map}, {transform_indices = #map1}]} {
    %mul3A = arith.constant 2 : i32
    %mul3A_0 = arith.muli %arg1, %mul3A : i32
    %add3A = arith.addi %mul3A_0, %arg0 : i32
    "tpu.region"() ({
      %run_scoped3A = tpu.sem_alloc : memref<!tpu.dma_semaphore, #tpu.memory_space<semaphore_mem>>
      %dma_start3A = arith.constant 0 : i32
      %dma_start3A_315 = arith.constant 0 : i32
      %dma_start3A_316 = tpu.memref_slice %arg2[%add3A, %dma_start3A, %dma_start3A_315] : memref<32x80x128xi32, #tpu.memory_space<hbm>> -> memref<1x80x128xi32, #tpu.memory_space<hbm>>
      %dma_start3A_317 = tpu.memref_squeeze %dma_start3A_316 : memref<1x80x128xi32, #tpu.memory_space<hbm>> -> memref<80x128xi32, #tpu.memory_space<hbm>>
      %dma_start3A_318 = arith.constant 0 : i32
      %dma_start3A_319 = arith.constant 0 : i32
      %dma_start3A_320 = tpu.memref_slice %arg2[%add3A, %dma_start3A_318, %dma_start3A_319] : memref<32x80x128xi32, #tpu.memory_space<hbm>> -> memref<1x80x128xi32, #tpu.memory_space<hbm>>
      %dma_start3A_321 = tpu.memref_squeeze %dma_start3A_320 : memref<1x80x128xi32, #tpu.memory_space<hbm>> -> memref<80x128xi32, #tpu.memory_space<hbm>>
      tpu.enqueue_dma source(%dma_start3A_321 : memref<80x128xi32, #tpu.memory_space<hbm>>) target(%arg4 : memref<80x128xi32, #tpu.memory_space<vmem>>) target_semaphore(%run_scoped3A : memref<!tpu.dma_semaphore, #tpu.memory_space<semaphore_mem>>)
      %dma_wait3A = arith.constant 0 : i32
      %dma_wait3A_322 = arith.constant 0 : i32
      %dma_wait3A_323 = tpu.memref_slice %arg2[%add3A, %dma_wait3A, %dma_wait3A_322] : memref<32x80x128xi32, #tpu.memory_space<hbm>> -> memref<1x80x128xi32, #tpu.memory_space<hbm>>
      %dma_wait3A_324 = tpu.memref_squeeze %dma_wait3A_323 : memref<1x80x128xi32, #tpu.memory_space<hbm>> -> memref<80x128xi32, #tpu.memory_space<hbm>>
      %dma_wait3A_325 = arith.constant 0 : i32
      %dma_wait3A_326 = arith.constant 0 : i32
      %dma_wait3A_327 = tpu.memref_slice %arg2[%add3A, %dma_wait3A_325, %dma_wait3A_326] : memref<32x80x128xi32, #tpu.memory_space<hbm>> -> memref<1x80x128xi32, #tpu.memory_space<hbm>>
      %dma_wait3A_328 = tpu.memref_squeeze %dma_wait3A_327 : memref<1x80x128xi32, #tpu.memory_space<hbm>> -> memref<80x128xi32, #tpu.memory_space<hbm>>
      tpu.wait_dma2 semaphore(%run_scoped3A : memref<!tpu.dma_semaphore, #tpu.memory_space<semaphore_mem>>) src(%dma_wait3A_328 : memref<80x128xi32, #tpu.memory_space<hbm>>) dst(%arg4 : memref<80x128xi32, #tpu.memory_space<vmem>>)
      tpu.yield
    }) : () -> ()
    %broadcast_in_dim3A = arith.constant 1.000000e+00 : f32
    %broadcast_in_dim3A_1 = vector.broadcast %broadcast_in_dim3A : f32 to vector<16xf32>
    %swap3A = arith.constant 0 : index
    %swap3A_2 = tpu.vector_load %arg5[%swap3A] {strides = array<i32>} : memref<128xf32, #tpu.memory_space<vmem>>, vector<16xf32>,
    %swap3A_3 = vector.shape_cast %swap3A_2 : vector<16xf32> to vector<16xf32>
    %swap3A_4 = vector.shape_cast %broadcast_in_dim3A_1 : vector<16xf32> to vector<16xf32>
    tpu.vector_store %arg5[%swap3A], %swap3A_4 {strides = array<i32>} : memref<128xf32, #tpu.memory_space<vmem>>, vector<16xf32>,
    %broadcast_in_dim3A_5 = arith.constant 1.000000e+00 : f32
    %broadcast_in_dim3A_6 = vector.broadcast %broadcast_in_dim3A_5 : f32 to vector<16xf32>
    %swap3A_7 = arith.constant 16 : index
    %swap3A_8 = tpu.vector_load %arg5[%swap3A_7] {strides = array<i32>} : memref<128xf32, #tpu.memory_space<vmem>>, vector<16xf32>,
    %swap3A_9 = vector.shape_cast %swap3A_8 : vector<16xf32> to vector<16xf32>
    %swap3A_10 = vector.shape_cast %broadcast_in_dim3A_6 : vector<16xf32> to vector<16xf32>
    tpu.vector_store %arg5[%swap3A_7], %swap3A_10 {strides = array<i32>} : memref<128xf32, #tpu.memory_space<vmem>>, vector<16xf32>,
    %broadcast_in_dim3A_11 = arith.constant 1.000000e+00 : f32
    %broadcast_in_dim3A_12 = vector.broadcast %broadcast_in_dim3A_11 : f32 to vector<16xf32>
    %swap3A_13 = arith.constant 32 : index
    %swap3A_14 = tpu.vector_load %arg5[%swap3A_13] {strides = array<i32>} : memref<128xf32, #tpu.memory_space<vmem>>, vector<16xf32>,
    %swap3A_15 = vector.shape_cast %swap3A_14 : vector<16xf32> to vector<16xf32>
    %swap3A_16 = vector.shape_cast %broadcast_in_dim3A_12 : vector<16xf32> to vector<16xf32>
    tpu.vector_store %arg5[%swap3A_13], %swap3A_16 {strides = array<i32>} : memref<128xf32, #tpu.memory_space<vmem>>, vector<16xf32>,
    %broadcast_in_dim3A_17 = arith.constant 1.000000e+00 : f32
    %broadcast_in_dim3A_18 = vector.broadcast %broadcast_in_dim3A_17 : f32 to vector<16xf32>
    %swap3A_19 = arith.constant 48 : index
    %swap3A_20 = tpu.vector_load %arg5[%swap3A_19] {strides = array<i32>} : memref<128xf32, #tpu.memory_space<vmem>>, vector<16xf32>,
    %swap3A_21 = vector.shape_cast %swap3A_20 : vector<16xf32> to vector<16xf32>
    %swap3A_22 = vector.shape_cast %broadcast_in_dim3A_18 : vector<16xf32> to vector<16xf32>
    tpu.vector_store %arg5[%swap3A_19], %swap3A_22 {strides = array<i32>} : memref<128xf32, #tpu.memory_space<vmem>>, vector<16xf32>,
    %broadcast_in_dim3A_23 = arith.constant 1.000000e+00 : f32
    %broadcast_in_dim3A_24 = vector.broadcast %broadcast_in_dim3A_23 : f32 to vector<16xf32>
    %swap3A_25 = arith.constant 64 : index
    %swap3A_26 = tpu.vector_load %arg5[%swap3A_25] {strides = array<i32>} : memref<128xf32, #tpu.memory_space<vmem>>, vector<16xf32>,
    %swap3A_27 = vector.shape_cast %swap3A_26 : vector<16xf32> to vector<16xf32>
    %swap3A_28 = vector.shape_cast %broadcast_in_dim3A_24 : vector<16xf32> to vector<16xf32>
    tpu.vector_store %arg5[%swap3A_25], %swap3A_28 {strides = array<i32>} : memref<128xf32, #tpu.memory_space<vmem>>, vector<16xf32>,
    %broadcast_in_dim3A_29 = arith.constant 1.000000e+00 : f32
    %broadcast_in_dim3A_30 = vector.broadcast %broadcast_in_dim3A_29 : f32 to vector<16xf32>
    %swap3A_31 = arith.constant 80 : index
    %swap3A_32 = tpu.vector_load %arg5[%swap3A_31] {strides = array<i32>} : memref<128xf32, #tpu.memory_space<vmem>>, vector<16xf32>,
    %swap3A_33 = vector.shape_cast %swap3A_32 : vector<16xf32> to vector<16xf32>
    %swap3A_34 = vector.shape_cast %broadcast_in_dim3A_30 : vector<16xf32> to vector<16xf32>
    tpu.vector_store %arg5[%swap3A_31], %swap3A_34 {strides = array<i32>} : memref<128xf32, #tpu.memory_space<vmem>>, vector<16xf32>,
    %broadcast_in_dim3A_35 = arith.constant 1.000000e+00 : f32
    %broadcast_in_dim3A_36 = vector.broadcast %broadcast_in_dim3A_35 : f32 to vector<16xf32>
    %swap3A_37 = arith.constant 96 : index
    %swap3A_38 = tpu.vector_load %arg5[%swap3A_37] {strides = array<i32>} : memref<128xf32, #tpu.memory_space<vmem>>, vector<16xf32>,
    %swap3A_39 = vector.shape_cast %swap3A_38 : vector<16xf32> to vector<16xf32>
    %swap3A_40 = vector.shape_cast %broadcast_in_dim3A_36 : vector<16xf32> to vector<16xf32>
    tpu.vector_store %arg5[%swap3A_37], %swap3A_40 {strides = array<i32>} : memref<128xf32, #tpu.memory_space<vmem>>, vector<16xf32>,
    %broadcast_in_dim3A_41 = arith.constant 1.000000e+00 : f32
    %broadcast_in_dim3A_42 = vector.broadcast %broadcast_in_dim3A_41 : f32 to vector<16xf32>
    %swap3A_43 = arith.constant 112 : index
    %swap3A_44 = tpu.vector_load %arg5[%swap3A_43] {strides = array<i32>} : memref<128xf32, #tpu.memory_space<vmem>>, vector<16xf32>,
    %swap3A_45 = vector.shape_cast %swap3A_44 : vector<16xf32> to vector<16xf32>
    %swap3A_46 = vector.shape_cast %broadcast_in_dim3A_42 : vector<16xf32> to vector<16xf32>
    tpu.vector_store %arg5[%swap3A_43], %swap3A_46 {strides = array<i32>} : memref<128xf32, #tpu.memory_space<vmem>>, vector<16xf32>,
    %broadcast_in_dim3A_47 = arith.constant 0.000000e+00 : f32
    %broadcast_in_dim3A_48 = vector.broadcast %broadcast_in_dim3A_47 : f32 to vector<16xf32>
    %swap3A_49 = arith.constant 0 : index
    %swap3A_50 = tpu.vector_load %arg6[%swap3A_49] {strides = array<i32>} : memref<640xf32, #tpu.memory_space<vmem>>, vector<16xf32>,
    %swap3A_51 = vector.shape_cast %swap3A_50 : vector<16xf32> to vector<16xf32>
    %swap3A_52 = vector.shape_cast %broadcast_in_dim3A_48 : vector<16xf32> to vector<16xf32>
    tpu.vector_store %arg6[%swap3A_49], %swap3A_52 {strides = array<i32>} : memref<640xf32, #tpu.memory_space<vmem>>, vector<16xf32>,
    %broadcast_in_dim3A_53 = arith.constant 0.000000e+00 : f32
    %broadcast_in_dim3A_54 = vector.broadcast %broadcast_in_dim3A_53 : f32 to vector<16xf32>
    %swap3A_55 = arith.constant 16 : index
    %swap3A_56 = tpu.vector_load %arg6[%swap3A_55] {strides = array<i32>} : memref<640xf32, #tpu.memory_space<vmem>>, vector<16xf32>,
    %swap3A_57 = vector.shape_cast %swap3A_56 : vector<16xf32> to vector<16xf32>
    %swap3A_58 = vector.shape_cast %broadcast_in_dim3A_54 : vector<16xf32> to vector<16xf32>
    tpu.vector_store %arg6[%swap3A_55], %swap3A_58 {strides = array<i32>} : memref<640xf32, #tpu.memory_space<vmem>>, vector<16xf32>,
    %broadcast_in_dim3A_59 = arith.constant 0.000000e+00 : f32
    %broadcast_in_dim3A_60 = vector.broadcast %broadcast_in_dim3A_59 : f32 to vector<16xf32>
    %swap3A_61 = arith.constant 32 : index
    %swap3A_62 = tpu.vector_load %arg6[%swap3A_61] {strides = array<i32>} : memref<640xf32, #tpu.memory_space<vmem>>, vector<16xf32>,
    %swap3A_63 = vector.shape_cast %swap3A_62 : vector<16xf32> to vector<16xf32>
    %swap3A_64 = vector.shape_cast %broadcast_in_dim3A_60 : vector<16xf32> to vector<16xf32>
    tpu.vector_store %arg6[%swap3A_61], %swap3A_64 {strides = array<i32>} : memref<640xf32, #tpu.memory_space<vmem>>, vector<16xf32>,
    %broadcast_in_dim3A_65 = arith.constant 0.000000e+00 : f32
    %broadcast_in_dim3A_66 = vector.broadcast %broadcast_in_dim3A_65 : f32 to vector<16xf32>
    %swap3A_67 = arith.constant 48 : index
    %swap3A_68 = tpu.vector_load %arg6[%swap3A_67] {strides = array<i32>} : memref<640xf32, #tpu.memory_space<vmem>>, vector<16xf32>,
    %swap3A_69 = vector.shape_cast %swap3A_68 : vector<16xf32> to vector<16xf32>
    %swap3A_70 = vector.shape_cast %broadcast_in_dim3A_66 : vector<16xf32> to vector<16xf32>
    tpu.vector_store %arg6[%swap3A_67], %swap3A_70 {strides = array<i32>} : memref<640xf32, #tpu.memory_space<vmem>>, vector<16xf32>,
    %broadcast_in_dim3A_71 = arith.constant 0.000000e+00 : f32
    %broadcast_in_dim3A_72 = vector.broadcast %broadcast_in_dim3A_71 : f32 to vector<16xf32>
    %swap3A_73 = arith.constant 64 : index
    %swap3A_74 = tpu.vector_load %arg6[%swap3A_73] {strides = array<i32>} : memref<640xf32, #tpu.memory_space<vmem>>, vector<16xf32>,
    %swap3A_75 = vector.shape_cast %swap3A_74 : vector<16xf32> to vector<16xf32>
    %swap3A_76 = vector.shape_cast %broadcast_in_dim3A_72 : vector<16xf32> to vector<16xf32>
    tpu.vector_store %arg6[%swap3A_73], %swap3A_76 {strides = array<i32>} : memref<640xf32, #tpu.memory_space<vmem>>, vector<16xf32>,
    %broadcast_in_dim3A_77 = arith.constant 0.000000e+00 : f32
    %broadcast_in_dim3A_78 = vector.broadcast %broadcast_in_dim3A_77 : f32 to vector<16xf32>
    %swap3A_79 = arith.constant 80 : index
    %swap3A_80 = tpu.vector_load %arg6[%swap3A_79] {strides = array<i32>} : memref<640xf32, #tpu.memory_space<vmem>>, vector<16xf32>,
    %swap3A_81 = vector.shape_cast %swap3A_80 : vector<16xf32> to vector<16xf32>
    %swap3A_82 = vector.shape_cast %broadcast_in_dim3A_78 : vector<16xf32> to vector<16xf32>
    tpu.vector_store %arg6[%swap3A_79], %swap3A_82 {strides = array<i32>} : memref<640xf32, #tpu.memory_space<vmem>>, vector<16xf32>,
    %broadcast_in_dim3A_83 = arith.constant 0.000000e+00 : f32
    %broadcast_in_dim3A_84 = vector.broadcast %broadcast_in_dim3A_83 : f32 to vector<16xf32>
    %swap3A_85 = arith.constant 96 : index
    %swap3A_86 = tpu.vector_load %arg6[%swap3A_85] {strides = array<i32>} : memref<640xf32, #tpu.memory_space<vmem>>, vector<16xf32>,
    %swap3A_87 = vector.shape_cast %swap3A_86 : vector<16xf32> to vector<16xf32>
    %swap3A_88 = vector.shape_cast %broadcast_in_dim3A_84 : vector<16xf32> to vector<16xf32>
    tpu.vector_store %arg6[%swap3A_85], %swap3A_88 {strides = array<i32>} : memref<640xf32, #tpu.memory_space<vmem>>, vector<16xf32>,
    %broadcast_in_dim3A_89 = arith.constant 0.000000e+00 : f32
    %broadcast_in_dim3A_90 = vector.broadcast %broadcast_in_dim3A_89 : f32 to vector<16xf32>
    %swap3A_91 = arith.constant 112 : index
    %swap3A_92 = tpu.vector_load %arg6[%swap3A_91] {strides = array<i32>} : memref<640xf32, #tpu.memory_space<vmem>>, vector<16xf32>,
    %swap3A_93 = vector.shape_cast %swap3A_92 : vector<16xf32> to vector<16xf32>
    %swap3A_94 = vector.shape_cast %broadcast_in_dim3A_90 : vector<16xf32> to vector<16xf32>
    tpu.vector_store %arg6[%swap3A_91], %swap3A_94 {strides = array<i32>} : memref<640xf32, #tpu.memory_space<vmem>>, vector<16xf32>,
    %broadcast_in_dim3A_95 = arith.constant 0.000000e+00 : f32
    %broadcast_in_dim3A_96 = vector.broadcast %broadcast_in_dim3A_95 : f32 to vector<16xf32>
    %swap3A_97 = arith.constant 128 : index
    %swap3A_98 = tpu.vector_load %arg6[%swap3A_97] {strides = array<i32>} : memref<640xf32, #tpu.memory_space<vmem>>, vector<16xf32>,
    %swap3A_99 = vector.shape_cast %swap3A_98 : vector<16xf32> to vector<16xf32>
    %swap3A_100 = vector.shape_cast %broadcast_in_dim3A_96 : vector<16xf32> to vector<16xf32>
    tpu.vector_store %arg6[%swap3A_97], %swap3A_100 {strides = array<i32>} : memref<640xf32, #tpu.memory_space<vmem>>, vector<16xf32>,
    %broadcast_in_dim3A_101 = arith.constant 0.000000e+00 : f32
    %broadcast_in_dim3A_102 = vector.broadcast %broadcast_in_dim3A_101 : f32 to vector<16xf32>
    %swap3A_103 = arith.constant 144 : index
    %swap3A_104 = tpu.vector_load %arg6[%swap3A_103] {strides = array<i32>} : memref<640xf32, #tpu.memory_space<vmem>>, vector<16xf32>,
    %swap3A_105 = vector.shape_cast %swap3A_104 : vector<16xf32> to vector<16xf32>
    %swap3A_106 = vector.shape_cast %broadcast_in_dim3A_102 : vector<16xf32> to vector<16xf32>
    tpu.vector_store %arg6[%swap3A_103], %swap3A_106 {strides = array<i32>} : memref<640xf32, #tpu.memory_space<vmem>>, vector<16xf32>,
    %broadcast_in_dim3A_107 = arith.constant 0.000000e+00 : f32
    %broadcast_in_dim3A_108 = vector.broadcast %broadcast_in_dim3A_107 : f32 to vector<16xf32>
    %swap3A_109 = arith.constant 160 : index
    %swap3A_110 = tpu.vector_load %arg6[%swap3A_109] {strides = array<i32>} : memref<640xf32, #tpu.memory_space<vmem>>, vector<16xf32>,
    %swap3A_111 = vector.shape_cast %swap3A_110 : vector<16xf32> to vector<16xf32>
    %swap3A_112 = vector.shape_cast %broadcast_in_dim3A_108 : vector<16xf32> to vector<16xf32>
    tpu.vector_store %arg6[%swap3A_109], %swap3A_112 {strides = array<i32>} : memref<640xf32, #tpu.memory_space<vmem>>, vector<16xf32>,
    %broadcast_in_dim3A_113 = arith.constant 0.000000e+00 : f32
    %broadcast_in_dim3A_114 = vector.broadcast %broadcast_in_dim3A_113 : f32 to vector<16xf32>
    %swap3A_115 = arith.constant 176 : index
    %swap3A_116 = tpu.vector_load %arg6[%swap3A_115] {strides = array<i32>} : memref<640xf32, #tpu.memory_space<vmem>>, vector<16xf32>,
    %swap3A_117 = vector.shape_cast %swap3A_116 : vector<16xf32> to vector<16xf32>
    %swap3A_118 = vector.shape_cast %broadcast_in_dim3A_114 : vector<16xf32> to vector<16xf32>
    tpu.vector_store %arg6[%swap3A_115], %swap3A_118 {strides = array<i32>} : memref<640xf32, #tpu.memory_space<vmem>>, vector<16xf32>,
    %broadcast_in_dim3A_119 = arith.constant 0.000000e+00 : f32
    %broadcast_in_dim3A_120 = vector.broadcast %broadcast_in_dim3A_119 : f32 to vector<16xf32>
    %swap3A_121 = arith.constant 192 : index
    %swap3A_122 = tpu.vector_load %arg6[%swap3A_121] {strides = array<i32>} : memref<640xf32, #tpu.memory_space<vmem>>, vector<16xf32>,
    %swap3A_123 = vector.shape_cast %swap3A_122 : vector<16xf32> to vector<16xf32>
    %swap3A_124 = vector.shape_cast %broadcast_in_dim3A_120 : vector<16xf32> to vector<16xf32>
    tpu.vector_store %arg6[%swap3A_121], %swap3A_124 {strides = array<i32>} : memref<640xf32, #tpu.memory_space<vmem>>, vector<16xf32>,
    %broadcast_in_dim3A_125 = arith.constant 0.000000e+00 : f32
    %broadcast_in_dim3A_126 = vector.broadcast %broadcast_in_dim3A_125 : f32 to vector<16xf32>
    %swap3A_127 = arith.constant 208 : index
    %swap3A_128 = tpu.vector_load %arg6[%swap3A_127] {strides = array<i32>} : memref<640xf32, #tpu.memory_space<vmem>>, vector<16xf32>,
    %swap3A_129 = vector.shape_cast %swap3A_128 : vector<16xf32> to vector<16xf32>
    %swap3A_130 = vector.shape_cast %broadcast_in_dim3A_126 : vector<16xf32> to vector<16xf32>
    tpu.vector_store %arg6[%swap3A_127], %swap3A_130 {strides = array<i32>} : memref<640xf32, #tpu.memory_space<vmem>>, vector<16xf32>,
    %broadcast_in_dim3A_131 = arith.constant 0.000000e+00 : f32
    %broadcast_in_dim3A_132 = vector.broadcast %broadcast_in_dim3A_131 : f32 to vector<16xf32>
    %swap3A_133 = arith.constant 224 : index
    %swap3A_134 = tpu.vector_load %arg6[%swap3A_133] {strides = array<i32>} : memref<640xf32, #tpu.memory_space<vmem>>, vector<16xf32>,
    %swap3A_135 = vector.shape_cast %swap3A_134 : vector<16xf32> to vector<16xf32>
    %swap3A_136 = vector.shape_cast %broadcast_in_dim3A_132 : vector<16xf32> to vector<16xf32>
    tpu.vector_store %arg6[%swap3A_133], %swap3A_136 {strides = array<i32>} : memref<640xf32, #tpu.memory_space<vmem>>, vector<16xf32>,
    %broadcast_in_dim3A_137 = arith.constant 0.000000e+00 : f32
    %broadcast_in_dim3A_138 = vector.broadcast %broadcast_in_dim3A_137 : f32 to vector<16xf32>
    %swap3A_139 = arith.constant 240 : index
    %swap3A_140 = tpu.vector_load %arg6[%swap3A_139] {strides = array<i32>} : memref<640xf32, #tpu.memory_space<vmem>>, vector<16xf32>,
    %swap3A_141 = vector.shape_cast %swap3A_140 : vector<16xf32> to vector<16xf32>
    %swap3A_142 = vector.shape_cast %broadcast_in_dim3A_138 : vector<16xf32> to vector<16xf32>
    tpu.vector_store %arg6[%swap3A_139], %swap3A_142 {strides = array<i32>} : memref<640xf32, #tpu.memory_space<vmem>>, vector<16xf32>,
    %broadcast_in_dim3A_143 = arith.constant 0.000000e+00 : f32
    %broadcast_in_dim3A_144 = vector.broadcast %broadcast_in_dim3A_143 : f32 to vector<16xf32>
    %swap3A_145 = arith.constant 256 : index
    %swap3A_146 = tpu.vector_load %arg6[%swap3A_145] {strides = array<i32>} : memref<640xf32, #tpu.memory_space<vmem>>, vector<16xf32>,
    %swap3A_147 = vector.shape_cast %swap3A_146 : vector<16xf32> to vector<16xf32>
    %swap3A_148 = vector.shape_cast %broadcast_in_dim3A_144 : vector<16xf32> to vector<16xf32>
    tpu.vector_store %arg6[%swap3A_145], %swap3A_148 {strides = array<i32>} : memref<640xf32, #tpu.memory_space<vmem>>, vector<16xf32>,
    %broadcast_in_dim3A_149 = arith.constant 0.000000e+00 : f32
    %broadcast_in_dim3A_150 = vector.broadcast %broadcast_in_dim3A_149 : f32 to vector<16xf32>
    %swap3A_151 = arith.constant 272 : index
    %swap3A_152 = tpu.vector_load %arg6[%swap3A_151] {strides = array<i32>} : memref<640xf32, #tpu.memory_space<vmem>>, vector<16xf32>,
    %swap3A_153 = vector.shape_cast %swap3A_152 : vector<16xf32> to vector<16xf32>
    %swap3A_154 = vector.shape_cast %broadcast_in_dim3A_150 : vector<16xf32> to vector<16xf32>
    tpu.vector_store %arg6[%swap3A_151], %swap3A_154 {strides = array<i32>} : memref<640xf32, #tpu.memory_space<vmem>>, vector<16xf32>,
    %broadcast_in_dim3A_155 = arith.constant 0.000000e+00 : f32
    %broadcast_in_dim3A_156 = vector.broadcast %broadcast_in_dim3A_155 : f32 to vector<16xf32>
    %swap3A_157 = arith.constant 288 : index
    %swap3A_158 = tpu.vector_load %arg6[%swap3A_157] {strides = array<i32>} : memref<640xf32, #tpu.memory_space<vmem>>, vector<16xf32>,
    %swap3A_159 = vector.shape_cast %swap3A_158 : vector<16xf32> to vector<16xf32>
    %swap3A_160 = vector.shape_cast %broadcast_in_dim3A_156 : vector<16xf32> to vector<16xf32>
    tpu.vector_store %arg6[%swap3A_157], %swap3A_160 {strides = array<i32>} : memref<640xf32, #tpu.memory_space<vmem>>, vector<16xf32>,
    %broadcast_in_dim3A_161 = arith.constant 0.000000e+00 : f32
    %broadcast_in_dim3A_162 = vector.broadcast %broadcast_in_dim3A_161 : f32 to vector<16xf32>
    %swap3A_163 = arith.constant 304 : index
    %swap3A_164 = tpu.vector_load %arg6[%swap3A_163] {strides = array<i32>} : memref<640xf32, #tpu.memory_space<vmem>>, vector<16xf32>,
    %swap3A_165 = vector.shape_cast %swap3A_164 : vector<16xf32> to vector<16xf32>
    %swap3A_166 = vector.shape_cast %broadcast_in_dim3A_162 : vector<16xf32> to vector<16xf32>
    tpu.vector_store %arg6[%swap3A_163], %swap3A_166 {strides = array<i32>} : memref<640xf32, #tpu.memory_space<vmem>>, vector<16xf32>,
    %broadcast_in_dim3A_167 = arith.constant 0.000000e+00 : f32
    %broadcast_in_dim3A_168 = vector.broadcast %broadcast_in_dim3A_167 : f32 to vector<16xf32>
    %swap3A_169 = arith.constant 320 : index
    %swap3A_170 = tpu.vector_load %arg6[%swap3A_169] {strides = array<i32>} : memref<640xf32, #tpu.memory_space<vmem>>, vector<16xf32>,
    %swap3A_171 = vector.shape_cast %swap3A_170 : vector<16xf32> to vector<16xf32>
    %swap3A_172 = vector.shape_cast %broadcast_in_dim3A_168 : vector<16xf32> to vector<16xf32>
    tpu.vector_store %arg6[%swap3A_169], %swap3A_172 {strides = array<i32>} : memref<640xf32, #tpu.memory_space<vmem>>, vector<16xf32>,
    %broadcast_in_dim3A_173 = arith.constant 0.000000e+00 : f32
    %broadcast_in_dim3A_174 = vector.broadcast %broadcast_in_dim3A_173 : f32 to vector<16xf32>
    %swap3A_175 = arith.constant 336 : index
    %swap3A_176 = tpu.vector_load %arg6[%swap3A_175] {strides = array<i32>} : memref<640xf32, #tpu.memory_space<vmem>>, vector<16xf32>,
    %swap3A_177 = vector.shape_cast %swap3A_176 : vector<16xf32> to vector<16xf32>
    %swap3A_178 = vector.shape_cast %broadcast_in_dim3A_174 : vector<16xf32> to vector<16xf32>
    tpu.vector_store %arg6[%swap3A_175], %swap3A_178 {strides = array<i32>} : memref<640xf32, #tpu.memory_space<vmem>>, vector<16xf32>,
    %broadcast_in_dim3A_179 = arith.constant 0.000000e+00 : f32
    %broadcast_in_dim3A_180 = vector.broadcast %broadcast_in_dim3A_179 : f32 to vector<16xf32>
    %swap3A_181 = arith.constant 352 : index
    %swap3A_182 = tpu.vector_load %arg6[%swap3A_181] {strides = array<i32>} : memref<640xf32, #tpu.memory_space<vmem>>, vector<16xf32>,
    %swap3A_183 = vector.shape_cast %swap3A_182 : vector<16xf32> to vector<16xf32>
    %swap3A_184 = vector.shape_cast %broadcast_in_dim3A_180 : vector<16xf32> to vector<16xf32>
    tpu.vector_store %arg6[%swap3A_181], %swap3A_184 {strides = array<i32>} : memref<640xf32, #tpu.memory_space<vmem>>, vector<16xf32>,
    %broadcast_in_dim3A_185 = arith.constant 0.000000e+00 : f32
    %broadcast_in_dim3A_186 = vector.broadcast %broadcast_in_dim3A_185 : f32 to vector<16xf32>
    %swap3A_187 = arith.constant 368 : index
    %swap3A_188 = tpu.vector_load %arg6[%swap3A_187] {strides = array<i32>} : memref<640xf32, #tpu.memory_space<vmem>>, vector<16xf32>,
    %swap3A_189 = vector.shape_cast %swap3A_188 : vector<16xf32> to vector<16xf32>
    %swap3A_190 = vector.shape_cast %broadcast_in_dim3A_186 : vector<16xf32> to vector<16xf32>
    tpu.vector_store %arg6[%swap3A_187], %swap3A_190 {strides = array<i32>} : memref<640xf32, #tpu.memory_space<vmem>>, vector<16xf32>,
    %broadcast_in_dim3A_191 = arith.constant 0.000000e+00 : f32
    %broadcast_in_dim3A_192 = vector.broadcast %broadcast_in_dim3A_191 : f32 to vector<16xf32>
    %swap3A_193 = arith.constant 384 : index
    %swap3A_194 = tpu.vector_load %arg6[%swap3A_193] {strides = array<i32>} : memref<640xf32, #tpu.memory_space<vmem>>, vector<16xf32>,
    %swap3A_195 = vector.shape_cast %swap3A_194 : vector<16xf32> to vector<16xf32>
    %swap3A_196 = vector.shape_cast %broadcast_in_dim3A_192 : vector<16xf32> to vector<16xf32>
    tpu.vector_store %arg6[%swap3A_193], %swap3A_196 {strides = array<i32>} : memref<640xf32, #tpu.memory_space<vmem>>, vector<16xf32>,
    %broadcast_in_dim3A_197 = arith.constant 0.000000e+00 : f32
    %broadcast_in_dim3A_198 = vector.broadcast %broadcast_in_dim3A_197 : f32 to vector<16xf32>
    %swap3A_199 = arith.constant 400 : index
    %swap3A_200 = tpu.vector_load %arg6[%swap3A_199] {strides = array<i32>} : memref<640xf32, #tpu.memory_space<vmem>>, vector<16xf32>,
    %swap3A_201 = vector.shape_cast %swap3A_200 : vector<16xf32> to vector<16xf32>
    %swap3A_202 = vector.shape_cast %broadcast_in_dim3A_198 : vector<16xf32> to vector<16xf32>
    tpu.vector_store %arg6[%swap3A_199], %swap3A_202 {strides = array<i32>} : memref<640xf32, #tpu.memory_space<vmem>>, vector<16xf32>,
    %broadcast_in_dim3A_203 = arith.constant 0.000000e+00 : f32
    %broadcast_in_dim3A_204 = vector.broadcast %broadcast_in_dim3A_203 : f32 to vector<16xf32>
    %swap3A_205 = arith.constant 416 : index
    %swap3A_206 = tpu.vector_load %arg6[%swap3A_205] {strides = array<i32>} : memref<640xf32, #tpu.memory_space<vmem>>, vector<16xf32>,
    %swap3A_207 = vector.shape_cast %swap3A_206 : vector<16xf32> to vector<16xf32>
    %swap3A_208 = vector.shape_cast %broadcast_in_dim3A_204 : vector<16xf32> to vector<16xf32>
    tpu.vector_store %arg6[%swap3A_205], %swap3A_208 {strides = array<i32>} : memref<640xf32, #tpu.memory_space<vmem>>, vector<16xf32>,
    %broadcast_in_dim3A_209 = arith.constant 0.000000e+00 : f32
    %broadcast_in_dim3A_210 = vector.broadcast %broadcast_in_dim3A_209 : f32 to vector<16xf32>
    %swap3A_211 = arith.constant 432 : index
    %swap3A_212 = tpu.vector_load %arg6[%swap3A_211] {strides = array<i32>} : memref<640xf32, #tpu.memory_space<vmem>>, vector<16xf32>,
    %swap3A_213 = vector.shape_cast %swap3A_212 : vector<16xf32> to vector<16xf32>
    %swap3A_214 = vector.shape_cast %broadcast_in_dim3A_210 : vector<16xf32> to vector<16xf32>
    tpu.vector_store %arg6[%swap3A_211], %swap3A_214 {strides = array<i32>} : memref<640xf32, #tpu.memory_space<vmem>>, vector<16xf32>,
    %broadcast_in_dim3A_215 = arith.constant 0.000000e+00 : f32
    %broadcast_in_dim3A_216 = vector.broadcast %broadcast_in_dim3A_215 : f32 to vector<16xf32>
    %swap3A_217 = arith.constant 448 : index
    %swap3A_218 = tpu.vector_load %arg6[%swap3A_217] {strides = array<i32>} : memref<640xf32, #tpu.memory_space<vmem>>, vector<16xf32>,
    %swap3A_219 = vector.shape_cast %swap3A_218 : vector<16xf32> to vector<16xf32>
    %swap3A_220 = vector.shape_cast %broadcast_in_dim3A_216 : vector<16xf32> to vector<16xf32>
    tpu.vector_store %arg6[%swap3A_217], %swap3A_220 {strides = array<i32>} : memref<640xf32, #tpu.memory_space<vmem>>, vector<16xf32>,
    %broadcast_in_dim3A_221 = arith.constant 0.000000e+00 : f32
    %broadcast_in_dim3A_222 = vector.broadcast %broadcast_in_dim3A_221 : f32 to vector<16xf32>
    %swap3A_223 = arith.constant 464 : index
    %swap3A_224 = tpu.vector_load %arg6[%swap3A_223] {strides = array<i32>} : memref<640xf32, #tpu.memory_space<vmem>>, vector<16xf32>,
    %swap3A_225 = vector.shape_cast %swap3A_224 : vector<16xf32> to vector<16xf32>
    %swap3A_226 = vector.shape_cast %broadcast_in_dim3A_222 : vector<16xf32> to vector<16xf32>
    tpu.vector_store %arg6[%swap3A_223], %swap3A_226 {strides = array<i32>} : memref<640xf32, #tpu.memory_space<vmem>>, vector<16xf32>,
    %broadcast_in_dim3A_227 = arith.constant 0.000000e+00 : f32
    %broadcast_in_dim3A_228 = vector.broadcast %broadcast_in_dim3A_227 : f32 to vector<16xf32>
    %swap3A_229 = arith.constant 480 : index
    %swap3A_230 = tpu.vector_load %arg6[%swap3A_229] {strides = array<i32>} : memref<640xf32, #tpu.memory_space<vmem>>, vector<16xf32>,
    %swap3A_231 = vector.shape_cast %swap3A_230 : vector<16xf32> to vector<16xf32>
    %swap3A_232 = vector.shape_cast %broadcast_in_dim3A_228 : vector<16xf32> to vector<16xf32>
    tpu.vector_store %arg6[%swap3A_229], %swap3A_232 {strides = array<i32>} : memref<640xf32, #tpu.memory_space<vmem>>, vector<16xf32>,
    %broadcast_in_dim3A_233 = arith.constant 0.000000e+00 : f32
    %broadcast_in_dim3A_234 = vector.broadcast %broadcast_in_dim3A_233 : f32 to vector<16xf32>
    %swap3A_235 = arith.constant 496 : index
    %swap3A_236 = tpu.vector_load %arg6[%swap3A_235] {strides = array<i32>} : memref<640xf32, #tpu.memory_space<vmem>>, vector<16xf32>,
    %swap3A_237 = vector.shape_cast %swap3A_236 : vector<16xf32> to vector<16xf32>
    %swap3A_238 = vector.shape_cast %broadcast_in_dim3A_234 : vector<16xf32> to vector<16xf32>
    tpu.vector_store %arg6[%swap3A_235], %swap3A_238 {strides = array<i32>} : memref<640xf32, #tpu.memory_space<vmem>>, vector<16xf32>,
    %broadcast_in_dim3A_239 = arith.constant 0.000000e+00 : f32
    %broadcast_in_dim3A_240 = vector.broadcast %broadcast_in_dim3A_239 : f32 to vector<16xf32>
    %swap3A_241 = arith.constant 512 : index
    %swap3A_242 = tpu.vector_load %arg6[%swap3A_241] {strides = array<i32>} : memref<640xf32, #tpu.memory_space<vmem>>, vector<16xf32>,
    %swap3A_243 = vector.shape_cast %swap3A_242 : vector<16xf32> to vector<16xf32>
    %swap3A_244 = vector.shape_cast %broadcast_in_dim3A_240 : vector<16xf32> to vector<16xf32>
    tpu.vector_store %arg6[%swap3A_241], %swap3A_244 {strides = array<i32>} : memref<640xf32, #tpu.memory_space<vmem>>, vector<16xf32>,
    %broadcast_in_dim3A_245 = arith.constant 0.000000e+00 : f32
    %broadcast_in_dim3A_246 = vector.broadcast %broadcast_in_dim3A_245 : f32 to vector<16xf32>
    %swap3A_247 = arith.constant 528 : index
    %swap3A_248 = tpu.vector_load %arg6[%swap3A_247] {strides = array<i32>} : memref<640xf32, #tpu.memory_space<vmem>>, vector<16xf32>,
    %swap3A_249 = vector.shape_cast %swap3A_248 : vector<16xf32> to vector<16xf32>
    %swap3A_250 = vector.shape_cast %broadcast_in_dim3A_246 : vector<16xf32> to vector<16xf32>
    tpu.vector_store %arg6[%swap3A_247], %swap3A_250 {strides = array<i32>} : memref<640xf32, #tpu.memory_space<vmem>>, vector<16xf32>,
    %broadcast_in_dim3A_251 = arith.constant 0.000000e+00 : f32
    %broadcast_in_dim3A_252 = vector.broadcast %broadcast_in_dim3A_251 : f32 to vector<16xf32>
    %swap3A_253 = arith.constant 544 : index
    %swap3A_254 = tpu.vector_load %arg6[%swap3A_253] {strides = array<i32>} : memref<640xf32, #tpu.memory_space<vmem>>, vector<16xf32>,
    %swap3A_255 = vector.shape_cast %swap3A_254 : vector<16xf32> to vector<16xf32>
    %swap3A_256 = vector.shape_cast %broadcast_in_dim3A_252 : vector<16xf32> to vector<16xf32>
    tpu.vector_store %arg6[%swap3A_253], %swap3A_256 {strides = array<i32>} : memref<640xf32, #tpu.memory_space<vmem>>, vector<16xf32>,
    %broadcast_in_dim3A_257 = arith.constant 0.000000e+00 : f32
    %broadcast_in_dim3A_258 = vector.broadcast %broadcast_in_dim3A_257 : f32 to vector<16xf32>
    %swap3A_259 = arith.constant 560 : index
    %swap3A_260 = tpu.vector_load %arg6[%swap3A_259] {strides = array<i32>} : memref<640xf32, #tpu.memory_space<vmem>>, vector<16xf32>,
    %swap3A_261 = vector.shape_cast %swap3A_260 : vector<16xf32> to vector<16xf32>
    %swap3A_262 = vector.shape_cast %broadcast_in_dim3A_258 : vector<16xf32> to vector<16xf32>
    tpu.vector_store %arg6[%swap3A_259], %swap3A_262 {strides = array<i32>} : memref<640xf32, #tpu.memory_space<vmem>>, vector<16xf32>,
    %broadcast_in_dim3A_263 = arith.constant 0.000000e+00 : f32
    %broadcast_in_dim3A_264 = vector.broadcast %broadcast_in_dim3A_263 : f32 to vector<16xf32>
    %swap3A_265 = arith.constant 576 : index
    %swap3A_266 = tpu.vector_load %arg6[%swap3A_265] {strides = array<i32>} : memref<640xf32, #tpu.memory_space<vmem>>, vector<16xf32>,
    %swap3A_267 = vector.shape_cast %swap3A_266 : vector<16xf32> to vector<16xf32>
    %swap3A_268 = vector.shape_cast %broadcast_in_dim3A_264 : vector<16xf32> to vector<16xf32>
    tpu.vector_store %arg6[%swap3A_265], %swap3A_268 {strides = array<i32>} : memref<640xf32, #tpu.memory_space<vmem>>, vector<16xf32>,
    %broadcast_in_dim3A_269 = arith.constant 0.000000e+00 : f32
    %broadcast_in_dim3A_270 = vector.broadcast %broadcast_in_dim3A_269 : f32 to vector<16xf32>
    %swap3A_271 = arith.constant 592 : index
    %swap3A_272 = tpu.vector_load %arg6[%swap3A_271] {strides = array<i32>} : memref<640xf32, #tpu.memory_space<vmem>>, vector<16xf32>,
    %swap3A_273 = vector.shape_cast %swap3A_272 : vector<16xf32> to vector<16xf32>
    %swap3A_274 = vector.shape_cast %broadcast_in_dim3A_270 : vector<16xf32> to vector<16xf32>
    tpu.vector_store %arg6[%swap3A_271], %swap3A_274 {strides = array<i32>} : memref<640xf32, #tpu.memory_space<vmem>>, vector<16xf32>,
    %broadcast_in_dim3A_275 = arith.constant 0.000000e+00 : f32
    %broadcast_in_dim3A_276 = vector.broadcast %broadcast_in_dim3A_275 : f32 to vector<16xf32>
    %swap3A_277 = arith.constant 608 : index
    %swap3A_278 = tpu.vector_load %arg6[%swap3A_277] {strides = array<i32>} : memref<640xf32, #tpu.memory_space<vmem>>, vector<16xf32>,
    %swap3A_279 = vector.shape_cast %swap3A_278 : vector<16xf32> to vector<16xf32>
    %swap3A_280 = vector.shape_cast %broadcast_in_dim3A_276 : vector<16xf32> to vector<16xf32>
    tpu.vector_store %arg6[%swap3A_277], %swap3A_280 {strides = array<i32>} : memref<640xf32, #tpu.memory_space<vmem>>, vector<16xf32>,
    %broadcast_in_dim3A_281 = arith.constant 0.000000e+00 : f32
    %broadcast_in_dim3A_282 = vector.broadcast %broadcast_in_dim3A_281 : f32 to vector<16xf32>
    %swap3A_283 = arith.constant 624 : index
    %swap3A_284 = tpu.vector_load %arg6[%swap3A_283] {strides = array<i32>} : memref<640xf32, #tpu.memory_space<vmem>>, vector<16xf32>,
    %swap3A_285 = vector.shape_cast %swap3A_284 : vector<16xf32> to vector<16xf32>
    %swap3A_286 = vector.shape_cast %broadcast_in_dim3A_282 : vector<16xf32> to vector<16xf32>
    tpu.vector_store %arg6[%swap3A_283], %swap3A_286 {strides = array<i32>} : memref<640xf32, #tpu.memory_space<vmem>>, vector<16xf32>,
    %lt3A = arith.constant 15 : i32
    %lt3A_287 = arith.cmpi slt, %arg1, %lt3A : i32
    %convert_element_type3A = arith.extui %lt3A_287 : i1 to i32
    %cond3A = arith.constant 0 : i32
    %cond3A_288 = arith.cmpi ne, %convert_element_type3A, %cond3A : i32
    scf.if %cond3A_288 {
      %mul3A_315 = arith.constant 640 : i32
      %mul3A_316 = arith.muli %arg1, %mul3A_315 : i32
      "tpu.region"() ({
        %run_scoped3A = tpu.sem_alloc : memref<!tpu.dma_semaphore, #tpu.memory_space<semaphore_mem>>
        %dma_start3A = tpu.memref_slice %arg7[%mul3A_316] : memref<10112xf32, #tpu.memory_space<vmem_shared>> -> memref<640xf32, #tpu.memory_space<vmem_shared>>
        %dma_start3A_317 = tpu.memref_slice %arg7[%mul3A_316] : memref<10112xf32, #tpu.memory_space<vmem_shared>> -> memref<640xf32, #tpu.memory_space<vmem_shared>>
        tpu.enqueue_dma source(%arg6 : memref<640xf32, #tpu.memory_space<vmem>>) target(%dma_start3A_317 : memref<640xf32, #tpu.memory_space<vmem_shared>>) target_semaphore(%run_scoped3A : memref<!tpu.dma_semaphore, #tpu.memory_space<semaphore_mem>>)
        %dma_wait3A = tpu.memref_slice %arg7[%mul3A_316] : memref<10112xf32, #tpu.memory_space<vmem_shared>> -> memref<640xf32, #tpu.memory_space<vmem_shared>>
        %dma_wait3A_318 = tpu.memref_slice %arg7[%mul3A_316] : memref<10112xf32, #tpu.memory_space<vmem_shared>> -> memref<640xf32, #tpu.memory_space<vmem_shared>>
        tpu.wait_dma2 semaphore(%run_scoped3A : memref<!tpu.dma_semaphore, #tpu.memory_space<semaphore_mem>>) src(%arg6 : memref<640xf32, #tpu.memory_space<vmem>>) dst(%dma_wait3A_318 : memref<640xf32, #tpu.memory_space<vmem_shared>>)
        tpu.yield
      }) : () -> ()
    } else {
    }
    %eq3A = arith.constant 15 : i32
    %eq3A_289 = arith.cmpi eq, %arg1, %eq3A : i32
    %convert_element_type3A_290 = arith.extui %eq3A_289 : i1 to i32
    %cond3A_291 = arith.constant 0 : i32
    %cond3A_292 = arith.cmpi ne, %convert_element_type3A_290, %cond3A_291 : i32
    scf.if %cond3A_292 {
      "tpu.region"() ({
        %run_scoped3A = tpu.sem_alloc : memref<!tpu.dma_semaphore, #tpu.memory_space<semaphore_mem>>
        %dma_start3A = arith.constant 0 : i32
        %dma_start3A_315 = tpu.memref_slice %arg6[%dma_start3A] : memref<640xf32, #tpu.memory_space<vmem>> -> memref<512xf32, #tpu.memory_space<vmem>>
        %dma_start3A_316 = arith.constant 9600 : i32
        %dma_start3A_317 = tpu.memref_slice %arg7[%dma_start3A_316] : memref<10112xf32, #tpu.memory_space<vmem_shared>> -> memref<512xf32, #tpu.memory_space<vmem_shared>>
        %dma_start3A_318 = arith.constant 9600 : i32
        %dma_start3A_319 = tpu.memref_slice %arg7[%dma_start3A_318] : memref<10112xf32, #tpu.memory_space<vmem_shared>> -> memref<512xf32, #tpu.memory_space<vmem_shared>>
        %dma_start3A_320 = arith.constant 0 : i32
        %dma_start3A_321 = tpu.memref_slice %arg6[%dma_start3A_320] : memref<640xf32, #tpu.memory_space<vmem>> -> memref<512xf32, #tpu.memory_space<vmem>>
        tpu.enqueue_dma source(%dma_start3A_321 : memref<512xf32, #tpu.memory_space<vmem>>) target(%dma_start3A_319 : memref<512xf32, #tpu.memory_space<vmem_shared>>) target_semaphore(%run_scoped3A : memref<!tpu.dma_semaphore, #tpu.memory_space<semaphore_mem>>)
        %dma_wait3A = arith.constant 0 : i32
        %dma_wait3A_322 = tpu.memref_slice %arg6[%dma_wait3A] : memref<640xf32, #tpu.memory_space<vmem>> -> memref<512xf32, #tpu.memory_space<vmem>>
        %dma_wait3A_323 = arith.constant 9600 : i32
        %dma_wait3A_324 = tpu.memref_slice %arg7[%dma_wait3A_323] : memref<10112xf32, #tpu.memory_space<vmem_shared>> -> memref<512xf32, #tpu.memory_space<vmem_shared>>
        %dma_wait3A_325 = arith.constant 9600 : i32
        %dma_wait3A_326 = tpu.memref_slice %arg7[%dma_wait3A_325] : memref<10112xf32, #tpu.memory_space<vmem_shared>> -> memref<512xf32, #tpu.memory_space<vmem_shared>>
        %dma_wait3A_327 = arith.constant 0 : i32
        %dma_wait3A_328 = tpu.memref_slice %arg6[%dma_wait3A_327] : memref<640xf32, #tpu.memory_space<vmem>> -> memref<512xf32, #tpu.memory_space<vmem>>
        tpu.wait_dma2 semaphore(%run_scoped3A : memref<!tpu.dma_semaphore, #tpu.memory_space<semaphore_mem>>) src(%dma_wait3A_328 : memref<512xf32, #tpu.memory_space<vmem>>) dst(%dma_wait3A_326 : memref<512xf32, #tpu.memory_space<vmem_shared>>)
        tpu.yield
      }) : () -> ()
    } else {
    }
    %barrier3A = arith.constant 0 : index
    tpu.barrier barrier_id(%barrier3A)
    %scan3A = arith.constant 0 : i32
    %scan3A_293 = arith.constant 0 : i32
    %scan3A_294 = arith.constant 80 : i32
    %scan3A_295 = arith.addi %scan3A_293, %scan3A_294 : i32
    %scan3A_296 = arith.constant 1 : i32
    scf.for %scan3A_315 = %scan3A_293 to %scan3A_295 step %scan3A_296  : i32 {
      %dma_start3A = arith.constant 0 : i32
      %dma_start3A_316 = tpu.memref_slice %arg4[%scan3A_315, %dma_start3A] : memref<80x128xi32, #tpu.memory_space<vmem>> -> memref<1x128xi32, #tpu.memory_space<vmem>>
      %dma_start3A_317 = tpu.memref_squeeze %dma_start3A_316 : memref<1x128xi32, #tpu.memory_space<vmem>> -> memref<128xi32, #tpu.memory_space<vmem>>
      %dma_start3A_318 = arith.constant 0 : i32
      %dma_start3A_319 = tpu.memref_slice %arg7[%dma_start3A_318] : memref<10112xf32, #tpu.memory_space<vmem_shared>> -> memref<10112xf32, #tpu.memory_space<vmem_shared>>
      tpu.enqueue_indirect_dma source(%arg5 : memref<128xf32, #tpu.memory_space<vmem>>) target(%dma_start3A_319 : memref<10112xf32, #tpu.memory_space<vmem_shared>>) offsets(%dma_start3A_317 : memref<128xi32, #tpu.memory_space<vmem>>) semaphore(%arg8 : memref<!tpu.dma_semaphore, #tpu.memory_space<semaphore_mem>>) {add = true}
    }
    %scan3A_297 = arith.constant 80 : i32
    %scan3A_298 = arith.constant 0 : i32
    %scan3A_299 = arith.constant 0 : i32
    %scan3A_300 = arith.constant 80 : i32
    %scan3A_301 = arith.addi %scan3A_299, %scan3A_300 : i32
    %scan3A_302 = arith.constant 1 : i32
    scf.for %scan3A_315 = %scan3A_299 to %scan3A_301 step %scan3A_302  : i32 {
      %dma_wait3A = arith.constant 0 : i32
      %dma_wait3A_316 = arith.constant 0 : i32
      %dma_wait3A_317 = tpu.memref_slice %arg4[%dma_wait3A, %dma_wait3A_316] : memref<80x128xi32, #tpu.memory_space<vmem>> -> memref<1x128xi32, #tpu.memory_space<vmem>>
      %dma_wait3A_318 = tpu.memref_squeeze %dma_wait3A_317 : memref<1x128xi32, #tpu.memory_space<vmem>> -> memref<128xi32, #tpu.memory_space<vmem>>
      %dma_wait3A_319 = arith.constant 0 : i32
      %dma_wait3A_320 = tpu.memref_slice %arg7[%dma_wait3A_319] : memref<10112xf32, #tpu.memory_space<vmem_shared>> -> memref<10112xf32, #tpu.memory_space<vmem_shared>>
      tpu.wait_indirect_dma semaphore(%arg8 : memref<!tpu.dma_semaphore, #tpu.memory_space<semaphore_mem>>) src(%arg5 : memref<128xf32, #tpu.memory_space<vmem>>) dst(%dma_wait3A_320 : memref<10112xf32, #tpu.memory_space<vmem_shared>>)
    }
    %scan3A_303 = arith.constant 80 : i32
    %barrier3A_304 = arith.constant 0 : index
    tpu.barrier barrier_id(%barrier3A_304)
    %lt3A_305 = arith.constant 15 : i32
    %lt3A_306 = arith.cmpi slt, %arg1, %lt3A_305 : i32
    %convert_element_type3A_307 = arith.extui %lt3A_306 : i1 to i32
    %cond3A_308 = arith.constant 0 : i32
    %cond3A_309 = arith.cmpi ne, %convert_element_type3A_307, %cond3A_308 : i32
    scf.if %cond3A_309 {
      %mul3A_315 = arith.constant 640 : i32
      %mul3A_316 = arith.muli %arg1, %mul3A_315 : i32
      %mul3A_317 = arith.constant 10112 : i32
      %mul3A_318 = arith.muli %arg0, %mul3A_317 : i32
      %mul3A_319 = arith.constant 640 : i32
      %mul3A_320 = arith.muli %arg1, %mul3A_319 : i32
      %add3A_321 = arith.addi %mul3A_318, %mul3A_320 : i32
      "tpu.region"() ({
        %run_scoped3A = tpu.sem_alloc : memref<!tpu.dma_semaphore, #tpu.memory_space<semaphore_mem>>
        %dma_start3A = tpu.memref_slice %arg3[%add3A_321] : memref<20224xf32, #tpu.memory_space<hbm>> -> memref<640xf32, #tpu.memory_space<hbm>>
        %dma_start3A_322 = tpu.memref_slice %arg7[%mul3A_316] : memref<10112xf32, #tpu.memory_space<vmem_shared>> -> memref<640xf32, #tpu.memory_space<vmem_shared>>
        tpu.enqueue_dma source(%dma_start3A_322 : memref<640xf32, #tpu.memory_space<vmem_shared>>) target(%dma_start3A : memref<640xf32, #tpu.memory_space<hbm>>) target_semaphore(%run_scoped3A : memref<!tpu.dma_semaphore, #tpu.memory_space<semaphore_mem>>)
        %dma_wait3A = tpu.memref_slice %arg3[%add3A_321] : memref<20224xf32, #tpu.memory_space<hbm>> -> memref<640xf32, #tpu.memory_space<hbm>>
        %dma_wait3A_323 = tpu.memref_slice %arg7[%mul3A_316] : memref<10112xf32, #tpu.memory_space<vmem_shared>> -> memref<640xf32, #tpu.memory_space<vmem_shared>>
        tpu.wait_dma2 semaphore(%run_scoped3A : memref<!tpu.dma_semaphore, #tpu.memory_space<semaphore_mem>>) src(%dma_wait3A_323 : memref<640xf32, #tpu.memory_space<vmem_shared>>) dst(%dma_wait3A : memref<640xf32, #tpu.memory_space<hbm>>)
        tpu.yield
      }) : () -> ()
    } else {
    }
    %eq3A_310 = arith.constant 15 : i32
    %eq3A_311 = arith.cmpi eq, %arg1, %eq3A_310 : i32
    %convert_element_type3A_312 = arith.extui %eq3A_311 : i1 to i32
    %cond3A_313 = arith.constant 0 : i32
    %cond3A_314 = arith.cmpi ne, %convert_element_type3A_312, %cond3A_313 : i32
    scf.if %cond3A_314 {
      %mul3A_315 = arith.constant 10112 : i32
      %mul3A_316 = arith.muli %arg0, %mul3A_315 : i32
      %add3A_317 = arith.constant 9600 : i32
      %add3A_318 = arith.addi %mul3A_316, %add3A_317 : i32
      "tpu.region"() ({
        %run_scoped3A = tpu.sem_alloc : memref<!tpu.dma_semaphore, #tpu.memory_space<semaphore_mem>>
        %dma_start3A = tpu.memref_slice %arg3[%add3A_318] : memref<20224xf32, #tpu.memory_space<hbm>> -> memref<512xf32, #tpu.memory_space<hbm>>
        %dma_start3A_319 = arith.constant 9600 : i32
        %dma_start3A_320 = tpu.memref_slice %arg7[%dma_start3A_319] : memref<10112xf32, #tpu.memory_space<vmem_shared>> -> memref<512xf32, #tpu.memory_space<vmem_shared>>
        tpu.enqueue_dma source(%dma_start3A_320 : memref<512xf32, #tpu.memory_space<vmem_shared>>) target(%dma_start3A : memref<512xf32, #tpu.memory_space<hbm>>) target_semaphore(%run_scoped3A : memref<!tpu.dma_semaphore, #tpu.memory_space<semaphore_mem>>)
        %dma_wait3A = tpu.memref_slice %arg3[%add3A_318] : memref<20224xf32, #tpu.memory_space<hbm>> -> memref<512xf32, #tpu.memory_space<hbm>>
        %dma_wait3A_321 = arith.constant 9600 : i32
        %dma_wait3A_322 = tpu.memref_slice %arg7[%dma_wait3A_321] : memref<10112xf32, #tpu.memory_space<vmem_shared>> -> memref<512xf32, #tpu.memory_space<vmem_shared>>
        tpu.wait_dma2 semaphore(%run_scoped3A : memref<!tpu.dma_semaphore, #tpu.memory_space<semaphore_mem>>) src(%dma_wait3A_322 : memref<512xf32, #tpu.memory_space<vmem_shared>>) dst(%dma_wait3A : memref<512xf32, #tpu.memory_space<hbm>>)
        tpu.yield
      }) : () -> ()
    } else {
    }
    return
  }
}

module attributes {stable_mosaic.version = 14 : i64} {
  func.func @_tc_prep_body(%arg0: i32, %arg1: memref<632x2xf32, #tpu.memory_space<vmem>>, %arg2: memref<632x128xf32, #tpu.memory_space<vmem>>, %arg3: memref<632x128xf32, #tpu.memory_space<vmem>>) attributes {dimension_semantics = [#tpu.dimension_semantics<arbitrary>], iteration_bounds = array<i64: 16>, scalar_prefetch = 0 : i64, scratch_operands = 0 : i64, tpu.core_type = #tpu.core_type<tc>, window_params = [{transform_indices = @transform_0, window_bounds = array<i64: 632, 2>}, {transform_indices = @transform_1, window_bounds = array<i64: 632, 128>}, {transform_indices = @transform_2, window_bounds = array<i64: 632, 128>}]} {
    %get3A = arith.constant 0 : index
    %get3A_0 = arith.constant 0 : index
    %get3A_1 = vector.load %arg1[%get3A, %get3A_0] : memref<632x2xf32, #tpu.memory_space<vmem>>, vector<632x1xf32>
    %get3A_2 = vector.shape_cast %get3A_1 : vector<632x1xf32> to vector<632xf32>
    %get3A_3 = arith.constant 0 : index
    %get3A_4 = arith.constant 1 : index
    %get3A_5 = vector.load %arg1[%get3A_3, %get3A_4] : memref<632x2xf32, #tpu.memory_space<vmem>>, vector<632x1xf32>
    %get3A_6 = vector.shape_cast %get3A_5 : vector<632x1xf32> to vector<632xf32>
    %add3A = arith.addf %get3A_2, %get3A_6 : vector<632xf32>
    %add3A_7 = arith.constant 1.000000e+00 : f32
    %add3A_8 = vector.broadcast %add3A_7 : f32 to vector<632xf32>
    %add3A_9 = arith.addf %add3A, %add3A_8 : vector<632xf32>
    %rsqrt3A = math.rsqrt %add3A_9 : vector<632xf32>
    %get3A_10 = arith.constant 0 : index
    %get3A_11 = arith.constant 0 : index
    %get3A_12 = vector.load %arg2[%get3A_10, %get3A_11] : memref<632x128xf32, #tpu.memory_space<vmem>>, vector<632x128xf32>
    %broadcast_in_dim3A = vector.shape_cast %rsqrt3A : vector<632xf32> to vector<632x1xf32>
    %mul3A = vector.broadcast %broadcast_in_dim3A : vector<632x1xf32> to vector<632x128xf32>
    %mul3A_13 = arith.mulf %get3A_12, %mul3A : vector<632x128xf32>
    %swap3A = arith.constant 0 : index
    %swap3A_14 = arith.constant 0 : index
    %swap3A_15 = vector.load %arg3[%swap3A, %swap3A_14] : memref<632x128xf32, #tpu.memory_space<vmem>>, vector<632x128xf32>
    tpu.vector_store %arg3[%swap3A, %swap3A_14], %mul3A_13 {strides = array<i32>} : memref<632x128xf32, #tpu.memory_space<vmem>>, vector<632x128xf32>,
    return
  }
  func.func @transform_0(%arg0: i32) -> (i32, i32) {
    %c0_i32 = arith.constant 0 : i32
    %c0_i32_0 = arith.constant 0 : i32
    return %arg0, %c0_i32 : i32, i32
  }
  func.func @transform_1(%arg0: i32) -> (i32, i32) {
    %c0_i32 = arith.constant 0 : i32
    %c0_i32_0 = arith.constant 0 : i32
    return %arg0, %c0_i32 : i32, i32
  }
  func.func @transform_2(%arg0: i32) -> (i32, i32) {
    %c0_i32 = arith.constant 0 : i32
    %c0_i32_0 = arith.constant 0 : i32
    return %arg0, %c0_i32 : i32, i32
  }
}

module attributes {stable_mosaic.version = 14 : i64} {
  func.func @_tc_final_body(%arg0: i32, %arg1: memref<632x2xf32, #tpu.memory_space<vmem>>, %arg2: memref<2x632x128xf32, #tpu.memory_space<vmem>>, %arg3: memref<632x128xf32, #tpu.memory_space<vmem>>, %arg4: memref<128x128xf32, #tpu.memory_space<vmem>>, %arg5: memref<1x128xf32, #tpu.memory_space<vmem>>, %arg6: memref<128x128xf32, #tpu.memory_space<vmem>>, %arg7: memref<1x128xf32, #tpu.memory_space<vmem>>, %arg8: memref<632x128xf32, #tpu.memory_space<vmem>>, %arg9: memref<632x128xf32, #tpu.memory_space<vmem>>) attributes {dimension_semantics = [#tpu.dimension_semantics<arbitrary>], iteration_bounds = array<i64: 16>, scalar_prefetch = 0 : i64, scratch_operands = 0 : i64, tpu.core_type = #tpu.core_type<tc>, window_params = [{transform_indices = @transform_0, window_bounds = array<i64: 632, 2>}, {transform_indices = @transform_1, window_bounds = array<i64: 2, 632, 128>}, {transform_indices = @transform_2, window_bounds = array<i64: 632, 128>}, {pipeline_mode = #tpu.pipeline_mode<synchronous>, transform_indices = @transform_3, window_bounds = array<i64: 128, 128>}, {pipeline_mode = #tpu.pipeline_mode<synchronous>, transform_indices = @transform_4, window_bounds = array<i64: 1, 128>}, {pipeline_mode = #tpu.pipeline_mode<synchronous>, transform_indices = @transform_5, window_bounds = array<i64: 128, 128>}, {pipeline_mode = #tpu.pipeline_mode<synchronous>, transform_indices = @transform_6, window_bounds = array<i64: 1, 128>}, {transform_indices = @transform_7, window_bounds = array<i64: 632, 128>}, {transform_indices = @transform_8, window_bounds = array<i64: 632, 128>}]} {
    %get3A = arith.constant 0 : index
    %get3A_0 = arith.constant 0 : index
    %get3A_1 = vector.load %arg1[%get3A, %get3A_0] : memref<632x2xf32, #tpu.memory_space<vmem>>, vector<632x1xf32>
    %get3A_2 = vector.shape_cast %get3A_1 : vector<632x1xf32> to vector<632xf32>
    %get3A_3 = arith.constant 0 : index
    %get3A_4 = arith.constant 1 : index
    %get3A_5 = vector.load %arg1[%get3A_3, %get3A_4] : memref<632x2xf32, #tpu.memory_space<vmem>>, vector<632x1xf32>
    %get3A_6 = vector.shape_cast %get3A_5 : vector<632x1xf32> to vector<632xf32>
    %add3A = arith.addf %get3A_2, %get3A_6 : vector<632xf32>
    %add3A_7 = arith.constant 1.000000e+00 : f32
    %add3A_8 = vector.broadcast %add3A_7 : f32 to vector<632xf32>
    %add3A_9 = arith.addf %add3A, %add3A_8 : vector<632xf32>
    %rsqrt3A = math.rsqrt %add3A_9 : vector<632xf32>
    %get3A_10 = arith.constant 0 : index
    %get3A_11 = arith.constant 0 : index
    %get3A_12 = arith.constant 0 : index
    %get3A_13 = vector.load %arg2[%get3A_10, %get3A_11, %get3A_12] : memref<2x632x128xf32, #tpu.memory_space<vmem>>, vector<1x632x128xf32>
    %get3A_14 = vector.shape_cast %get3A_13 : vector<1x632x128xf32> to vector<632x128xf32>
    %get3A_15 = arith.constant 1 : index
    %get3A_16 = arith.constant 0 : index
    %get3A_17 = arith.constant 0 : index
    %get3A_18 = vector.load %arg2[%get3A_15, %get3A_16, %get3A_17] : memref<2x632x128xf32, #tpu.memory_space<vmem>>, vector<1x632x128xf32>
    %get3A_19 = vector.shape_cast %get3A_18 : vector<1x632x128xf32> to vector<632x128xf32>
    %add3A_20 = arith.addf %get3A_14, %get3A_19 : vector<632x128xf32>
    %get3A_21 = arith.constant 0 : index
    %get3A_22 = arith.constant 0 : index
    %get3A_23 = vector.load %arg3[%get3A_21, %get3A_22] : memref<632x128xf32, #tpu.memory_space<vmem>>, vector<632x128xf32>
    %add3A_24 = arith.addf %add3A_20, %get3A_23 : vector<632x128xf32>
    %broadcast_in_dim3A = vector.shape_cast %rsqrt3A : vector<632xf32> to vector<632x1xf32>
    %mul3A = vector.broadcast %broadcast_in_dim3A : vector<632x1xf32> to vector<632x128xf32>
    %mul3A_25 = arith.mulf %add3A_24, %mul3A : vector<632x128xf32>
    %get3A_26 = arith.constant 0 : index
    %get3A_27 = arith.constant 0 : index
    %get3A_28 = vector.load %arg4[%get3A_26, %get3A_27] : memref<128x128xf32, #tpu.memory_space<vmem>>, vector<128x128xf32>
    %dot_general3A = arith.constant dense<0.000000e+00> : vector<632x128xf32>
    %dot_general3A_29 = tpu.matmul %mul3A_25, %get3A_28, %dot_general3A {dimension_numbers = #tpu.dot_dimension_numbers<[1], [0], [0], [1], [0, 0, 1, 1], [], []>, precision = #tpu.contract_precision<fp32>, transpose_lhs_hint = false} : vector<632x128xf32>, vector<128x128xf32>, vector<632x128xf32> -> vector<632x128xf32>
    %get3A_30 = arith.constant 0 : index
    %get3A_31 = arith.constant 0 : index
    %get3A_32 = vector.load %arg5[%get3A_30, %get3A_31] : memref<1x128xf32, #tpu.memory_space<vmem>>, vector<1x128xf32>
    %add3A_33 = vector.broadcast %get3A_32 : vector<1x128xf32> to vector<632x128xf32>
    %add3A_34 = arith.addf %dot_general3A_29, %add3A_33 : vector<632x128xf32>
    %swap3A = arith.constant 0 : index
    %swap3A_35 = arith.constant 0 : index
    %swap3A_36 = vector.load %arg8[%swap3A, %swap3A_35] : memref<632x128xf32, #tpu.memory_space<vmem>>, vector<632x128xf32>
    tpu.vector_store %arg8[%swap3A, %swap3A_35], %add3A_34 {strides = array<i32>} : memref<632x128xf32, #tpu.memory_space<vmem>>, vector<632x128xf32>,
    %get3A_37 = arith.constant 0 : index
    %get3A_38 = arith.constant 0 : index
    %get3A_39 = vector.load %arg6[%get3A_37, %get3A_38] : memref<128x128xf32, #tpu.memory_space<vmem>>, vector<128x128xf32>
    %dot_general3A_40 = arith.constant dense<0.000000e+00> : vector<632x128xf32>
    %dot_general3A_41 = tpu.matmul %mul3A_25, %get3A_39, %dot_general3A_40 {dimension_numbers = #tpu.dot_dimension_numbers<[1], [0], [0], [1], [0, 0, 1, 1], [], []>, precision = #tpu.contract_precision<fp32>, transpose_lhs_hint = false} : vector<632x128xf32>, vector<128x128xf32>, vector<632x128xf32> -> vector<632x128xf32>
    %get3A_42 = arith.constant 0 : index
    %get3A_43 = arith.constant 0 : index
    %get3A_44 = vector.load %arg7[%get3A_42, %get3A_43] : memref<1x128xf32, #tpu.memory_space<vmem>>, vector<1x128xf32>
    %add3A_45 = vector.broadcast %get3A_44 : vector<1x128xf32> to vector<632x128xf32>
    %add3A_46 = arith.addf %dot_general3A_41, %add3A_45 : vector<632x128xf32>
    %swap3A_47 = arith.constant 0 : index
    %swap3A_48 = arith.constant 0 : index
    %swap3A_49 = vector.load %arg9[%swap3A_47, %swap3A_48] : memref<632x128xf32, #tpu.memory_space<vmem>>, vector<632x128xf32>
    tpu.vector_store %arg9[%swap3A_47, %swap3A_48], %add3A_46 {strides = array<i32>} : memref<632x128xf32, #tpu.memory_space<vmem>>, vector<632x128xf32>,
    return
  }
  func.func @transform_0(%arg0: i32) -> (i32, i32) {
    %c0_i32 = arith.constant 0 : i32
    %c0_i32_0 = arith.constant 0 : i32
    return %arg0, %c0_i32 : i32, i32
  }
  func.func @transform_1(%arg0: i32) -> (i32, i32, i32) {
    %c0_i32 = arith.constant 0 : i32
    %c0_i32_0 = arith.constant 0 : i32
    %c0_i32_1 = arith.constant 0 : i32
    return %c0_i32, %arg0, %c0_i32_0 : i32, i32, i32
  }
  func.func @transform_2(%arg0: i32) -> (i32, i32) {
    %c0_i32 = arith.constant 0 : i32
    %c0_i32_0 = arith.constant 0 : i32
    return %arg0, %c0_i32 : i32, i32
  }
  func.func @transform_3(%arg0: i32) -> (i32, i32) {
    %c0_i32 = arith.constant 0 : i32
    %c0_i32_0 = arith.constant 0 : i32
    %c0_i32_1 = arith.constant 0 : i32
    return %c0_i32, %c0_i32_0 : i32, i32
  }
  func.func @transform_4(%arg0: i32) -> (i32, i32) {
    %c0_i32 = arith.constant 0 : i32
    %c0_i32_0 = arith.constant 0 : i32
    %c0_i32_1 = arith.constant 0 : i32
    return %c0_i32, %c0_i32_0 : i32, i32
  }
  func.func @transform_5(%arg0: i32) -> (i32, i32) {
    %c0_i32 = arith.constant 0 : i32
    %c0_i32_0 = arith.constant 0 : i32
    %c0_i32_1 = arith.constant 0 : i32
    return %c0_i32, %c0_i32_0 : i32, i32
  }
  func.func @transform_6(%arg0: i32) -> (i32, i32) {
    %c0_i32 = arith.constant 0 : i32
    %c0_i32_0 = arith.constant 0 : i32
    %c0_i32_1 = arith.constant 0 : i32
    return %c0_i32, %c0_i32_0 : i32, i32
  }
  func.func @transform_7(%arg0: i32) -> (i32, i32) {
    %c0_i32 = arith.constant 0 : i32
    %c0_i32_0 = arith.constant 0 : i32
    return %arg0, %c0_i32 : i32, i32
  }
  func.func @transform_8(%arg0: i32) -> (i32, i32) {
    %c0_i32 = arith.constant 0 : i32
    %c0_i32_0 = arith.constant 0 : i32
    return %arg0, %c0_i32 : i32, i32
  }
}

</mosaic_0001>

<sc_bundles>
// kernel: kernel.6.cloned.1.call-start
scs
__scs_entry_jumppad:
0x0: {  	(pc) =	sbr.rel $0x88, $3  }
0x1: {  	(tag) =	ssettag $0x0;
	lr =	simm.s32 $0x1  }
0x2: {  	[smem:$0x3F9B] =	sst lr;
	_ =	strace $0xD0000000  }
0x3: {  	_ = 	snop  }
0x4: {  	_ = 	snop  }
0x5: {  	_ = 	snop  }
0x6: {  	_ = 	snop  }
0x7: {  	_ = 	snop  }
__scs_overlays_trampoline_lowered:
0x8: {  	[smem:$0x3FAA] =	sst s0  }
0x9: {  	[smem:$0x3FAB] =	sst s1  }
0xa: {  	[smem:$0x3FAC] =	sst s2  }
0xb: {  	[smem:$0x3FAD] =	sst s3  }
0xc: {  	[smem:$0x3FAE] =	sst s4  }
0xd: {  	[smem:$0x3FAF] =	sst s5  }
0xe: {  	[smem:$0x3FB0] =	sst s6  }
0xf: {  	[smem:$0x3FB1] =	sst s7  }
0x10: {  	[smem:$0x3FB2] =	sst s8  }
0x11: {  	[smem:$0x3FB3] =	sst s9;
	s0 =	simm.s32 @!p0 $0x0  }
0x12: {  	s1 =	sld [smem:$0x3F99];
	s0 =	simm.s32 @p0 $0x1  }
0x13: {  	[smem:$0x3FB4] =	sst s0;
	s0 =	simm.s32 @!p1 $0x0  }
0x14: {  	s2 =	sld [smem:$0x3F98];
	s0 =	simm.s32 @p1 $0x1  }
0x15: {  	[smem:$0x3FB5] =	sst s0;
	s0 =	simm.s32 @!p2 $0x0  }
0x16: {  	s3 =	sld [smem:$0x3FDB];
	s0 =	simm.s32 @p2 $0x1  }
0x17: {  	s4 =	simm.s32 $0x1BF5;
	[smem:$0x3FB7] =	sst s0  }
0x18: {  	s0 =	sld [smem:$0x3F9A];
	_ =	swait.ge [sflag:s4], $0x0  }
0x19: {  	s7 =	sld [smem:$0x3F9B]  }
0x1a: {  	s8 =	sadd.s32 $0xFFFFE003, lr  }
0x1b: {  	s9 =	sadd.s32 $0xFFFFFEF7, lr;
	s5 =	simm.s32 $0xFFFFFFFF;
	p2 =	slt.u32 s8, $0xFFFFF086  }
0x1c: {  	p1 =	slt.u32 s9, $0xF7A;
	s5 =	simm.s32 @!p2 $0x0  }
0x1d: {  	s5 =	simm.s32 @p1 $0x1;
	p0 =	seq.s32 s7, s2  }
0x1e: {  	s7 =	smul.u32 @!p0 $0xF7A, s2;
	p2 =	seq.s32 @!p0 s5, $0x0  }
0x1f: {  	s9 =	smul.u32 $0xF7A, s1;
	s8 =	simm.s32 @!p0 $0x1BF5;
	p2 =	por !p2, p0  }
0x20: {  	[sflag:s8] =	ssyncset.s32 @!p0 $0xFFFFF086;
	s6 =	sadd.s32 @!p0 s3, s7;
	s7 =	simm.s32 @!p0 $0x108  }
0x21: {  	s3 =	sadd.s32 s3, s9;
	s6 =	sadd.s32 @!p0 $0x88, s6;
	s7 =	simm.s32 @p2 $0x1082  }
0x22: {  	[simem:s7], [sflag:s8] =	dma.local @!p0 [hbm:s6], $0xF7A  }
0x23: {  	s9 =	sor.u32 $0xD0000000, s2;
	s6 =	simm.s32 $0x108;
	_ =	swait.ge @!p0 [sflag:s8], $0x0  }
0x24: {  	s3 =	sadd.s32 $0x88, s3;
	s6 =	simm.s32 @!p1 $0x1082;
	[sflag:s4] =	ssyncset.s32 $0xFFFFF086  }
0x25: {  	[simem:s6], [sflag:s4] =	dma.local [hbm:s3], $0xF7A  }
0x26: {  	[smem:$0x3F9B] =	sst s1;
	(tag) =	ssettag s2;
	_ =	strace s9  }
0x27: {  	s1 =	sld [smem:$0x3FAB]  }
0x28: {  	s2 =	sld [smem:$0x3FAC]  }
0x29: {  	s4 =	sld [smem:$0x3FAE]  }
0x2a: {  	p0 =	seq.s32 s5, $0x0;
	s5 =	sld [smem:$0x3FAF]  }
0x2b: {  	s6 =	sld [smem:$0x3FB0]  }
0x2c: {  	s7 =	sld [smem:$0x3FB1]  }
0x2d: {  	s3 =	simm.s32 $0x108;
	s8 =	sld [smem:$0x3FB2]  }
0x2e: {  	s3 =	simm.s32 @!p0 $0x1082;
	s9 =	sld [smem:$0x3FB3]  }
0x2f: {  	lr =	sadd.s32 s0, s3;
	s0 =	sld [smem:$0x3FAA]  }
0x30: {  	s3 =	sld [smem:$0x3FAD]  }
0x31: {  	[smem:$0x3FB6] =	sst s10  }
0x32: {  	s10 =	sld [smem:$0x3FB4];
	_ =	sdelay $0x3  }
0x33: {  	p0 =	seq.s32 s10, $0x1;
	s10 =	sld [smem:$0x3FB6];
	_ =	sdelay $0x3  }
0x34: {  	[smem:$0x3FB6] =	sst s10  }
0x35: {  	s10 =	sld [smem:$0x3FB5];
	_ =	sdelay $0x3  }
0x36: {  	p1 =	seq.s32 s10, $0x1;
	s10 =	sld [smem:$0x3FB6];
	_ =	sdelay $0x3  }
0x37: {  	[smem:$0x3FB6] =	sst s10  }
0x38: {  	s10 =	sld [smem:$0x3FB7]  }
0x39: {  	_ = 	snop;
	(pc) =	sbr.ind lr, $3  }
0x3a: {  	_ = 	snop  }
0x3b: {  	_ = 	snop  }
0x3c: {  	p2 =	seq.s32 s10, $0x1;
	s10 =	sld [smem:$0x3FB6]  }
0x3d: {  	_ =	shalt  }
0x3e: {  	_ =	shalt  }
0x3f: {  	_ =	shalt  }
0x40: {  	_ =	shalt  }
0x41: {  	_ =	shalt  }
0x42: {  	_ =	shalt  }
0x43: {  	_ =	shalt  }
0x44: {  	_ =	shalt  }
0x45: {  	_ =	shalt  }
0x46: {  	_ =	shalt  }
0x47: {  	_ =	shalt  }
0x48: {  	_ =	shalt  }
0x49: {  	_ =	shalt  }
0x4a: {  	_ =	shalt  }
0x4b: {  	_ =	shalt  }
0x4c: {  	_ =	shalt  }
0x4d: {  	_ =	shalt  }
0x4e: {  	_ =	shalt  }
0x4f: {  	_ =	shalt  }
0x50: {  	_ =	shalt  }
0x51: {  	_ =	shalt  }
0x52: {  	_ =	shalt  }
0x53: {  	_ =	shalt  }
0x54: {  	_ =	shalt  }
0x55: {  	_ =	shalt  }
0x56: {  	_ =	shalt  }
0x57: {  	_ =	shalt  }
0x58: {  	_ =	shalt  }
0x59: {  	_ =	shalt  }
0x5a: {  	_ =	shalt  }
0x5b: {  	_ =	shalt  }
0x5c: {  	_ =	shalt  }
0x5d: {  	_ =	shalt  }
0x5e: {  	_ =	shalt  }
0x5f: {  	_ =	shalt  }
0x60: {  	_ =	shalt  }
0x61: {  	_ =	shalt  }
0x62: {  	_ =	shalt  }
0x63: {  	_ =	shalt  }
0x64: {  	_ =	shalt  }
0x65: {  	_ =	shalt  }
0x66: {  	_ =	shalt  }
0x67: {  	_ =	shalt  }
0x68: {  	_ =	shalt  }
0x69: {  	_ =	shalt  }
0x6a: {  	_ =	shalt  }
0x6b: {  	_ =	shalt  }
0x6c: {  	_ =	shalt  }
0x6d: {  	_ =	shalt  }
0x6e: {  	_ =	shalt  }
0x6f: {  	_ =	shalt  }
0x70: {  	_ =	shalt  }
0x71: {  	_ =	shalt  }
0x72: {  	_ =	shalt  }
0x73: {  	_ =	shalt  }
0x74: {  	_ =	shalt  }
0x75: {  	_ =	shalt  }
0x76: {  	_ =	shalt  }
0x77: {  	_ =	shalt  }
0x78: {  	_ =	shalt  }
0x79: {  	_ =	shalt  }
0x7a: {  	_ =	shalt  }
0x7b: {  	_ =	shalt  }
0x7c: {  	_ =	shalt  }
0x7d: {  	_ =	shalt  }
0x7e: {  	_ =	shalt  }
0x7f: {  	_ =	shalt  }
0x80: {  	_ =	shalt  }
0x81: {  	_ =	shalt  }
0x82: {  	_ =	shalt  }
0x83: {  	_ =	shalt  }
0x84: {  	_ =	shalt  }
0x85: {  	_ =	shalt  }
0x86: {  	_ =	shalt  }
0x87: {  	_ =	shalt  }
.Lfunc_end0:
.L_simem_size_0:
called_computation_lowered:
.L_overlay_start_0:
0x88: {  	s2 =	sld [smem:$0x3FD9]  }
0x89: {  	s3 =	sld [smem:$0x3FFE];
	_ =	sdelay $0x1  }
0x8a: {  	s1 =	srdreg.scid  }
0x8b: {  	s0 =	sand.u32 $0x1, s1  }
0x8c: {  	s16 =	sshll.u32 s0, $0xA;
	s2 =	sadd.s32 s3, s2  }
0x8d: {  	s2 =	sadd.s32 s2, s16  }
0x8e: {  	[smem:$0x3FC2] =	sst s2  }
0x8f: {  	_ = 	snop  }
0x90: {  	(tm) =	ssettm $0x1  }
0x91: {  	s17 =	sld [smem:$0x3FFB];
	_ =	sdelay $0x3  }
0x92: {  	_ =	strace s17  }
0x93: {  	s2 =	sld [smem:$0x3FFC];
	_ =	sdelay $0x3  }
0x94: {  	_ =	strace s2  }
0x95: {  	s2 =	sld [smem:$0x3FFD];
	_ =	sdelay $0x3  }
0x96: {  	_ =	strace s2  }
0x97: {  	_ =	strace $0x8FFFFFFF  }
0x98: {  	s18 =	sld [smem:$0x3FDB];
	_ =	sdelay $0x1  }
0x99: {  	s19 =	simm.s32 $_scs_section_size  }
0x9a: {  	s4 =	simm.s32 $_size__tile_overlayer_lowered;
	s5 =	simm.s32 $_tile_overlayer_lowered  }
0x9b: {  	s22 =	simm.s32 $0x1BFF;
	s21 =	sshll.u32 s5, $0x1;
	s2 =	sadd.s32 s19, s18  }
0x9c: {  	s6 =	simm.s32 $0x0;
	s20 =	sshll.u32 s4, $0x1;
	s4 =	sadd.s32 s21, s2  }
0x9d: {  	[timem:s6], [sflag:s22] =	dma.local [hbm:s4], s20  }
0x9e: {  	_ =	swait.ge [sflag:s22], s20  }
0x9f: {  	s3 =	ssub.s32 $0x0, s20;
	[sflag:s22] =	ssyncset.done $0x0  }
0xa0: {  	[sflag:s22] =	ssyncadd.s32 s3;
	_ =	sdelay $0x1  }
0xa1: {  	s23 =	simm.s32 $0x1B8B  }
0xa2: {  	_ =	swait.ge [sflag:s23], $0x1  }
0xa3: {  	[sflag:s23] =	ssyncset.done $0x0  }
0xa4: {  	s25 =	simm.s32 $0x1B8E;
	s24 =	sld [smem:$0x3FFE];
	[sflag:s23] =	ssyncadd.s32 $0xFFFFFFFF  }
0xa5: {  	s26 =	simm.s32 $execute0_lowered;
	[smem:$0x3FD2] =	sst s25  }
0xa6: {  	s4 =	sshll.u32 s26, $0x1;
	_ =	strace $0x80000046;
	[dreg:$0x1] =	wrdreg $0xFFFFFFFF  }
0xa7: {  	s28 =	simm.s32 $_size_execute0_lowered;
	s2 =	sadd.s32 s2, s4;
	[dreg:$0x0] =	wrdreg $0x0  }
0xa8: {  	s4 =	sshll.u32 s28, $0x1;
	[dreg:$0x2] =	wrdreg s2  }
0xa9: {  	[dreg:$0x3] =	wrdreg s4  }
0xaa: {  	[dreg:$0x4] =	wrdreg $0xC0  }
0xab: {  	_ =	task [dreg:s6], $0x5FFFF  }
0xac: {  	[dreg:$0x1] =	wrdreg $0xFFFFFFFF  }
0xad: {  	[dreg:$0x0] =	wrdreg $0x60  }
0xae: {  	[dreg:$0x2] =	wrdreg s24  }
0xaf: {  	[dreg:$0x3] =	wrdreg $0x2B000  }
0xb0: {  	[dreg:$0x4] =	wrdreg $0x9  }
0xb1: {  	_ =	task.clear_ibuf [dreg:s6], $0x5FFFF;
	_ =	strace $0x90000046  }
0xb2: {  	s29 =	simm.s32 $0x9;
	_ =	strace $0x80000048  }
0xb3: {  	_ =	swait.ge [sflag:s29], $0x1  }
0xb4: {  	[sflag:s29] =	ssyncadd.s32 $0xFFFFFFFF  }
0xb5: {  	_ =	strace $0x90000048  }
0xb6: {  	_ =	sfence  }
0xb7: {  	s30 =	sld [smem:$0x0];
	_ =	sdelay $0x2  }
0xb8: {  	s31 =	sshll.u32 s1, $0xD;
	s1 =	sshrl.u32 s1, $0x2  }
0xb9: {  	s3 =	sand.u32 $0x4000, s31;
	s1 =	sadd.s32 s1, s30  }
0xba: {  	s0 =	sor.u32 s3, s0;
	s1 =	sshll.u32 s1, $0x11  }
0xbb: {  	s0 =	sor.u32 s1, s0  }
0xbc: {  	s0 =	sadd.s32 $0x8F2B, s0  }
0xbd: {  	[sflag:s0] =	ssyncadd.remote.s32 $0x1  }
0xbe: {  	_ =	sfence.sel $0xFFFF  }
0xbf: {  	[dreg:$0x0] =	wrdreg $0xFFFFFFFF;
	(pc) =	sbr.abs _section_cstart, $3  }
0xc0: {  	[dreg:$0x1] =	wrdreg $0xFFFFFFFF  }
0xc1: {  	_ =	task.clear_ibuf [dreg:s6], $0x2FFFF;
	_ =	strace $0x9FFFFFFF  }
0xc2: {  	(tm) =	ssettm $0x7FFFFFFF  }
0xc3: {  	_ =	shalt  }
tec
execute0_lowered:
.L_overlay_start_1:
0x0: {  	(tag) =	ssettag $0x1  }
0x1: {  	s1 =	srdreg.scid  }
0x2: {  	s0 =	stileid.u32;
	s4 =	rddreg [dreg:$0x0]  }
0x3: {  	s2 =	rddreg [dreg:$0x1];
	s3 =	simm.s32 $0x0;
	s13 =	simm.s32 $0x1  }
0x4: {  	s17 =	simm.s32 $0x0;
	s5 =	sand.u32 $0x1, s1;
	s1 =	rddreg [dreg:$0x2]  }
0x5: {  	s25 =	sshll.u32 s0, $0x1;
	[smem:$0x7FF] =	sst s3;
	s7 =	smul.u32 $0xA00, s0  }
0x6: {  	s10 =	smul.u32 $0x280, s0;
	s11 =	sadd.s32 $0xB800, s4;
	p0 =	seq.s32 s0, $0xF  }
0x7: {  	s6 =	sor.u32 s5, s25;
	_ =	strace $0x80000047;
	s9 =	smul.u32 $0x2780, s5  }
0x8: {  	s8 =	ssub.s32 $0x2, s5;
	s15 =	sshll.u32 @!p0 s0, $0x6;
	s6 =	smul.u32 $0x500, s6  }
0x9: {  	s28 =	sshrl.u32 s8, $0x1;
	s29 =	sshrl.u32 s7, $0x2;
	s16 =	sadd.s32 s10, s2  }
0xa: {  	s15 =	sor.u32 @!p0 $0x1C02, s15;
	s12 =	ssub.s32 s8, s28;
	s5 =	sadd.s32 s29, s2  }
0xb: {  	s30 =	sadd.s32 s10, s9;
	s31 =	sshrl.u32 s9, $0x3;
	s10 =	simm.s32 $0x2  }
0xc: {  	s16 =	sshrl.u32 @!p0 s16, $0x3;
	s26 =	sadd.s32 s6, s4;
	s6 =	sadd.s32 $0x2580, s2  }
0xd: {  	s7 =	sshrl.u32 s30, $0x3;
	s8 =	sadd.s32 s11, s31;
	s9 =	smax.u32 s12, $0x1  }
0xe: {  	s12 =	simm.s32 $0x2800;
	s4 =	sadd.s32 $0x1800, s26;
	s7 =	sadd.s32 s11, s7  }
0xf: {  	v0 =	vimm.f32 $1.000000000e+00;
	v1 =	vimm.f32 $0.0e+00;
	s8 =	sadd.s32 $0x4B0, s8;
	s11 =	simm.s32 $0x80;
	s14 =	sshrl.u32 @p0 s6, $0x3  }
.LBB2_1:
0x10: {  	[tilespmem:s3], [sflag:$0x2] =	stream.linear.gather [hbm4b:s4+s3], $0x2800, $0x38;
	[tilespmem:$0x2D78] =	vst v63  }
0x11: {  	_ =	swait.ge [sflag:s10], $0x2800  }
0x12: {  	[sflag:s10] =	ssyncset.done $0x0  }
0x13: {  	[sflag:s10] =	ssyncadd.s32 $0xFFFFD800  }
0x14: {  	[tilespmem:$0x2800] =	vst v0  }
0x15: {  	[tilespmem:$0x2810] =	vst v0  }
0x16: {  	[tilespmem:$0x2820] =	vst v0  }
0x17: {  	[tilespmem:$0x2830] =	vst v0  }
0x18: {  	[tilespmem:$0x2840] =	vst v0  }
0x19: {  	[tilespmem:$0x2850] =	vst v0  }
0x1a: {  	[tilespmem:$0x2860] =	vst v0  }
0x1b: {  	[tilespmem:$0x2870] =	vst v0  }
0x1c: {  	[tilespmem:$0x2880] =	vst v1  }
0x1d: {  	[tilespmem:$0x2890] =	vst v1  }
0x1e: {  	[tilespmem:$0x28A0] =	vst v1  }
0x1f: {  	[tilespmem:$0x28B0] =	vst v1  }
0x20: {  	[tilespmem:$0x28C0] =	vst v1  }
0x21: {  	[tilespmem:$0x28D0] =	vst v1  }
0x22: {  	[tilespmem:$0x28E0] =	vst v1  }
0x23: {  	[tilespmem:$0x28F0] =	vst v1  }
0x24: {  	[tilespmem:$0x2900] =	vst v1  }
0x25: {  	[tilespmem:$0x2910] =	vst v1  }
0x26: {  	[tilespmem:$0x2920] =	vst v1  }
0x27: {  	[tilespmem:$0x2930] =	vst v1  }
0x28: {  	[tilespmem:$0x2940] =	vst v1  }
0x29: {  	[tilespmem:$0x2950] =	vst v1  }
0x2a: {  	[tilespmem:$0x2960] =	vst v1  }
0x2b: {  	[tilespmem:$0x2970] =	vst v1  }
0x2c: {  	[tilespmem:$0x2980] =	vst v1  }
0x2d: {  	[tilespmem:$0x2990] =	vst v1  }
0x2e: {  	[tilespmem:$0x29A0] =	vst v1  }
0x2f: {  	[tilespmem:$0x29B0] =	vst v1  }
0x30: {  	[tilespmem:$0x29C0] =	vst v1  }
0x31: {  	[tilespmem:$0x29D0] =	vst v1  }
0x32: {  	[tilespmem:$0x29E0] =	vst v1  }
0x33: {  	[tilespmem:$0x29F0] =	vst v1  }
0x34: {  	[tilespmem:$0x2A00] =	vst v1  }
0x35: {  	[tilespmem:$0x2A10] =	vst v1  }
0x36: {  	[tilespmem:$0x2A20] =	vst v1  }
0x37: {  	[tilespmem:$0x2A30] =	vst v1  }
0x38: {  	[tilespmem:$0x2A40] =	vst v1  }
0x39: {  	[tilespmem:$0x2A50] =	vst v1  }
0x3a: {  	[tilespmem:$0x2A60] =	vst v1  }
0x3b: {  	[tilespmem:$0x2A70] =	vst v1  }
0x3c: {  	[tilespmem:$0x2A80] =	vst v1  }
0x3d: {  	[tilespmem:$0x2A90] =	vst v1  }
0x3e: {  	[tilespmem:$0x2AA0] =	vst v1  }
0x3f: {  	[tilespmem:$0x2AB0] =	vst v1  }
0x40: {  	[tilespmem:$0x2AC0] =	vst v1  }
0x41: {  	[tilespmem:$0x2AD0] =	vst v1  }
0x42: {  	[tilespmem:$0x2AE0] =	vst v1  }
0x43: {  	s18 =	simm.s32 @p0 $0x2880;
	[tilespmem:$0x2AF0] =	vst v1  }
0x44: {  	[spmem:s6] =	stream.linear.scatter @p0 [tilespmem:s18], [sflag:$0x2], $0x200, $0x38;
	[tilespmem:$0x2D78] =	vst v63  }
0x45: {  	s18 =	simm.s32 @p0 $0x2  }
0x46: {  	_ =	swait.ge @p0 [sflag:s18], $0x200  }
0x47: {  	[sflag:s18] =	ssyncset.done @p0 $0x0  }
0x48: {  	[sflag:s18] =	ssyncadd.s32 @p0 $0xFFFFFE00;
	s18 =	simm.s32 @!p0 $0x2880  }
0x49: {  	[spmem:s5] =	stream.linear.scatter @!p0 [tilespmem:s18], [sflag:$0x2], $0x280, $0x38;
	[tilespmem:$0x2D78] =	vst v63  }
0x4a: {  	s18 =	simm.s32 @!p0 $0x2  }
0x4b: {  	_ =	swait.ge @!p0 [sflag:s18], $0x280  }
0x4c: {  	[sflag:s18] =	ssyncset.done @!p0 $0x0  }
0x4d: {  	[sflag:s18] =	ssyncadd.s32 @!p0 $0xFFFFFD80  }
0x4e: {  	s18 =	simm.s32 $0x0;
	[bflag:$0x0] =	sbarrier.arrive $0xFFFF  }
.LBB2_2:
0x4f: {  	p1 =	sne.s32 s18, $0x9E00  }
.Ltmp0:
0x50: {  	_ = 	snop;
	(pc) =	sbr.rel @p1 .LBB2_2-.Ltmp0, $3  }
0x51: {  	_ =	sdelay $0x1  }
0x52: {  	s19 =	sshra.s32 s18, $0x2;
	s18 =	sadd.s32 $0x200, s18  }
0x53: {  	[spmem:s2] =	stream.indirect.scatter.add.f32 [tilespmem:s12], [sflag:$0x1], $0x1, s19, s11, $0xb8;
	[tilespmem:$0x2D78] =	vst v63  }
0x54: {  	_ =	swait.ge [sflag:s13], $0x80  }
0x55: {  	s18 =	simm.s32 $0x4F;
	[sflag:s13] =	ssyncset.done $0x0  }
.LBB2_4:
0x56: {  	p1 =	sne.s32 s18, $0x1;
	s18 =	sadd.s32 $0xFFFFFFFF, s18;
	[sflag:s13] =	ssyncadd.s32 $0xFFFFFF80  }
.Ltmp1:
0x57: {  	(pc) =	sbr.rel @p1 .LBB2_4-.Ltmp1, $3  }
0x58: {  	_ =	sdelay $0x1  }
0x59: {  	_ =	swait.ge [sflag:s13], $0x80  }
0x5a: {  	[sflag:s13] =	ssyncset.done $0x0  }
0x5b: {  	[sflag:s13] =	ssyncadd.s32 $0xFFFFFF80  }
0x5c: {  	s18 =	simm.s32 @p0 $0x1FC2;
	[bflag:$0x0] =	sbarrier.arrive $0xFFFF  }
0x5d: {  	[hbm:s8], [sflag:s18] =	dma.local @p0 [spmem:s14], $0x40  }
0x5e: {  	s18 =	simm.s32 @p0 $0x2  }
0x5f: {  	s17 =	sadd.s32 $0x1, s17;
	_ =	swait.ge @p0 [sflag:s18], $0x40  }
0x60: {  	p1 =	sne.s32 s17, s9;
	[sflag:s18] =	ssyncset.done @p0 $0x0  }
.Ltmp2:
0x61: {  	[sflag:s18] =	ssyncadd.s32 @p0 $0xFFFFFFC0;
	s18 =	simm.s32 @!p0 $0x2;
	(pc) =	sbr.rel @p1 .LBB2_1-.Ltmp2, $4  }
0x62: {  	[hbm:s7], [sflag:s15] =	dma.local @!p0 [spmem:s16], $0x50  }
0x63: {  	_ =	swait.ge @!p0 [sflag:s18], $0x50  }
0x64: {  	[sflag:s18] =	ssyncset.done @!p0 $0x0  }
0x65: {  	[sflag:s18] =	ssyncadd.s32 @!p0 $0xFFFFFFB0  }
0x66: {  	_ =	sfence.sel $0x180000  }
0x67: {  	[bflag:$0x0] =	sbarrier.arrive $0xFFFF  }
0x68: {  	p0 =	sne.s32 s0, $0x0;
	_ =	strace $0x90000047  }
0x69: {  	s0 =	sadd.s32 @!p0 $0x100000, s1;
	[bflag:$0x2] =	sbarrier.arrive $0xFFFF  }
0x6a: {  	[sflag:s0] =	ssyncadd.tile.s32 @!p0 $0x1;
	_ =	shalt  }
.Lfunc_end2:
_tile_overlayer_lowered:
.L_overlay_start_2:
0x6b: {  	(tag) =	ssettag $0x2  }
0x6c: {  	s0 =	rddreg [dreg:$0x0];
	s2 =	stileid.u32  }
0x6d: {  	s1 =	rddreg [dreg:$0x1];
	p0 =	sne.s32 s2, $0x0  }
0x6e: {  	s3 =	rddreg [dreg:$0x2];
	[bflag:$0x3] =	sbarrier.arrive $0xFFFF;
	s2 =	simm.s32 @!p0 $0x1C02  }
0x6f: {  	[timem:s3], [sflag:s2] =	dma.local @!p0 [hbm:s0], s1  }
0x70: {  	s0 =	simm.s32 @!p0 $0x2  }
0x71: {  	_ =	swait.ge @!p0 [sflag:s0], s1  }
0x72: {  	s1 =	ssub.s32 @!p0 $0x0, s1;
	[sflag:s0] =	ssyncset.done @!p0 $0x0  }
0x73: {  	[sflag:s0] =	ssyncadd.s32 @!p0 s1  }
0x74: {  	[bflag:$0x3] =	sbarrier.arrive $0xFFFF  }
0x75: {  	_ =	shalt  }

// kernel: kernel.9.cloned.1.call-start
scs
__scs_entry_jumppad:
0x0: {  	(pc) =	sbr.rel $0x88, $3  }
0x1: {  	(tag) =	ssettag $0x0;
	lr =	simm.s32 $0x1  }
0x2: {  	[smem:$0x3F9B] =	sst lr;
	_ =	strace $0xD0000000  }
0x3: {  	_ = 	snop  }
0x4: {  	_ = 	snop  }
0x5: {  	_ = 	snop  }
0x6: {  	_ = 	snop  }
0x7: {  	_ = 	snop  }
__scs_overlays_trampoline_lowered:
0x8: {  	[smem:$0x3FAA] =	sst s0  }
0x9: {  	[smem:$0x3FAB] =	sst s1  }
0xa: {  	[smem:$0x3FAC] =	sst s2  }
0xb: {  	[smem:$0x3FAD] =	sst s3  }
0xc: {  	[smem:$0x3FAE] =	sst s4  }
0xd: {  	[smem:$0x3FAF] =	sst s5  }
0xe: {  	[smem:$0x3FB0] =	sst s6  }
0xf: {  	[smem:$0x3FB1] =	sst s7  }
0x10: {  	[smem:$0x3FB2] =	sst s8  }
0x11: {  	[smem:$0x3FB3] =	sst s9;
	s0 =	simm.s32 @!p0 $0x0  }
0x12: {  	s1 =	sld [smem:$0x3F99];
	s0 =	simm.s32 @p0 $0x1  }
0x13: {  	[smem:$0x3FB4] =	sst s0;
	s0 =	simm.s32 @!p1 $0x0  }
0x14: {  	s2 =	sld [smem:$0x3F98];
	s0 =	simm.s32 @p1 $0x1  }
0x15: {  	[smem:$0x3FB5] =	sst s0;
	s0 =	simm.s32 @!p2 $0x0  }
0x16: {  	s3 =	sld [smem:$0x3FDB];
	s0 =	simm.s32 @p2 $0x1  }
0x17: {  	s4 =	simm.s32 $0x1BF5;
	[smem:$0x3FB7] =	sst s0  }
0x18: {  	s0 =	sld [smem:$0x3F9A];
	_ =	swait.ge [sflag:s4], $0x0  }
0x19: {  	s7 =	sld [smem:$0x3F9B]  }
0x1a: {  	s8 =	sadd.s32 $0xFFFFE003, lr  }
0x1b: {  	s9 =	sadd.s32 $0xFFFFFEF7, lr;
	s5 =	simm.s32 $0xFFFFFFFF;
	p2 =	slt.u32 s8, $0xFFFFF086  }
0x1c: {  	p1 =	slt.u32 s9, $0xF7A;
	s5 =	simm.s32 @!p2 $0x0  }
0x1d: {  	s5 =	simm.s32 @p1 $0x1;
	p0 =	seq.s32 s7, s2  }
0x1e: {  	s7 =	smul.u32 @!p0 $0xF7A, s2;
	p2 =	seq.s32 @!p0 s5, $0x0  }
0x1f: {  	s9 =	smul.u32 $0xF7A, s1;
	s8 =	simm.s32 @!p0 $0x1BF5;
	p2 =	por !p2, p0  }
0x20: {  	[sflag:s8] =	ssyncset.s32 @!p0 $0xFFFFF086;
	s6 =	sadd.s32 @!p0 s3, s7;
	s7 =	simm.s32 @!p0 $0x108  }
0x21: {  	s3 =	sadd.s32 s3, s9;
	s6 =	sadd.s32 @!p0 $0x88, s6;
	s7 =	simm.s32 @p2 $0x1082  }
0x22: {  	[simem:s7], [sflag:s8] =	dma.local @!p0 [hbm:s6], $0xF7A  }
0x23: {  	s9 =	sor.u32 $0xD0000000, s2;
	s6 =	simm.s32 $0x108;
	_ =	swait.ge @!p0 [sflag:s8], $0x0  }
0x24: {  	s3 =	sadd.s32 $0x88, s3;
	s6 =	simm.s32 @!p1 $0x1082;
	[sflag:s4] =	ssyncset.s32 $0xFFFFF086  }
0x25: {  	[simem:s6], [sflag:s4] =	dma.local [hbm:s3], $0xF7A  }
0x26: {  	[smem:$0x3F9B] =	sst s1;
	(tag) =	ssettag s2;
	_ =	strace s9  }
0x27: {  	s1 =	sld [smem:$0x3FAB]  }
0x28: {  	s2 =	sld [smem:$0x3FAC]  }
0x29: {  	s4 =	sld [smem:$0x3FAE]  }
0x2a: {  	p0 =	seq.s32 s5, $0x0;
	s5 =	sld [smem:$0x3FAF]  }
0x2b: {  	s6 =	sld [smem:$0x3FB0]  }
0x2c: {  	s7 =	sld [smem:$0x3FB1]  }
0x2d: {  	s3 =	simm.s32 $0x108;
	s8 =	sld [smem:$0x3FB2]  }
0x2e: {  	s3 =	simm.s32 @!p0 $0x1082;
	s9 =	sld [smem:$0x3FB3]  }
0x2f: {  	lr =	sadd.s32 s0, s3;
	s0 =	sld [smem:$0x3FAA]  }
0x30: {  	s3 =	sld [smem:$0x3FAD]  }
0x31: {  	[smem:$0x3FB6] =	sst s10  }
0x32: {  	s10 =	sld [smem:$0x3FB4];
	_ =	sdelay $0x3  }
0x33: {  	p0 =	seq.s32 s10, $0x1;
	s10 =	sld [smem:$0x3FB6];
	_ =	sdelay $0x3  }
0x34: {  	[smem:$0x3FB6] =	sst s10  }
0x35: {  	s10 =	sld [smem:$0x3FB5];
	_ =	sdelay $0x3  }
0x36: {  	p1 =	seq.s32 s10, $0x1;
	s10 =	sld [smem:$0x3FB6];
	_ =	sdelay $0x3  }
0x37: {  	[smem:$0x3FB6] =	sst s10  }
0x38: {  	s10 =	sld [smem:$0x3FB7]  }
0x39: {  	_ = 	snop;
	(pc) =	sbr.ind lr, $3  }
0x3a: {  	_ = 	snop  }
0x3b: {  	_ = 	snop  }
0x3c: {  	p2 =	seq.s32 s10, $0x1;
	s10 =	sld [smem:$0x3FB6]  }
0x3d: {  	_ =	shalt  }
0x3e: {  	_ =	shalt  }
0x3f: {  	_ =	shalt  }
0x40: {  	_ =	shalt  }
0x41: {  	_ =	shalt  }
0x42: {  	_ =	shalt  }
0x43: {  	_ =	shalt  }
0x44: {  	_ =	shalt  }
0x45: {  	_ =	shalt  }
0x46: {  	_ =	shalt  }
0x47: {  	_ =	shalt  }
0x48: {  	_ =	shalt  }
0x49: {  	_ =	shalt  }
0x4a: {  	_ =	shalt  }
0x4b: {  	_ =	shalt  }
0x4c: {  	_ =	shalt  }
0x4d: {  	_ =	shalt  }
0x4e: {  	_ =	shalt  }
0x4f: {  	_ =	shalt  }
0x50: {  	_ =	shalt  }
0x51: {  	_ =	shalt  }
0x52: {  	_ =	shalt  }
0x53: {  	_ =	shalt  }
0x54: {  	_ =	shalt  }
0x55: {  	_ =	shalt  }
0x56: {  	_ =	shalt  }
0x57: {  	_ =	shalt  }
0x58: {  	_ =	shalt  }
0x59: {  	_ =	shalt  }
0x5a: {  	_ =	shalt  }
0x5b: {  	_ =	shalt  }
0x5c: {  	_ =	shalt  }
0x5d: {  	_ =	shalt  }
0x5e: {  	_ =	shalt  }
0x5f: {  	_ =	shalt  }
0x60: {  	_ =	shalt  }
0x61: {  	_ =	shalt  }
0x62: {  	_ =	shalt  }
0x63: {  	_ =	shalt  }
0x64: {  	_ =	shalt  }
0x65: {  	_ =	shalt  }
0x66: {  	_ =	shalt  }
0x67: {  	_ =	shalt  }
0x68: {  	_ =	shalt  }
0x69: {  	_ =	shalt  }
0x6a: {  	_ =	shalt  }
0x6b: {  	_ =	shalt  }
0x6c: {  	_ =	shalt  }
0x6d: {  	_ =	shalt  }
0x6e: {  	_ =	shalt  }
0x6f: {  	_ =	shalt  }
0x70: {  	_ =	shalt  }
0x71: {  	_ =	shalt  }
0x72: {  	_ =	shalt  }
0x73: {  	_ =	shalt  }
0x74: {  	_ =	shalt  }
0x75: {  	_ =	shalt  }
0x76: {  	_ =	shalt  }
0x77: {  	_ =	shalt  }
0x78: {  	_ =	shalt  }
0x79: {  	_ =	shalt  }
0x7a: {  	_ =	shalt  }
0x7b: {  	_ =	shalt  }
0x7c: {  	_ =	shalt  }
0x7d: {  	_ =	shalt  }
0x7e: {  	_ =	shalt  }
0x7f: {  	_ =	shalt  }
0x80: {  	_ =	shalt  }
0x81: {  	_ =	shalt  }
0x82: {  	_ =	shalt  }
0x83: {  	_ =	shalt  }
0x84: {  	_ =	shalt  }
0x85: {  	_ =	shalt  }
0x86: {  	_ =	shalt  }
0x87: {  	_ =	shalt  }
.Lfunc_end0:
.L_simem_size_0:
called_computation.1_lowered:
.L_overlay_start_0:
0x88: {  	s2 =	sld [smem:$0x3FD9]  }
0x89: {  	s3 =	sld [smem:$0x3FFE];
	_ =	sdelay $0x1  }
0x8a: {  	s1 =	srdreg.scid  }
0x8b: {  	s0 =	sand.u32 $0x1, s1  }
0x8c: {  	s14 =	sshll.u32 s0, $0xA;
	s2 =	sadd.s32 s3, s2  }
0x8d: {  	s2 =	sadd.s32 s2, s14  }
0x8e: {  	[smem:$0x3FC2] =	sst s2  }
0x8f: {  	_ = 	snop  }
0x90: {  	s2 =	sld [smem:$0x3FD0];
	_ =	sdelay $0x2  }
0x91: {  	s15 =	simm.s32 $0xA;
	s4 =	simm.s32 $0x10  }
0x92: {  	[smem:s4], [sflag:s15] =	dma.local [hbm:s2], $0x1  }
0x93: {  	_ =	swait.eq [sflag:s15], $0x1  }
0x94: {  	[sflag:s15] =	ssyncset.done $0x0  }
0x95: {  	s16 =	sld [smem:$0x10];
	[sflag:s15] =	ssyncadd.s32 $0xFFFFFFFF  }
0x96: {  	s17 =	sld [smem:$0x11];
	(tm) =	ssettm $0x1  }
0x97: {  	s18 =	sld [smem:$0x3FFB];
	_ =	sdelay $0x3  }
0x98: {  	_ =	strace s18  }
0x99: {  	s4 =	sld [smem:$0x3FFC];
	_ =	sdelay $0x3  }
0x9a: {  	_ =	strace s4  }
0x9b: {  	s4 =	sld [smem:$0x3FFD];
	_ =	sdelay $0x3  }
0x9c: {  	_ =	strace s4  }
0x9d: {  	_ =	strace $0x8FFFFFFF  }
0x9e: {  	s19 =	sld [smem:$0x3FDB];
	_ =	sdelay $0x1  }
0x9f: {  	s5 =	simm.s32 $_scs_section_size  }
0xa0: {  	s6 =	simm.s32 $_size__tile_overlayer_lowered;
	s7 =	simm.s32 $_tile_overlayer_lowered  }
0xa1: {  	s22 =	simm.s32 $0x1BFF;
	s21 =	sshll.u32 s7, $0x1;
	s4 =	sadd.s32 s5, s19  }
0xa2: {  	s8 =	simm.s32 $0x0;
	s20 =	sshll.u32 s6, $0x1;
	s6 =	sadd.s32 s21, s4  }
0xa3: {  	[timem:s8], [sflag:s22] =	dma.local [hbm:s6], s20  }
0xa4: {  	_ =	swait.ge [sflag:s22], s20  }
0xa5: {  	s5 =	ssub.s32 $0x0, s20;
	[sflag:s22] =	ssyncset.done $0x0  }
0xa6: {  	[sflag:s22] =	ssyncadd.s32 s5;
	_ =	sdelay $0x1  }
0xa7: {  	s23 =	simm.s32 $0x1B8B  }
0xa8: {  	_ =	swait.ge [sflag:s23], $0x1  }
0xa9: {  	[sflag:s23] =	ssyncset.done $0x0  }
0xaa: {  	s25 =	simm.s32 $0x1B8E;
	s24 =	sld [smem:$0x3FFE];
	[sflag:s23] =	ssyncadd.s32 $0xFFFFFFFF  }
0xab: {  	s26 =	simm.s32 $execute0_lowered;
	[smem:$0x3FD2] =	sst s25  }
0xac: {  	s6 =	sshll.u32 s26, $0x1;
	_ =	strace $0x80000049;
	[dreg:$0x1] =	wrdreg $0xFFFFFFFF  }
0xad: {  	s28 =	simm.s32 $_size_execute0_lowered;
	s4 =	sadd.s32 s4, s6;
	[dreg:$0x0] =	wrdreg $0x0  }
0xae: {  	s6 =	sshll.u32 s28, $0x1;
	[dreg:$0x2] =	wrdreg s4  }
0xaf: {  	[dreg:$0x3] =	wrdreg s6  }
0xb0: {  	[dreg:$0x4] =	wrdreg $0xC0  }
0xb1: {  	_ =	task [dreg:s8], $0x5FFFF  }
0xb2: {  	[dreg:$0x1] =	wrdreg $0xFFFFFFFF  }
0xb3: {  	[dreg:$0x0] =	wrdreg $0x60  }
0xb4: {  	[dreg:$0x2] =	wrdreg s17  }
0xb5: {  	[dreg:$0x3] =	wrdreg s16  }
0xb6: {  	[dreg:$0x4] =	wrdreg s24  }
0xb7: {  	[dreg:$0x5] =	wrdreg $0xA0000  }
0xb8: {  	[dreg:$0x6] =	wrdreg $0x9  }
0xb9: {  	_ =	task.clear_ibuf [dreg:s8], $0x7FFFF;
	_ =	strace $0x90000049  }
0xba: {  	s29 =	simm.s32 $0x9;
	_ =	strace $0x8000004B  }
0xbb: {  	_ =	swait.ge [sflag:s29], $0x1  }
0xbc: {  	[sflag:s29] =	ssyncadd.s32 $0xFFFFFFFF  }
0xbd: {  	_ =	strace $0x9000004B  }
0xbe: {  	_ =	sfence  }
0xbf: {  	s30 =	sld [smem:$0x0];
	_ =	sdelay $0x2  }
0xc0: {  	s31 =	sshll.u32 s1, $0xD;
	s1 =	sshrl.u32 s1, $0x2  }
0xc1: {  	s3 =	sand.u32 $0x4000, s31;
	s1 =	sadd.s32 s1, s30  }
0xc2: {  	s0 =	sor.u32 s3, s0;
	s1 =	sshll.u32 s1, $0x11  }
0xc3: {  	s0 =	sor.u32 s1, s0  }
0xc4: {  	s0 =	sadd.s32 $0x8F2B, s0  }
0xc5: {  	[sflag:s0] =	ssyncadd.remote.s32 $0x1  }
0xc6: {  	_ =	sfence.sel $0xFFFF  }
0xc7: {  	[dreg:$0x0] =	wrdreg $0xFFFFFFFF;
	(pc) =	sbr.abs _section_cstart, $3  }
0xc8: {  	[dreg:$0x1] =	wrdreg $0xFFFFFFFF  }
0xc9: {  	_ =	task.clear_ibuf [dreg:s8], $0x2FFFF;
	_ =	strace $0x9FFFFFFF  }
0xca: {  	(tm) =	ssettm $0x7FFFFFFF  }
0xcb: {  	_ =	shalt  }
tec
execute0_lowered:
.L_overlay_start_1:
0x0: {  	(tag) =	ssettag $0x1  }
0x1: {  	s0 =	rddreg [dreg:$0x0]  }
0x2: {  	s1 =	rddreg [dreg:$0x1]  }
0x3: {  	s5 =	rddreg [dreg:$0x2];
	s3 =	srdreg.scid  }
0x4: {  	s10 =	stileid.u32;
	s2 =	rddreg [dreg:$0x3]  }
0x5: {  	s28 =	simm.s32 $0x2000;
	s29 =	simm.s32 $0x5;
	s30 =	simm.s32 $0x1000  }
0x6: {  	s31 =	simm.s32 $0x40;
	s6 =	sand.u32 $0x1, s3;
	s7 =	smul.u32 $0x2780, s10  }
0x7: {  	s3 =	simm.s32 $0x0;
	s9 =	smul.u32 $0x4F000, s10;
	s10 =	sshll.u32 s10, $0x1  }
0x8: {  	s8 =	smul.u32 $0x27800, s6;
	s24 =	ssub.s32 $0x2, s6;
	s6 =	sor.u32 s6, s10  }
0x9: {  	s4 =	sadd.s32 $0x1800, s5;
	[smem:$0x7FF] =	sst s3;
	s14 =	smul.u32 $0x5000, s6  }
0xa: {  	s10 =	simm.s32 $0x1;
	_ =	strace $0x8000004A;
	s6 =	smul.u32 $0xA00, s6  }
0xb: {  	s25 =	sshrl.u32 s9, $0x2;
	s26 =	sshrl.u32 s24, $0x1;
	s7 =	sadd.s32 s7, s8  }
0xc: {  	s8 =	ssub.s32 s24, s26;
	s7 =	sadd.s32 s7, s5;
	s19 =	sadd.s32 s0, s6  }
0xd: {  	s5 =	sadd.s32 s25, s2;
	s6 =	sadd.s32 s1, s6;
	[dreg:$0xc] =	wrdreg s19  }
0xe: {  	s9 =	sshrl.u32 s14, $0x3;
	s11 =	sadd.s32 $0x2000, s5;
	[dreg:$0xd] =	wrdreg s6  }
0xf: {  	s14 =	simm.s32 $0x1E00;
	s12 =	sadd.s32 $0x4000, s5;
	[dreg:$0x5] =	wrdreg s11  }
0x10: {  	s13 =	sadd.s32 $0x6000, s5;
	s15 =	sadd.s32 $0x8000, s5;
	[dreg:$0x6] =	wrdreg s12  }
0x11: {  	s16 =	sadd.s32 $0xA000, s5;
	s17 =	sadd.s32 $0xC000, s5;
	[dreg:$0x7] =	wrdreg s13  }
0x12: {  	s18 =	sadd.s32 $0xE000, s5;
	s20 =	sadd.s32 $0x200, s9;
	[dreg:$0x8] =	wrdreg s15  }
0x13: {  	s22 =	sadd.s32 $0x400, s9;
	s24 =	sadd.s32 $0x600, s9;
	[dreg:$0x9] =	wrdreg s16  }
0x14: {  	s26 =	sadd.s32 $0x800, s9;
	s9 =	simm.s32 $0x8000;
	[dreg:$0xa] =	wrdreg s17  }
0x15: {  	[dreg:$0xb] =	wrdreg s18;
	s21 =	sadd.s32 s0, s20;
	s6 =	sadd.s32 s1, s20  }
0x16: {  	s23 =	sadd.s32 s0, s22;
	s25 =	sadd.s32 s0, s24;
	s11 =	simm.s32 $0x2  }
0x17: {  	s12 =	simm.s32 $0x3;
	s13 =	simm.s32 $0x4;
	[dreg:$0xe] =	wrdreg s21  }
0x18: {  	s15 =	simm.s32 $0x1E80;
	s16 =	simm.s32 $0x1F00;
	[dreg:$0xf] =	wrdreg s6  }
0x19: {  	s17 =	simm.s32 $0x1F80;
	[dreg:$0x10] =	wrdreg s23;
	s6 =	sadd.s32 s1, s22  }
0x1a: {  	[dreg:$0x12] =	wrdreg s25;
	s21 =	sadd.s32 s0, s26;
	s22 =	sadd.s32 s1, s26  }
0x1b: {  	s23 =	sadd.s32 $0x10000, s5;
	s25 =	smax.u32 s8, $0x1;
	s26 =	sadd.s32 $0x12000, s5  }
0x1c: {  	s0 =	simm.s32 $0x4000;
	s8 =	simm.s32 $0x180;
	[dreg:$0x11] =	wrdreg s6  }
0x1d: {  	s6 =	sadd.s32 s1, s24;
	s24 =	sadd.s32 $0x29000, s7;
	s1 =	simm.s32 $0x80  }
0x1e: {  	v0 =	vimm.f32 $0.0e+00;
	s7 =	simm.s32 $0x6000;
	[dreg:$0x13] =	wrdreg s6;
	s6 =	simm.s32 $0x100  }
.LBB2_1:
0x1f: {  	s18 =	simm.s32 $0x0;
	s19 =	simm.s32 $0x200  }
.LBB2_2:
0x20: {  	p0 =	sne.s32 s19, $0x7E00;
	[tilespmem:s18+$0x2070] =	vst v0  }
0x21: {  	[tilespmem:s18+$0x2000] =	vst v0  }
0x22: {  	[tilespmem:s18+$0x2010] =	vst v0  }
.Ltmp0:
0x23: {  	[tilespmem:s18+$0x2020] =	vst v0;
	(pc) =	sbr.rel @p0 .LBB2_2-.Ltmp0, $4  }
0x24: {  	[tilespmem:s18+$0x2030] =	vst v0  }
0x25: {  	[tilespmem:s18+$0x2040] =	vst v0  }
0x26: {  	[tilespmem:s18+$0x2050] =	vst v0  }
0x27: {  	[tilespmem:s18+$0x2060] =	vst v0;
	s18 =	sshra.s32 s19, $0x2;
	s19 =	sadd.s32 $0x200, s19  }
0x28: {  	[tilespmem:s18+$0x2070] =	vst v0  }
0x29: {  	[tilespmem:s18+$0x2000] =	vst v0  }
0x2a: {  	[tilespmem:s18+$0x2010] =	vst v0  }
0x2b: {  	[tilespmem:s18+$0x2020] =	vst v0  }
0x2c: {  	[tilespmem:s18+$0x2030] =	vst v0  }
0x2d: {  	[tilespmem:s18+$0x2040] =	vst v0  }
0x2e: {  	[tilespmem:s18+$0x2050] =	vst v0  }
0x2f: {  	[tilespmem:s18+$0x2060] =	vst v0  }
0x30: {  	[spmem:s5] =	stream.linear.scatter [tilespmem:s28], [sflag:$0x5], $0x2000, $0x38;
	[tilespmem:$0x1DC00] =	vst v63  }
0x31: {  	_ =	swait.ge [sflag:s29], $0x2000  }
0x32: {  	[sflag:s29] =	ssyncset.done $0x0  }
0x33: {  	s19 =	rddreg [dreg:$0x5];
	[sflag:s29] =	ssyncadd.s32 $0xFFFFE000  }
0x34: {  	[spmem:s19] =	stream.linear.scatter [tilespmem:s28], [sflag:$0x5], $0x2000, $0x38;
	[tilespmem:$0x1DC00] =	vst v63  }
0x35: {  	_ =	swait.ge [sflag:s29], $0x2000  }
0x36: {  	[sflag:s29] =	ssyncset.done $0x0  }
0x37: {  	s20 =	rddreg [dreg:$0x6];
	[sflag:s29] =	ssyncadd.s32 $0xFFFFE000  }
0x38: {  	[spmem:s20] =	stream.linear.scatter [tilespmem:s28], [sflag:$0x5], $0x2000, $0x38;
	[tilespmem:$0x1DC00] =	vst v63  }
0x39: {  	_ =	swait.ge [sflag:s29], $0x2000  }
0x3a: {  	[sflag:s29] =	ssyncset.done $0x0  }
0x3b: {  	s19 =	rddreg [dreg:$0x7];
	[sflag:s29] =	ssyncadd.s32 $0xFFFFE000  }
0x3c: {  	[spmem:s19] =	stream.linear.scatter [tilespmem:s28], [sflag:$0x5], $0x2000, $0x38;
	[tilespmem:$0x1DC00] =	vst v63  }
0x3d: {  	_ =	swait.ge [sflag:s29], $0x2000  }
0x3e: {  	[sflag:s29] =	ssyncset.done $0x0  }
0x3f: {  	s20 =	rddreg [dreg:$0x8];
	[sflag:s29] =	ssyncadd.s32 $0xFFFFE000  }
0x40: {  	[spmem:s20] =	stream.linear.scatter [tilespmem:s28], [sflag:$0x5], $0x2000, $0x38;
	[tilespmem:$0x1DC00] =	vst v63  }
0x41: {  	_ =	swait.ge [sflag:s29], $0x2000  }
0x42: {  	[sflag:s29] =	ssyncset.done $0x0  }
0x43: {  	s19 =	rddreg [dreg:$0x9];
	[sflag:s29] =	ssyncadd.s32 $0xFFFFE000  }
0x44: {  	[spmem:s19] =	stream.linear.scatter [tilespmem:s28], [sflag:$0x5], $0x2000, $0x38;
	[tilespmem:$0x1DC00] =	vst v63  }
0x45: {  	_ =	swait.ge [sflag:s29], $0x2000  }
0x46: {  	[sflag:s29] =	ssyncset.done $0x0  }
0x47: {  	s20 =	rddreg [dreg:$0xa];
	[sflag:s29] =	ssyncadd.s32 $0xFFFFE000  }
0x48: {  	[spmem:s20] =	stream.linear.scatter [tilespmem:s28], [sflag:$0x5], $0x2000, $0x38;
	[tilespmem:$0x1DC00] =	vst v63  }
0x49: {  	_ =	swait.ge [sflag:s29], $0x2000  }
0x4a: {  	[sflag:s29] =	ssyncset.done $0x0  }
0x4b: {  	s19 =	rddreg [dreg:$0xb];
	[sflag:s29] =	ssyncadd.s32 $0xFFFFE000  }
0x4c: {  	[spmem:s19] =	stream.linear.scatter [tilespmem:s28], [sflag:$0x5], $0x2000, $0x38;
	[tilespmem:$0x1DC00] =	vst v63  }
0x4d: {  	_ =	swait.ge [sflag:s29], $0x2000  }
0x4e: {  	[sflag:s29] =	ssyncset.done $0x0  }
0x4f: {  	[sflag:s29] =	ssyncadd.s32 $0xFFFFE000  }
0x50: {  	[spmem:s23] =	stream.linear.scatter [tilespmem:s28], [sflag:$0x5], $0x2000, $0x38;
	[tilespmem:$0x1DC00] =	vst v63  }
0x51: {  	_ =	swait.ge [sflag:s29], $0x2000  }
0x52: {  	[sflag:s29] =	ssyncset.done $0x0  }
0x53: {  	[sflag:s29] =	ssyncadd.s32 $0xFFFFE000  }
0x54: {  	[spmem:s26] =	stream.linear.scatter [tilespmem:s28], [sflag:$0x5], $0x1C00, $0x38;
	[tilespmem:$0x1DC00] =	vst v63  }
0x55: {  	_ =	swait.ge [sflag:s29], $0x1C00  }
0x56: {  	[sflag:s29] =	ssyncset.done $0x0  }
0x57: {  	[sflag:s29] =	ssyncadd.s32 $0xFFFFE400  }
0x58: {  	[bflag:$0x0] =	sbarrier.arrive $0xFFFF  }
0x59: {  	s18 =	simm.s32 $0x0;
	s19 =	rddreg [dreg:$0xc]  }
0x5a: {  	[tilespmem:s18], [sflag:$0x5] =	stream.linear.gather [hbm4b:s19+s18], $0x1000, $0x38;
	[tilespmem:$0x1DC00] =	vst v63  }
0x5b: {  	_ =	swait.ge [sflag:s29], $0x1000  }
0x5c: {  	[sflag:s29] =	ssyncset.done $0x0  }
0x5d: {  	s20 =	rddreg [dreg:$0xd];
	[sflag:s29] =	ssyncadd.s32 $0xFFFFF000  }
0x5e: {  	[tilespmem:s30], [sflag:$0x5] =	stream.linear.gather [hbm4b:s20+s18], $0x1000, $0x38;
	[tilespmem:$0x1DC00] =	vst v63  }
0x5f: {  	_ =	swait.ge [sflag:s29], $0x1000  }
0x60: {  	[sflag:s29] =	ssyncset.done $0x0  }
0x61: {  	[sflag:s29] =	ssyncadd.s32 $0xFFFFF000  }
0x62: {  	[tilespmem:s28], [sflag:$0x1] =	stream.indirect.gather [hbm4b:s4+s31], $0x80, s18, s31, $0xb8;
	[tilespmem:$0x1DC00] =	vst v63  }
0x63: {  	_ = 	snop  }
0x64: {  	[tilespmem:s0], [sflag:$0x2] =	stream.indirect.gather [hbm4b:s4+s31], $0x80, s1, s31, $0xb8;
	[tilespmem:$0x1DC00] =	vst v63  }
0x65: {  	_ = 	snop  }
0x66: {  	[tilespmem:s7], [sflag:$0x3] =	stream.indirect.gather [hbm4b:s4+s31], $0x80, s6, s31, $0xb8;
	[tilespmem:$0x1DC00] =	vst v63  }
0x67: {  	_ = 	snop  }
0x68: {  	[tilespmem:s9], [sflag:$0x4] =	stream.indirect.gather [hbm4b:s4+s31], $0x80, s8, s31, $0xb8;
	[tilespmem:$0x1DC00] =	vst v63  }
0x69: {  	_ =	swait.ge [sflag:s10], $0x2000  }
0x6a: {  	[sflag:s10] =	ssyncset.done $0x0  }
0x6b: {  	s20 =	simm.s32 $0x1000;
	[sflag:s10] =	ssyncadd.s32 $0xFFFFE000  }
0x6c: {  	[spmem:s2] =	stream.indirect.scatter.add.f32 [tilespmem:s28], [sflag:$0x5], $0x80, s20, s31, $0xb8;
	[tilespmem:$0x1DC00] =	vst v63  }
0x6d: {  	_ =	swait.ge [sflag:s29], $0x2000  }
0x6e: {  	[sflag:s29] =	ssyncset.done $0x0  }
0x6f: {  	s19 =	simm.s32 $0x200;
	[sflag:s29] =	ssyncadd.s32 $0xFFFFE000  }
0x70: {  	[tilespmem:s28], [sflag:$0x1] =	stream.indirect.gather [hbm4b:s4+s31], $0x80, s19, s31, $0xb8;
	[tilespmem:$0x1DC00] =	vst v63  }
0x71: {  	_ =	swait.ge [sflag:s11], $0x2000  }
0x72: {  	[sflag:s11] =	ssyncset.done $0x0  }
0x73: {  	s20 =	simm.s32 $0x1080;
	[sflag:s11] =	ssyncadd.s32 $0xFFFFE000  }
0x74: {  	[spmem:s2] =	stream.indirect.scatter.add.f32 [tilespmem:s0], [sflag:$0x5], $0x80, s20, s31, $0xb8;
	[tilespmem:$0x1DC00] =	vst v63  }
0x75: {  	_ =	swait.ge [sflag:s29], $0x2000  }
0x76: {  	[sflag:s29] =	ssyncset.done $0x0  }
0x77: {  	s19 =	simm.s32 $0x280;
	[sflag:s29] =	ssyncadd.s32 $0xFFFFE000  }
0x78: {  	[tilespmem:s0], [sflag:$0x2] =	stream.indirect.gather [hbm4b:s4+s31], $0x80, s19, s31, $0xb8;
	[tilespmem:$0x1DC00] =	vst v63  }
0x79: {  	_ =	swait.ge [sflag:s12], $0x2000  }
0x7a: {  	[sflag:s12] =	ssyncset.done $0x0  }
0x7b: {  	s20 =	simm.s32 $0x1100;
	[sflag:s12] =	ssyncadd.s32 $0xFFFFE000  }
0x7c: {  	[spmem:s2] =	stream.indirect.scatter.add.f32 [tilespmem:s7], [sflag:$0x5], $0x80, s20, s31, $0xb8;
	[tilespmem:$0x1DC00] =	vst v63  }
0x7d: {  	_ =	swait.ge [sflag:s29], $0x2000  }
0x7e: {  	[sflag:s29] =	ssyncset.done $0x0  }
0x7f: {  	s19 =	simm.s32 $0x300;
	[sflag:s29] =	ssyncadd.s32 $0xFFFFE000  }
0x80: {  	[tilespmem:s7], [sflag:$0x3] =	stream.indirect.gather [hbm4b:s4+s31], $0x80, s19, s31, $0xb8;
	[tilespmem:$0x1DC00] =	vst v63  }
0x81: {  	_ =	swait.ge [sflag:s13], $0x2000  }
0x82: {  	[sflag:s13] =	ssyncset.done $0x0  }
0x83: {  	s20 =	simm.s32 $0x1180;
	[sflag:s13] =	ssyncadd.s32 $0xFFFFE000  }
0x84: {  	[spmem:s2] =	stream.indirect.scatter.add.f32 [tilespmem:s9], [sflag:$0x5], $0x80, s20, s31, $0xb8;
	[tilespmem:$0x1DC00] =	vst v63  }
0x85: {  	_ =	swait.ge [sflag:s29], $0x2000  }
0x86: {  	[sflag:s29] =	ssyncset.done $0x0  }
0x87: {  	s18 =	simm.s32 $0x800;
	s19 =	simm.s32 $0x380;
	[sflag:s29] =	ssyncadd.s32 $0xFFFFE000  }
.LBB2_4:
0x88: {  	[tilespmem:s9], [sflag:$0x4] =	stream.indirect.gather [hbm4b:s4+s31], $0x80, s19, s31, $0xb8;
	[tilespmem:$0x1DC00] =	vst v63  }
0x89: {  	s19 =	smov.u32 s18  }
0x8a: {  	p0 =	sne.s32 s18, $0x3000;
	s18 =	sadd.s32 $0x800, s18;
	_ =	swait.ge [sflag:s10], $0x2000  }
0x8b: {  	s19 =	sshra.s32 s19, $0x2;
	[sflag:s10] =	ssyncset.done $0x0  }
0x8c: {  	s20 =	sadd.s32 $0x1000, s19;
	[sflag:s10] =	ssyncadd.s32 $0xFFFFE000  }
0x8d: {  	[spmem:s2] =	stream.indirect.scatter.add.f32 [tilespmem:s28], [sflag:$0x5], $0x80, s20, s31, $0xb8;
	[tilespmem:$0x1DC00] =	vst v63  }
0x8e: {  	_ =	swait.ge [sflag:s29], $0x2000  }
0x8f: {  	[sflag:s29] =	ssyncset.done $0x0  }
0x90: {  	s20 =	sadd.s32 $0x200, s19;
	[sflag:s29] =	ssyncadd.s32 $0xFFFFE000  }
0x91: {  	[tilespmem:s28], [sflag:$0x1] =	stream.indirect.gather [hbm4b:s4+s31], $0x80, s20, s31, $0xb8;
	[tilespmem:$0x1DC00] =	vst v63  }
0x92: {  	_ =	swait.ge [sflag:s11], $0x2000  }
0x93: {  	[sflag:s11] =	ssyncset.done $0x0  }
0x94: {  	s20 =	sadd.s32 $0x1080, s19;
	[sflag:s11] =	ssyncadd.s32 $0xFFFFE000  }
0x95: {  	[spmem:s2] =	stream.indirect.scatter.add.f32 [tilespmem:s0], [sflag:$0x5], $0x80, s20, s31, $0xb8;
	[tilespmem:$0x1DC00] =	vst v63  }
0x96: {  	_ =	swait.ge [sflag:s29], $0x2000  }
0x97: {  	[sflag:s29] =	ssyncset.done $0x0  }
0x98: {  	s20 =	sadd.s32 $0x280, s19;
	[sflag:s29] =	ssyncadd.s32 $0xFFFFE000  }
0x99: {  	[tilespmem:s0], [sflag:$0x2] =	stream.indirect.gather [hbm4b:s4+s31], $0x80, s20, s31, $0xb8;
	[tilespmem:$0x1DC00] =	vst v63  }
0x9a: {  	_ =	swait.ge [sflag:s12], $0x2000  }
0x9b: {  	[sflag:s12] =	ssyncset.done $0x0  }
0x9c: {  	s20 =	sadd.s32 $0x1100, s19;
	[sflag:s12] =	ssyncadd.s32 $0xFFFFE000  }
0x9d: {  	[spmem:s2] =	stream.indirect.scatter.add.f32 [tilespmem:s7], [sflag:$0x5], $0x80, s20, s31, $0xb8;
	[tilespmem:$0x1DC00] =	vst v63  }
0x9e: {  	_ =	swait.ge [sflag:s29], $0x2000  }
0x9f: {  	[sflag:s29] =	ssyncset.done $0x0  }
0xa0: {  	s20 =	sadd.s32 $0x300, s19;
	[sflag:s29] =	ssyncadd.s32 $0xFFFFE000  }
0xa1: {  	[tilespmem:s7], [sflag:$0x3] =	stream.indirect.gather [hbm4b:s4+s31], $0x80, s20, s31, $0xb8;
	[tilespmem:$0x1DC00] =	vst v63  }
0xa2: {  	_ =	swait.ge [sflag:s13], $0x2000  }
0xa3: {  	[sflag:s13] =	ssyncset.done $0x0  }
.Ltmp1:
0xa4: {  	s20 =	sadd.s32 $0x1180, s19;
	[sflag:s13] =	ssyncadd.s32 $0xFFFFE000;
	(pc) =	sbr.rel @p0 .LBB2_4-.Ltmp1, $4  }
0xa5: {  	[spmem:s2] =	stream.indirect.scatter.add.f32 [tilespmem:s9], [sflag:$0x5], $0x80, s20, s31, $0xb8;
	[tilespmem:$0x1DC00] =	vst v63  }
0xa6: {  	_ =	swait.ge [sflag:s29], $0x2000  }
0xa7: {  	[sflag:s29] =	ssyncset.done $0x0  }
0xa8: {  	s19 =	sadd.s32 $0x380, s19;
	[sflag:s29] =	ssyncadd.s32 $0xFFFFE000  }
0xa9: {  	[tilespmem:s9], [sflag:$0x4] =	stream.indirect.gather [hbm4b:s4+s31], $0x80, s19, s31, $0xb8;
	[tilespmem:$0x1DC00] =	vst v63  }
0xaa: {  	_ =	swait.ge [sflag:s10], $0x2000  }
0xab: {  	[sflag:s10] =	ssyncset.done $0x0  }
0xac: {  	[sflag:s10] =	ssyncadd.s32 $0xFFFFE000  }
0xad: {  	[spmem:s2] =	stream.indirect.scatter.add.f32 [tilespmem:s28], [sflag:$0x5], $0x80, s14, s31, $0xb8;
	[tilespmem:$0x1DC00] =	vst v63  }
0xae: {  	_ =	swait.ge [sflag:s29], $0x2000  }
0xaf: {  	[sflag:s29] =	ssyncset.done $0x0  }
0xb0: {  	[sflag:s29] =	ssyncadd.s32 $0xFFFFE000  }
0xb1: {  	_ =	swait.ge [sflag:s11], $0x2000  }
0xb2: {  	[sflag:s11] =	ssyncset.done $0x0  }
0xb3: {  	[sflag:s11] =	ssyncadd.s32 $0xFFFFE000  }
0xb4: {  	[spmem:s2] =	stream.indirect.scatter.add.f32 [tilespmem:s0], [sflag:$0x5], $0x80, s15, s31, $0xb8;
	[tilespmem:$0x1DC00] =	vst v63  }
0xb5: {  	_ =	swait.ge [sflag:s29], $0x2000  }
0xb6: {  	[sflag:s29] =	ssyncset.done $0x0  }
0xb7: {  	[sflag:s29] =	ssyncadd.s32 $0xFFFFE000  }
0xb8: {  	_ =	swait.ge [sflag:s12], $0x2000  }
0xb9: {  	[sflag:s12] =	ssyncset.done $0x0  }
0xba: {  	[sflag:s12] =	ssyncadd.s32 $0xFFFFE000  }
0xbb: {  	[spmem:s2] =	stream.indirect.scatter.add.f32 [tilespmem:s7], [sflag:$0x5], $0x80, s16, s31, $0xb8;
	[tilespmem:$0x1DC00] =	vst v63  }
0xbc: {  	_ =	swait.ge [sflag:s29], $0x2000  }
0xbd: {  	[sflag:s29] =	ssyncset.done $0x0  }
0xbe: {  	[sflag:s29] =	ssyncadd.s32 $0xFFFFE000  }
0xbf: {  	_ =	swait.ge [sflag:s13], $0x2000  }
0xc0: {  	[sflag:s13] =	ssyncset.done $0x0  }
0xc1: {  	[sflag:s13] =	ssyncadd.s32 $0xFFFFE000  }
0xc2: {  	[spmem:s2] =	stream.indirect.scatter.add.f32 [tilespmem:s9], [sflag:$0x5], $0x80, s17, s31, $0xb8;
	[tilespmem:$0x1DC00] =	vst v63  }
0xc3: {  	_ =	swait.ge [sflag:s29], $0x2000  }
0xc4: {  	[sflag:s29] =	ssyncset.done $0x0  }
0xc5: {  	s18 =	simm.s32 $0x0;
	s20 =	rddreg [dreg:$0xe];
	[sflag:s29] =	ssyncadd.s32 $0xFFFFE000  }
0xc6: {  	[tilespmem:s18], [sflag:$0x5] =	stream.linear.gather [hbm4b:s20+s18], $0x1000, $0x38;
	[tilespmem:$0x1DC00] =	vst v63  }
0xc7: {  	_ =	swait.ge [sflag:s29], $0x1000  }
0xc8: {  	[sflag:s29] =	ssyncset.done $0x0  }
0xc9: {  	s20 =	rddreg [dreg:$0xf];
	[sflag:s29] =	ssyncadd.s32 $0xFFFFF000  }
0xca: {  	[tilespmem:s30], [sflag:$0x5] =	stream.linear.gather [hbm4b:s20+s18], $0x1000, $0x38;
	[tilespmem:$0x1DC00] =	vst v63  }
0xcb: {  	_ =	swait.ge [sflag:s29], $0x1000  }
0xcc: {  	[sflag:s29] =	ssyncset.done $0x0  }
0xcd: {  	[sflag:s29] =	ssyncadd.s32 $0xFFFFF000  }
0xce: {  	[tilespmem:s28], [sflag:$0x1] =	stream.indirect.gather [hbm4b:s4+s31], $0x80, s18, s31, $0xb8;
	[tilespmem:$0x1DC00] =	vst v63  }
0xcf: {  	_ = 	snop  }
0xd0: {  	[tilespmem:s0], [sflag:$0x2] =	stream.indirect.gather [hbm4b:s4+s31], $0x80, s1, s31, $0xb8;
	[tilespmem:$0x1DC00] =	vst v63  }
0xd1: {  	_ = 	snop  }
0xd2: {  	[tilespmem:s7], [sflag:$0x3] =	stream.indirect.gather [hbm4b:s4+s31], $0x80, s6, s31, $0xb8;
	[tilespmem:$0x1DC00] =	vst v63  }
0xd3: {  	_ = 	snop  }
0xd4: {  	[tilespmem:s9], [sflag:$0x4] =	stream.indirect.gather [hbm4b:s4+s31], $0x80, s8, s31, $0xb8;
	[tilespmem:$0x1DC00] =	vst v63  }
0xd5: {  	_ =	swait.ge [sflag:s10], $0x2000  }
0xd6: {  	[sflag:s10] =	ssyncset.done $0x0  }
0xd7: {  	s20 =	simm.s32 $0x1000;
	[sflag:s10] =	ssyncadd.s32 $0xFFFFE000  }
0xd8: {  	[spmem:s2] =	stream.indirect.scatter.add.f32 [tilespmem:s28], [sflag:$0x5], $0x80, s20, s31, $0xb8;
	[tilespmem:$0x1DC00] =	vst v63  }
0xd9: {  	_ =	swait.ge [sflag:s29], $0x2000  }
0xda: {  	[sflag:s29] =	ssyncset.done $0x0  }
0xdb: {  	s19 =	simm.s32 $0x200;
	[sflag:s29] =	ssyncadd.s32 $0xFFFFE000  }
0xdc: {  	[tilespmem:s28], [sflag:$0x1] =	stream.indirect.gather [hbm4b:s4+s31], $0x80, s19, s31, $0xb8;
	[tilespmem:$0x1DC00] =	vst v63  }
0xdd: {  	_ =	swait.ge [sflag:s11], $0x2000  }
0xde: {  	[sflag:s11] =	ssyncset.done $0x0  }
0xdf: {  	s20 =	simm.s32 $0x1080;
	[sflag:s11] =	ssyncadd.s32 $0xFFFFE000  }
0xe0: {  	[spmem:s2] =	stream.indirect.scatter.add.f32 [tilespmem:s0], [sflag:$0x5], $0x80, s20, s31, $0xb8;
	[tilespmem:$0x1DC00] =	vst v63  }
0xe1: {  	_ =	swait.ge [sflag:s29], $0x2000  }
0xe2: {  	[sflag:s29] =	ssyncset.done $0x0  }
0xe3: {  	s19 =	simm.s32 $0x280;
	[sflag:s29] =	ssyncadd.s32 $0xFFFFE000  }
0xe4: {  	[tilespmem:s0], [sflag:$0x2] =	stream.indirect.gather [hbm4b:s4+s31], $0x80, s19, s31, $0xb8;
	[tilespmem:$0x1DC00] =	vst v63  }
0xe5: {  	_ =	swait.ge [sflag:s12], $0x2000  }
0xe6: {  	[sflag:s12] =	ssyncset.done $0x0  }
0xe7: {  	s20 =	simm.s32 $0x1100;
	[sflag:s12] =	ssyncadd.s32 $0xFFFFE000  }
0xe8: {  	[spmem:s2] =	stream.indirect.scatter.add.f32 [tilespmem:s7], [sflag:$0x5], $0x80, s20, s31, $0xb8;
	[tilespmem:$0x1DC00] =	vst v63  }
0xe9: {  	_ =	swait.ge [sflag:s29], $0x2000  }
0xea: {  	[sflag:s29] =	ssyncset.done $0x0  }
0xeb: {  	s19 =	simm.s32 $0x300;
	[sflag:s29] =	ssyncadd.s32 $0xFFFFE000  }
0xec: {  	[tilespmem:s7], [sflag:$0x3] =	stream.indirect.gather [hbm4b:s4+s31], $0x80, s19, s31, $0xb8;
	[tilespmem:$0x1DC00] =	vst v63  }
0xed: {  	_ =	swait.ge [sflag:s13], $0x2000  }
0xee: {  	[sflag:s13] =	ssyncset.done $0x0  }
0xef: {  	s20 =	simm.s32 $0x1180;
	[sflag:s13] =	ssyncadd.s32 $0xFFFFE000  }
0xf0: {  	[spmem:s2] =	stream.indirect.scatter.add.f32 [tilespmem:s9], [sflag:$0x5], $0x80, s20, s31, $0xb8;
	[tilespmem:$0x1DC00] =	vst v63  }
0xf1: {  	_ =	swait.ge [sflag:s29], $0x2000  }
0xf2: {  	[sflag:s29] =	ssyncset.done $0x0  }
0xf3: {  	s18 =	simm.s32 $0x800;
	s19 =	simm.s32 $0x380;
	[sflag:s29] =	ssyncadd.s32 $0xFFFFE000  }
.LBB2_6:
0xf4: {  	[tilespmem:s9], [sflag:$0x4] =	stream.indirect.gather [hbm4b:s4+s31], $0x80, s19, s31, $0xb8;
	[tilespmem:$0x1DC00] =	vst v63  }
0xf5: {  	s19 =	smov.u32 s18  }
0xf6: {  	p0 =	sne.s32 s18, $0x3000;
	s18 =	sadd.s32 $0x800, s18;
	_ =	swait.ge [sflag:s10], $0x2000  }
0xf7: {  	s19 =	sshra.s32 s19, $0x2;
	[sflag:s10] =	ssyncset.done $0x0  }
0xf8: {  	s20 =	sadd.s32 $0x1000, s19;
	[sflag:s10] =	ssyncadd.s32 $0xFFFFE000  }
0xf9: {  	[spmem:s2] =	stream.indirect.scatter.add.f32 [tilespmem:s28], [sflag:$0x5], $0x80, s20, s31, $0xb8;
	[tilespmem:$0x1DC00] =	vst v63  }
0xfa: {  	_ =	swait.ge [sflag:s29], $0x2000  }
0xfb: {  	[sflag:s29] =	ssyncset.done $0x0  }
0xfc: {  	s20 =	sadd.s32 $0x200, s19;
	[sflag:s29] =	ssyncadd.s32 $0xFFFFE000  }
0xfd: {  	[tilespmem:s28], [sflag:$0x1] =	stream.indirect.gather [hbm4b:s4+s31], $0x80, s20, s31, $0xb8;
	[tilespmem:$0x1DC00] =	vst v63  }
0xfe: {  	_ =	swait.ge [sflag:s11], $0x2000  }
0xff: {  	[sflag:s11] =	ssyncset.done $0x0  }
0x100: {  	s20 =	sadd.s32 $0x1080, s19;
	[sflag:s11] =	ssyncadd.s32 $0xFFFFE000  }
0x101: {  	[spmem:s2] =	stream.indirect.scatter.add.f32 [tilespmem:s0], [sflag:$0x5], $0x80, s20, s31, $0xb8;
	[tilespmem:$0x1DC00] =	vst v63  }
0x102: {  	_ =	swait.ge [sflag:s29], $0x2000  }
0x103: {  	[sflag:s29] =	ssyncset.done $0x0  }
0x104: {  	s20 =	sadd.s32 $0x280, s19;
	[sflag:s29] =	ssyncadd.s32 $0xFFFFE000  }
0x105: {  	[tilespmem:s0], [sflag:$0x2] =	stream.indirect.gather [hbm4b:s4+s31], $0x80, s20, s31, $0xb8;
	[tilespmem:$0x1DC00] =	vst v63  }
0x106: {  	_ =	swait.ge [sflag:s12], $0x2000  }
0x107: {  	[sflag:s12] =	ssyncset.done $0x0  }
0x108: {  	s20 =	sadd.s32 $0x1100, s19;
	[sflag:s12] =	ssyncadd.s32 $0xFFFFE000  }
0x109: {  	[spmem:s2] =	stream.indirect.scatter.add.f32 [tilespmem:s7], [sflag:$0x5], $0x80, s20, s31, $0xb8;
	[tilespmem:$0x1DC00] =	vst v63  }
0x10a: {  	_ =	swait.ge [sflag:s29], $0x2000  }
0x10b: {  	[sflag:s29] =	ssyncset.done $0x0  }
0x10c: {  	s20 =	sadd.s32 $0x300, s19;
	[sflag:s29] =	ssyncadd.s32 $0xFFFFE000  }
0x10d: {  	[tilespmem:s7], [sflag:$0x3] =	stream.indirect.gather [hbm4b:s4+s31], $0x80, s20, s31, $0xb8;
	[tilespmem:$0x1DC00] =	vst v63  }
0x10e: {  	_ =	swait.ge [sflag:s13], $0x2000  }
0x10f: {  	[sflag:s13] =	ssyncset.done $0x0  }
.Ltmp2:
0x110: {  	s20 =	sadd.s32 $0x1180, s19;
	[sflag:s13] =	ssyncadd.s32 $0xFFFFE000;
	(pc) =	sbr.rel @p0 .LBB2_6-.Ltmp2, $4  }
0x111: {  	[spmem:s2] =	stream.indirect.scatter.add.f32 [tilespmem:s9], [sflag:$0x5], $0x80, s20, s31, $0xb8;
	[tilespmem:$0x1DC00] =	vst v63  }
0x112: {  	_ =	swait.ge [sflag:s29], $0x2000  }
0x113: {  	[sflag:s29] =	ssyncset.done $0x0  }
0x114: {  	s19 =	sadd.s32 $0x380, s19;
	[sflag:s29] =	ssyncadd.s32 $0xFFFFE000  }
0x115: {  	[tilespmem:s9], [sflag:$0x4] =	stream.indirect.gather [hbm4b:s4+s31], $0x80, s19, s31, $0xb8;
	[tilespmem:$0x1DC00] =	vst v63  }
0x116: {  	_ =	swait.ge [sflag:s10], $0x2000  }
0x117: {  	[sflag:s10] =	ssyncset.done $0x0  }
0x118: {  	[sflag:s10] =	ssyncadd.s32 $0xFFFFE000  }
0x119: {  	[spmem:s2] =	stream.indirect.scatter.add.f32 [tilespmem:s28], [sflag:$0x5], $0x80, s14, s31, $0xb8;
	[tilespmem:$0x1DC00] =	vst v63  }
0x11a: {  	_ =	swait.ge [sflag:s29], $0x2000  }
0x11b: {  	[sflag:s29] =	ssyncset.done $0x0  }
0x11c: {  	[sflag:s29] =	ssyncadd.s32 $0xFFFFE000  }
0x11d: {  	_ =	swait.ge [sflag:s11], $0x2000  }
0x11e: {  	[sflag:s11] =	ssyncset.done $0x0  }
0x11f: {  	[sflag:s11] =	ssyncadd.s32 $0xFFFFE000  }
0x120: {  	[spmem:s2] =	stream.indirect.scatter.add.f32 [tilespmem:s0], [sflag:$0x5], $0x80, s15, s31, $0xb8;
	[tilespmem:$0x1DC00] =	vst v63  }
0x121: {  	_ =	swait.ge [sflag:s29], $0x2000  }
0x122: {  	[sflag:s29] =	ssyncset.done $0x0  }
0x123: {  	[sflag:s29] =	ssyncadd.s32 $0xFFFFE000  }
0x124: {  	_ =	swait.ge [sflag:s12], $0x2000  }
0x125: {  	[sflag:s12] =	ssyncset.done $0x0  }
0x126: {  	[sflag:s12] =	ssyncadd.s32 $0xFFFFE000  }
0x127: {  	[spmem:s2] =	stream.indirect.scatter.add.f32 [tilespmem:s7], [sflag:$0x5], $0x80, s16, s31, $0xb8;
	[tilespmem:$0x1DC00] =	vst v63  }
0x128: {  	_ =	swait.ge [sflag:s29], $0x2000  }
0x129: {  	[sflag:s29] =	ssyncset.done $0x0  }
0x12a: {  	[sflag:s29] =	ssyncadd.s32 $0xFFFFE000  }
0x12b: {  	_ =	swait.ge [sflag:s13], $0x2000  }
0x12c: {  	[sflag:s13] =	ssyncset.done $0x0  }
0x12d: {  	[sflag:s13] =	ssyncadd.s32 $0xFFFFE000  }
0x12e: {  	[spmem:s2] =	stream.indirect.scatter.add.f32 [tilespmem:s9], [sflag:$0x5], $0x80, s17, s31, $0xb8;
	[tilespmem:$0x1DC00] =	vst v63  }
0x12f: {  	_ =	swait.ge [sflag:s29], $0x2000  }
0x130: {  	[sflag:s29] =	ssyncset.done $0x0  }
0x131: {  	s18 =	simm.s32 $0x0;
	s20 =	rddreg [dreg:$0x10];
	[sflag:s29] =	ssyncadd.s32 $0xFFFFE000  }
0x132: {  	[tilespmem:s18], [sflag:$0x5] =	stream.linear.gather [hbm4b:s20+s18], $0x1000, $0x38;
	[tilespmem:$0x1DC00] =	vst v63  }
0x133: {  	_ =	swait.ge [sflag:s29], $0x1000  }
0x134: {  	[sflag:s29] =	ssyncset.done $0x0  }
0x135: {  	s20 =	rddreg [dreg:$0x11];
	[sflag:s29] =	ssyncadd.s32 $0xFFFFF000  }
0x136: {  	[tilespmem:s30], [sflag:$0x5] =	stream.linear.gather [hbm4b:s20+s18], $0x1000, $0x38;
	[tilespmem:$0x1DC00] =	vst v63  }
0x137: {  	_ =	swait.ge [sflag:s29], $0x1000  }
0x138: {  	[sflag:s29] =	ssyncset.done $0x0  }
0x139: {  	[sflag:s29] =	ssyncadd.s32 $0xFFFFF000  }
0x13a: {  	[tilespmem:s28], [sflag:$0x1] =	stream.indirect.gather [hbm4b:s4+s31], $0x80, s18, s31, $0xb8;
	[tilespmem:$0x1DC00] =	vst v63  }
0x13b: {  	_ = 	snop  }
0x13c: {  	[tilespmem:s0], [sflag:$0x2] =	stream.indirect.gather [hbm4b:s4+s31], $0x80, s1, s31, $0xb8;
	[tilespmem:$0x1DC00] =	vst v63  }
0x13d: {  	_ = 	snop  }
0x13e: {  	[tilespmem:s7], [sflag:$0x3] =	stream.indirect.gather [hbm4b:s4+s31], $0x80, s6, s31, $0xb8;
	[tilespmem:$0x1DC00] =	vst v63  }
0x13f: {  	_ = 	snop  }
0x140: {  	[tilespmem:s9], [sflag:$0x4] =	stream.indirect.gather [hbm4b:s4+s31], $0x80, s8, s31, $0xb8;
	[tilespmem:$0x1DC00] =	vst v63  }
0x141: {  	_ =	swait.ge [sflag:s10], $0x2000  }
0x142: {  	[sflag:s10] =	ssyncset.done $0x0  }
0x143: {  	s20 =	simm.s32 $0x1000;
	[sflag:s10] =	ssyncadd.s32 $0xFFFFE000  }
0x144: {  	[spmem:s2] =	stream.indirect.scatter.add.f32 [tilespmem:s28], [sflag:$0x5], $0x80, s20, s31, $0xb8;
	[tilespmem:$0x1DC00] =	vst v63  }
0x145: {  	_ =	swait.ge [sflag:s29], $0x2000  }
0x146: {  	[sflag:s29] =	ssyncset.done $0x0  }
0x147: {  	s19 =	simm.s32 $0x200;
	[sflag:s29] =	ssyncadd.s32 $0xFFFFE000  }
0x148: {  	[tilespmem:s28], [sflag:$0x1] =	stream.indirect.gather [hbm4b:s4+s31], $0x80, s19, s31, $0xb8;
	[tilespmem:$0x1DC00] =	vst v63  }
0x149: {  	_ =	swait.ge [sflag:s11], $0x2000  }
0x14a: {  	[sflag:s11] =	ssyncset.done $0x0  }
0x14b: {  	s20 =	simm.s32 $0x1080;
	[sflag:s11] =	ssyncadd.s32 $0xFFFFE000  }
0x14c: {  	[spmem:s2] =	stream.indirect.scatter.add.f32 [tilespmem:s0], [sflag:$0x5], $0x80, s20, s31, $0xb8;
	[tilespmem:$0x1DC00] =	vst v63  }
0x14d: {  	_ =	swait.ge [sflag:s29], $0x2000  }
0x14e: {  	[sflag:s29] =	ssyncset.done $0x0  }
0x14f: {  	s19 =	simm.s32 $0x280;
	[sflag:s29] =	ssyncadd.s32 $0xFFFFE000  }
0x150: {  	[tilespmem:s0], [sflag:$0x2] =	stream.indirect.gather [hbm4b:s4+s31], $0x80, s19, s31, $0xb8;
	[tilespmem:$0x1DC00] =	vst v63  }
0x151: {  	_ =	swait.ge [sflag:s12], $0x2000  }
0x152: {  	[sflag:s12] =	ssyncset.done $0x0  }
0x153: {  	s20 =	simm.s32 $0x1100;
	[sflag:s12] =	ssyncadd.s32 $0xFFFFE000  }
0x154: {  	[spmem:s2] =	stream.indirect.scatter.add.f32 [tilespmem:s7], [sflag:$0x5], $0x80, s20, s31, $0xb8;
	[tilespmem:$0x1DC00] =	vst v63  }
0x155: {  	_ =	swait.ge [sflag:s29], $0x2000  }
0x156: {  	[sflag:s29] =	ssyncset.done $0x0  }
0x157: {  	s19 =	simm.s32 $0x300;
	[sflag:s29] =	ssyncadd.s32 $0xFFFFE000  }
0x158: {  	[tilespmem:s7], [sflag:$0x3] =	stream.indirect.gather [hbm4b:s4+s31], $0x80, s19, s31, $0xb8;
	[tilespmem:$0x1DC00] =	vst v63  }
0x159: {  	_ =	swait.ge [sflag:s13], $0x2000  }
0x15a: {  	[sflag:s13] =	ssyncset.done $0x0  }
0x15b: {  	s20 =	simm.s32 $0x1180;
	[sflag:s13] =	ssyncadd.s32 $0xFFFFE000  }
0x15c: {  	[spmem:s2] =	stream.indirect.scatter.add.f32 [tilespmem:s9], [sflag:$0x5], $0x80, s20, s31, $0xb8;
	[tilespmem:$0x1DC00] =	vst v63  }
0x15d: {  	_ =	swait.ge [sflag:s29], $0x2000  }
0x15e: {  	[sflag:s29] =	ssyncset.done $0x0  }
0x15f: {  	s18 =	simm.s32 $0x800;
	s19 =	simm.s32 $0x380;
	[sflag:s29] =	ssyncadd.s32 $0xFFFFE000  }
.LBB2_8:
0x160: {  	[tilespmem:s9], [sflag:$0x4] =	stream.indirect.gather [hbm4b:s4+s31], $0x80, s19, s31, $0xb8;
	[tilespmem:$0x1DC00] =	vst v63  }
0x161: {  	s19 =	smov.u32 s18  }
0x162: {  	p0 =	sne.s32 s18, $0x3000;
	s18 =	sadd.s32 $0x800, s18;
	_ =	swait.ge [sflag:s10], $0x2000  }
0x163: {  	s19 =	sshra.s32 s19, $0x2;
	[sflag:s10] =	ssyncset.done $0x0  }
0x164: {  	s20 =	sadd.s32 $0x1000, s19;
	[sflag:s10] =	ssyncadd.s32 $0xFFFFE000  }
0x165: {  	[spmem:s2] =	stream.indirect.scatter.add.f32 [tilespmem:s28], [sflag:$0x5], $0x80, s20, s31, $0xb8;
	[tilespmem:$0x1DC00] =	vst v63  }
0x166: {  	_ =	swait.ge [sflag:s29], $0x2000  }
0x167: {  	[sflag:s29] =	ssyncset.done $0x0  }
0x168: {  	s20 =	sadd.s32 $0x200, s19;
	[sflag:s29] =	ssyncadd.s32 $0xFFFFE000  }
0x169: {  	[tilespmem:s28], [sflag:$0x1] =	stream.indirect.gather [hbm4b:s4+s31], $0x80, s20, s31, $0xb8;
	[tilespmem:$0x1DC00] =	vst v63  }
0x16a: {  	_ =	swait.ge [sflag:s11], $0x2000  }
0x16b: {  	[sflag:s11] =	ssyncset.done $0x0  }
0x16c: {  	s20 =	sadd.s32 $0x1080, s19;
	[sflag:s11] =	ssyncadd.s32 $0xFFFFE000  }
0x16d: {  	[spmem:s2] =	stream.indirect.scatter.add.f32 [tilespmem:s0], [sflag:$0x5], $0x80, s20, s31, $0xb8;
	[tilespmem:$0x1DC00] =	vst v63  }
0x16e: {  	_ =	swait.ge [sflag:s29], $0x2000  }
0x16f: {  	[sflag:s29] =	ssyncset.done $0x0  }
0x170: {  	s20 =	sadd.s32 $0x280, s19;
	[sflag:s29] =	ssyncadd.s32 $0xFFFFE000  }
0x171: {  	[tilespmem:s0], [sflag:$0x2] =	stream.indirect.gather [hbm4b:s4+s31], $0x80, s20, s31, $0xb8;
	[tilespmem:$0x1DC00] =	vst v63  }
0x172: {  	_ =	swait.ge [sflag:s12], $0x2000  }
0x173: {  	[sflag:s12] =	ssyncset.done $0x0  }
0x174: {  	s20 =	sadd.s32 $0x1100, s19;
	[sflag:s12] =	ssyncadd.s32 $0xFFFFE000  }
0x175: {  	[spmem:s2] =	stream.indirect.scatter.add.f32 [tilespmem:s7], [sflag:$0x5], $0x80, s20, s31, $0xb8;
	[tilespmem:$0x1DC00] =	vst v63  }
0x176: {  	_ =	swait.ge [sflag:s29], $0x2000  }
0x177: {  	[sflag:s29] =	ssyncset.done $0x0  }
0x178: {  	s20 =	sadd.s32 $0x300, s19;
	[sflag:s29] =	ssyncadd.s32 $0xFFFFE000  }
0x179: {  	[tilespmem:s7], [sflag:$0x3] =	stream.indirect.gather [hbm4b:s4+s31], $0x80, s20, s31, $0xb8;
	[tilespmem:$0x1DC00] =	vst v63  }
0x17a: {  	_ =	swait.ge [sflag:s13], $0x2000  }
0x17b: {  	[sflag:s13] =	ssyncset.done $0x0  }
.Ltmp3:
0x17c: {  	s20 =	sadd.s32 $0x1180, s19;
	[sflag:s13] =	ssyncadd.s32 $0xFFFFE000;
	(pc) =	sbr.rel @p0 .LBB2_8-.Ltmp3, $4  }
0x17d: {  	[spmem:s2] =	stream.indirect.scatter.add.f32 [tilespmem:s9], [sflag:$0x5], $0x80, s20, s31, $0xb8;
	[tilespmem:$0x1DC00] =	vst v63  }
0x17e: {  	_ =	swait.ge [sflag:s29], $0x2000  }
0x17f: {  	[sflag:s29] =	ssyncset.done $0x0  }
0x180: {  	s19 =	sadd.s32 $0x380, s19;
	[sflag:s29] =	ssyncadd.s32 $0xFFFFE000  }
0x181: {  	[tilespmem:s9], [sflag:$0x4] =	stream.indirect.gather [hbm4b:s4+s31], $0x80, s19, s31, $0xb8;
	[tilespmem:$0x1DC00] =	vst v63  }
0x182: {  	_ =	swait.ge [sflag:s10], $0x2000  }
0x183: {  	[sflag:s10] =	ssyncset.done $0x0  }
0x184: {  	[sflag:s10] =	ssyncadd.s32 $0xFFFFE000  }
0x185: {  	[spmem:s2] =	stream.indirect.scatter.add.f32 [tilespmem:s28], [sflag:$0x5], $0x80, s14, s31, $0xb8;
	[tilespmem:$0x1DC00] =	vst v63  }
0x186: {  	_ =	swait.ge [sflag:s29], $0x2000  }
0x187: {  	[sflag:s29] =	ssyncset.done $0x0  }
0x188: {  	[sflag:s29] =	ssyncadd.s32 $0xFFFFE000  }
0x189: {  	_ =	swait.ge [sflag:s11], $0x2000  }
0x18a: {  	[sflag:s11] =	ssyncset.done $0x0  }
0x18b: {  	[sflag:s11] =	ssyncadd.s32 $0xFFFFE000  }
0x18c: {  	[spmem:s2] =	stream.indirect.scatter.add.f32 [tilespmem:s0], [sflag:$0x5], $0x80, s15, s31, $0xb8;
	[tilespmem:$0x1DC00] =	vst v63  }
0x18d: {  	_ =	swait.ge [sflag:s29], $0x2000  }
0x18e: {  	[sflag:s29] =	ssyncset.done $0x0  }
0x18f: {  	[sflag:s29] =	ssyncadd.s32 $0xFFFFE000  }
0x190: {  	_ =	swait.ge [sflag:s12], $0x2000  }
0x191: {  	[sflag:s12] =	ssyncset.done $0x0  }
0x192: {  	[sflag:s12] =	ssyncadd.s32 $0xFFFFE000  }
0x193: {  	[spmem:s2] =	stream.indirect.scatter.add.f32 [tilespmem:s7], [sflag:$0x5], $0x80, s16, s31, $0xb8;
	[tilespmem:$0x1DC00] =	vst v63  }
0x194: {  	_ =	swait.ge [sflag:s29], $0x2000  }
0x195: {  	[sflag:s29] =	ssyncset.done $0x0  }
0x196: {  	[sflag:s29] =	ssyncadd.s32 $0xFFFFE000  }
0x197: {  	_ =	swait.ge [sflag:s13], $0x2000  }
0x198: {  	[sflag:s13] =	ssyncset.done $0x0  }
0x199: {  	[sflag:s13] =	ssyncadd.s32 $0xFFFFE000  }
0x19a: {  	[spmem:s2] =	stream.indirect.scatter.add.f32 [tilespmem:s9], [sflag:$0x5], $0x80, s17, s31, $0xb8;
	[tilespmem:$0x1DC00] =	vst v63  }
0x19b: {  	_ =	swait.ge [sflag:s29], $0x2000  }
0x19c: {  	[sflag:s29] =	ssyncset.done $0x0  }
0x19d: {  	s18 =	simm.s32 $0x0;
	s20 =	rddreg [dreg:$0x12];
	[sflag:s29] =	ssyncadd.s32 $0xFFFFE000  }
0x19e: {  	[tilespmem:s18], [sflag:$0x5] =	stream.linear.gather [hbm4b:s20+s18], $0x1000, $0x38;
	[tilespmem:$0x1DC00] =	vst v63  }
0x19f: {  	_ =	swait.ge [sflag:s29], $0x1000  }
0x1a0: {  	[sflag:s29] =	ssyncset.done $0x0  }
0x1a1: {  	s20 =	rddreg [dreg:$0x13];
	[sflag:s29] =	ssyncadd.s32 $0xFFFFF000  }
0x1a2: {  	[tilespmem:s30], [sflag:$0x5] =	stream.linear.gather [hbm4b:s20+s18], $0x1000, $0x38;
	[tilespmem:$0x1DC00] =	vst v63  }
0x1a3: {  	_ =	swait.ge [sflag:s29], $0x1000  }
0x1a4: {  	[sflag:s29] =	ssyncset.done $0x0  }
0x1a5: {  	[sflag:s29] =	ssyncadd.s32 $0xFFFFF000  }
0x1a6: {  	[tilespmem:s28], [sflag:$0x1] =	stream.indirect.gather [hbm4b:s4+s31], $0x80, s18, s31, $0xb8;
	[tilespmem:$0x1DC00] =	vst v63  }
0x1a7: {  	_ = 	snop  }
0x1a8: {  	[tilespmem:s0], [sflag:$0x2] =	stream.indirect.gather [hbm4b:s4+s31], $0x80, s1, s31, $0xb8;
	[tilespmem:$0x1DC00] =	vst v63  }
0x1a9: {  	_ = 	snop  }
0x1aa: {  	[tilespmem:s7], [sflag:$0x3] =	stream.indirect.gather [hbm4b:s4+s31], $0x80, s6, s31, $0xb8;
	[tilespmem:$0x1DC00] =	vst v63  }
0x1ab: {  	_ = 	snop  }
0x1ac: {  	[tilespmem:s9], [sflag:$0x4] =	stream.indirect.gather [hbm4b:s4+s31], $0x80, s8, s31, $0xb8;
	[tilespmem:$0x1DC00] =	vst v63  }
0x1ad: {  	_ =	swait.ge [sflag:s10], $0x2000  }
0x1ae: {  	[sflag:s10] =	ssyncset.done $0x0  }
0x1af: {  	s20 =	simm.s32 $0x1000;
	[sflag:s10] =	ssyncadd.s32 $0xFFFFE000  }
0x1b0: {  	[spmem:s2] =	stream.indirect.scatter.add.f32 [tilespmem:s28], [sflag:$0x5], $0x80, s20, s31, $0xb8;
	[tilespmem:$0x1DC00] =	vst v63  }
0x1b1: {  	_ =	swait.ge [sflag:s29], $0x2000  }
0x1b2: {  	[sflag:s29] =	ssyncset.done $0x0  }
0x1b3: {  	s19 =	simm.s32 $0x200;
	[sflag:s29] =	ssyncadd.s32 $0xFFFFE000  }
0x1b4: {  	[tilespmem:s28], [sflag:$0x1] =	stream.indirect.gather [hbm4b:s4+s31], $0x80, s19, s31, $0xb8;
	[tilespmem:$0x1DC00] =	vst v63  }
0x1b5: {  	_ =	swait.ge [sflag:s11], $0x2000  }
0x1b6: {  	[sflag:s11] =	ssyncset.done $0x0  }
0x1b7: {  	s20 =	simm.s32 $0x1080;
	[sflag:s11] =	ssyncadd.s32 $0xFFFFE000  }
0x1b8: {  	[spmem:s2] =	stream.indirect.scatter.add.f32 [tilespmem:s0], [sflag:$0x5], $0x80, s20, s31, $0xb8;
	[tilespmem:$0x1DC00] =	vst v63  }
0x1b9: {  	_ =	swait.ge [sflag:s29], $0x2000  }
0x1ba: {  	[sflag:s29] =	ssyncset.done $0x0  }
0x1bb: {  	s19 =	simm.s32 $0x280;
	[sflag:s29] =	ssyncadd.s32 $0xFFFFE000  }
0x1bc: {  	[tilespmem:s0], [sflag:$0x2] =	stream.indirect.gather [hbm4b:s4+s31], $0x80, s19, s31, $0xb8;
	[tilespmem:$0x1DC00] =	vst v63  }
0x1bd: {  	_ =	swait.ge [sflag:s12], $0x2000  }
0x1be: {  	[sflag:s12] =	ssyncset.done $0x0  }
0x1bf: {  	s20 =	simm.s32 $0x1100;
	[sflag:s12] =	ssyncadd.s32 $0xFFFFE000  }
0x1c0: {  	[spmem:s2] =	stream.indirect.scatter.add.f32 [tilespmem:s7], [sflag:$0x5], $0x80, s20, s31, $0xb8;
	[tilespmem:$0x1DC00] =	vst v63  }
0x1c1: {  	_ =	swait.ge [sflag:s29], $0x2000  }
0x1c2: {  	[sflag:s29] =	ssyncset.done $0x0  }
0x1c3: {  	s19 =	simm.s32 $0x300;
	[sflag:s29] =	ssyncadd.s32 $0xFFFFE000  }
0x1c4: {  	[tilespmem:s7], [sflag:$0x3] =	stream.indirect.gather [hbm4b:s4+s31], $0x80, s19, s31, $0xb8;
	[tilespmem:$0x1DC00] =	vst v63  }
0x1c5: {  	_ =	swait.ge [sflag:s13], $0x2000  }
0x1c6: {  	[sflag:s13] =	ssyncset.done $0x0  }
0x1c7: {  	s20 =	simm.s32 $0x1180;
	[sflag:s13] =	ssyncadd.s32 $0xFFFFE000  }
0x1c8: {  	[spmem:s2] =	stream.indirect.scatter.add.f32 [tilespmem:s9], [sflag:$0x5], $0x80, s20, s31, $0xb8;
	[tilespmem:$0x1DC00] =	vst v63  }
0x1c9: {  	_ =	swait.ge [sflag:s29], $0x2000  }
0x1ca: {  	[sflag:s29] =	ssyncset.done $0x0  }
0x1cb: {  	s18 =	simm.s32 $0x800;
	s19 =	simm.s32 $0x380;
	[sflag:s29] =	ssyncadd.s32 $0xFFFFE000  }
.LBB2_10:
0x1cc: {  	[tilespmem:s9], [sflag:$0x4] =	stream.indirect.gather [hbm4b:s4+s31], $0x80, s19, s31, $0xb8;
	[tilespmem:$0x1DC00] =	vst v63  }
0x1cd: {  	s19 =	smov.u32 s18  }
0x1ce: {  	p0 =	sne.s32 s18, $0x3000;
	s18 =	sadd.s32 $0x800, s18;
	_ =	swait.ge [sflag:s10], $0x2000  }
0x1cf: {  	s19 =	sshra.s32 s19, $0x2;
	[sflag:s10] =	ssyncset.done $0x0  }
0x1d0: {  	s20 =	sadd.s32 $0x1000, s19;
	[sflag:s10] =	ssyncadd.s32 $0xFFFFE000  }
0x1d1: {  	[spmem:s2] =	stream.indirect.scatter.add.f32 [tilespmem:s28], [sflag:$0x5], $0x80, s20, s31, $0xb8;
	[tilespmem:$0x1DC00] =	vst v63  }
0x1d2: {  	_ =	swait.ge [sflag:s29], $0x2000  }
0x1d3: {  	[sflag:s29] =	ssyncset.done $0x0  }
0x1d4: {  	s20 =	sadd.s32 $0x200, s19;
	[sflag:s29] =	ssyncadd.s32 $0xFFFFE000  }
0x1d5: {  	[tilespmem:s28], [sflag:$0x1] =	stream.indirect.gather [hbm4b:s4+s31], $0x80, s20, s31, $0xb8;
	[tilespmem:$0x1DC00] =	vst v63  }
0x1d6: {  	_ =	swait.ge [sflag:s11], $0x2000  }
0x1d7: {  	[sflag:s11] =	ssyncset.done $0x0  }
0x1d8: {  	s20 =	sadd.s32 $0x1080, s19;
	[sflag:s11] =	ssyncadd.s32 $0xFFFFE000  }
0x1d9: {  	[spmem:s2] =	stream.indirect.scatter.add.f32 [tilespmem:s0], [sflag:$0x5], $0x80, s20, s31, $0xb8;
	[tilespmem:$0x1DC00] =	vst v63  }
0x1da: {  	_ =	swait.ge [sflag:s29], $0x2000  }
0x1db: {  	[sflag:s29] =	ssyncset.done $0x0  }
0x1dc: {  	s20 =	sadd.s32 $0x280, s19;
	[sflag:s29] =	ssyncadd.s32 $0xFFFFE000  }
0x1dd: {  	[tilespmem:s0], [sflag:$0x2] =	stream.indirect.gather [hbm4b:s4+s31], $0x80, s20, s31, $0xb8;
	[tilespmem:$0x1DC00] =	vst v63  }
0x1de: {  	_ =	swait.ge [sflag:s12], $0x2000  }
0x1df: {  	[sflag:s12] =	ssyncset.done $0x0  }
0x1e0: {  	s20 =	sadd.s32 $0x1100, s19;
	[sflag:s12] =	ssyncadd.s32 $0xFFFFE000  }
0x1e1: {  	[spmem:s2] =	stream.indirect.scatter.add.f32 [tilespmem:s7], [sflag:$0x5], $0x80, s20, s31, $0xb8;
	[tilespmem:$0x1DC00] =	vst v63  }
0x1e2: {  	_ =	swait.ge [sflag:s29], $0x2000  }
0x1e3: {  	[sflag:s29] =	ssyncset.done $0x0  }
0x1e4: {  	s20 =	sadd.s32 $0x300, s19;
	[sflag:s29] =	ssyncadd.s32 $0xFFFFE000  }
0x1e5: {  	[tilespmem:s7], [sflag:$0x3] =	stream.indirect.gather [hbm4b:s4+s31], $0x80, s20, s31, $0xb8;
	[tilespmem:$0x1DC00] =	vst v63  }
0x1e6: {  	_ =	swait.ge [sflag:s13], $0x2000  }
0x1e7: {  	[sflag:s13] =	ssyncset.done $0x0  }
.Ltmp4:
0x1e8: {  	s20 =	sadd.s32 $0x1180, s19;
	[sflag:s13] =	ssyncadd.s32 $0xFFFFE000;
	(pc) =	sbr.rel @p0 .LBB2_10-.Ltmp4, $4  }
0x1e9: {  	[spmem:s2] =	stream.indirect.scatter.add.f32 [tilespmem:s9], [sflag:$0x5], $0x80, s20, s31, $0xb8;
	[tilespmem:$0x1DC00] =	vst v63  }
0x1ea: {  	_ =	swait.ge [sflag:s29], $0x2000  }
0x1eb: {  	[sflag:s29] =	ssyncset.done $0x0  }
0x1ec: {  	s19 =	sadd.s32 $0x380, s19;
	[sflag:s29] =	ssyncadd.s32 $0xFFFFE000  }
0x1ed: {  	[tilespmem:s9], [sflag:$0x4] =	stream.indirect.gather [hbm4b:s4+s31], $0x80, s19, s31, $0xb8;
	[tilespmem:$0x1DC00] =	vst v63  }
0x1ee: {  	_ =	swait.ge [sflag:s10], $0x2000  }
0x1ef: {  	[sflag:s10] =	ssyncset.done $0x0  }
0x1f0: {  	[sflag:s10] =	ssyncadd.s32 $0xFFFFE000  }
0x1f1: {  	[spmem:s2] =	stream.indirect.scatter.add.f32 [tilespmem:s28], [sflag:$0x5], $0x80, s14, s31, $0xb8;
	[tilespmem:$0x1DC00] =	vst v63  }
0x1f2: {  	_ =	swait.ge [sflag:s29], $0x2000  }
0x1f3: {  	[sflag:s29] =	ssyncset.done $0x0  }
0x1f4: {  	[sflag:s29] =	ssyncadd.s32 $0xFFFFE000  }
0x1f5: {  	_ =	swait.ge [sflag:s11], $0x2000  }
0x1f6: {  	[sflag:s11] =	ssyncset.done $0x0  }
0x1f7: {  	[sflag:s11] =	ssyncadd.s32 $0xFFFFE000  }
0x1f8: {  	[spmem:s2] =	stream.indirect.scatter.add.f32 [tilespmem:s0], [sflag:$0x5], $0x80, s15, s31, $0xb8;
	[tilespmem:$0x1DC00] =	vst v63  }
0x1f9: {  	_ =	swait.ge [sflag:s29], $0x2000  }
0x1fa: {  	[sflag:s29] =	ssyncset.done $0x0  }
0x1fb: {  	[sflag:s29] =	ssyncadd.s32 $0xFFFFE000  }
0x1fc: {  	_ =	swait.ge [sflag:s12], $0x2000  }
0x1fd: {  	[sflag:s12] =	ssyncset.done $0x0  }
0x1fe: {  	[sflag:s12] =	ssyncadd.s32 $0xFFFFE000  }
0x1ff: {  	[spmem:s2] =	stream.indirect.scatter.add.f32 [tilespmem:s7], [sflag:$0x5], $0x80, s16, s31, $0xb8;
	[tilespmem:$0x1DC00] =	vst v63  }
0x200: {  	_ =	swait.ge [sflag:s29], $0x2000  }
0x201: {  	[sflag:s29] =	ssyncset.done $0x0  }
0x202: {  	[sflag:s29] =	ssyncadd.s32 $0xFFFFE000  }
0x203: {  	_ =	swait.ge [sflag:s13], $0x2000  }
0x204: {  	[sflag:s13] =	ssyncset.done $0x0  }
0x205: {  	[sflag:s13] =	ssyncadd.s32 $0xFFFFE000  }
0x206: {  	[spmem:s2] =	stream.indirect.scatter.add.f32 [tilespmem:s9], [sflag:$0x5], $0x80, s17, s31, $0xb8;
	[tilespmem:$0x1DC00] =	vst v63  }
0x207: {  	_ =	swait.ge [sflag:s29], $0x2000  }
0x208: {  	[sflag:s29] =	ssyncset.done $0x0  }
0x209: {  	s18 =	simm.s32 $0x0;
	[sflag:s29] =	ssyncadd.s32 $0xFFFFE000  }
0x20a: {  	[tilespmem:s18], [sflag:$0x5] =	stream.linear.gather [hbm4b:s21+s18], $0x1000, $0x38;
	[tilespmem:$0x1DC00] =	vst v63  }
0x20b: {  	_ =	swait.ge [sflag:s29], $0x1000  }
0x20c: {  	[sflag:s29] =	ssyncset.done $0x0  }
0x20d: {  	[sflag:s29] =	ssyncadd.s32 $0xFFFFF000  }
0x20e: {  	[tilespmem:s30], [sflag:$0x5] =	stream.linear.gather [hbm4b:s22+s18], $0x1000, $0x38;
	[tilespmem:$0x1DC00] =	vst v63  }
0x20f: {  	_ =	swait.ge [sflag:s29], $0x1000  }
0x210: {  	[sflag:s29] =	ssyncset.done $0x0  }
0x211: {  	[sflag:s29] =	ssyncadd.s32 $0xFFFFF000  }
0x212: {  	[tilespmem:s28], [sflag:$0x1] =	stream.indirect.gather [hbm4b:s4+s31], $0x80, s18, s31, $0xb8;
	[tilespmem:$0x1DC00] =	vst v63  }
0x213: {  	_ = 	snop  }
0x214: {  	[tilespmem:s0], [sflag:$0x2] =	stream.indirect.gather [hbm4b:s4+s31], $0x80, s1, s31, $0xb8;
	[tilespmem:$0x1DC00] =	vst v63  }
0x215: {  	_ = 	snop  }
0x216: {  	[tilespmem:s7], [sflag:$0x3] =	stream.indirect.gather [hbm4b:s4+s31], $0x80, s6, s31, $0xb8;
	[tilespmem:$0x1DC00] =	vst v63  }
0x217: {  	_ = 	snop  }
0x218: {  	[tilespmem:s9], [sflag:$0x4] =	stream.indirect.gather [hbm4b:s4+s31], $0x80, s8, s31, $0xb8;
	[tilespmem:$0x1DC00] =	vst v63  }
0x219: {  	_ =	swait.ge [sflag:s10], $0x2000  }
0x21a: {  	[sflag:s10] =	ssyncset.done $0x0  }
0x21b: {  	s20 =	simm.s32 $0x1000;
	[sflag:s10] =	ssyncadd.s32 $0xFFFFE000  }
0x21c: {  	[spmem:s2] =	stream.indirect.scatter.add.f32 [tilespmem:s28], [sflag:$0x5], $0x80, s20, s31, $0xb8;
	[tilespmem:$0x1DC00] =	vst v63  }
0x21d: {  	_ =	swait.ge [sflag:s29], $0x2000  }
0x21e: {  	[sflag:s29] =	ssyncset.done $0x0  }
0x21f: {  	s19 =	simm.s32 $0x200;
	[sflag:s29] =	ssyncadd.s32 $0xFFFFE000  }
0x220: {  	[tilespmem:s28], [sflag:$0x1] =	stream.indirect.gather [hbm4b:s4+s31], $0x80, s19, s31, $0xb8;
	[tilespmem:$0x1DC00] =	vst v63  }
0x221: {  	_ =	swait.ge [sflag:s11], $0x2000  }
0x222: {  	[sflag:s11] =	ssyncset.done $0x0  }
0x223: {  	s20 =	simm.s32 $0x1080;
	[sflag:s11] =	ssyncadd.s32 $0xFFFFE000  }
0x224: {  	[spmem:s2] =	stream.indirect.scatter.add.f32 [tilespmem:s0], [sflag:$0x5], $0x80, s20, s31, $0xb8;
	[tilespmem:$0x1DC00] =	vst v63  }
0x225: {  	_ =	swait.ge [sflag:s29], $0x2000  }
0x226: {  	[sflag:s29] =	ssyncset.done $0x0  }
0x227: {  	s19 =	simm.s32 $0x280;
	[sflag:s29] =	ssyncadd.s32 $0xFFFFE000  }
0x228: {  	[tilespmem:s0], [sflag:$0x2] =	stream.indirect.gather [hbm4b:s4+s31], $0x80, s19, s31, $0xb8;
	[tilespmem:$0x1DC00] =	vst v63  }
0x229: {  	_ =	swait.ge [sflag:s12], $0x2000  }
0x22a: {  	[sflag:s12] =	ssyncset.done $0x0  }
0x22b: {  	s20 =	simm.s32 $0x1100;
	[sflag:s12] =	ssyncadd.s32 $0xFFFFE000  }
0x22c: {  	[spmem:s2] =	stream.indirect.scatter.add.f32 [tilespmem:s7], [sflag:$0x5], $0x80, s20, s31, $0xb8;
	[tilespmem:$0x1DC00] =	vst v63  }
0x22d: {  	_ =	swait.ge [sflag:s29], $0x2000  }
0x22e: {  	[sflag:s29] =	ssyncset.done $0x0  }
0x22f: {  	s19 =	simm.s32 $0x300;
	[sflag:s29] =	ssyncadd.s32 $0xFFFFE000  }
0x230: {  	[tilespmem:s7], [sflag:$0x3] =	stream.indirect.gather [hbm4b:s4+s31], $0x80, s19, s31, $0xb8;
	[tilespmem:$0x1DC00] =	vst v63  }
0x231: {  	_ =	swait.ge [sflag:s13], $0x2000  }
0x232: {  	[sflag:s13] =	ssyncset.done $0x0  }
0x233: {  	s20 =	simm.s32 $0x1180;
	[sflag:s13] =	ssyncadd.s32 $0xFFFFE000  }
0x234: {  	[spmem:s2] =	stream.indirect.scatter.add.f32 [tilespmem:s9], [sflag:$0x5], $0x80, s20, s31, $0xb8;
	[tilespmem:$0x1DC00] =	vst v63  }
0x235: {  	_ =	swait.ge [sflag:s29], $0x2000  }
0x236: {  	[sflag:s29] =	ssyncset.done $0x0  }
0x237: {  	s18 =	simm.s32 $0x800;
	s19 =	simm.s32 $0x380;
	[sflag:s29] =	ssyncadd.s32 $0xFFFFE000  }
.LBB2_12:
0x238: {  	[tilespmem:s9], [sflag:$0x4] =	stream.indirect.gather [hbm4b:s4+s31], $0x80, s19, s31, $0xb8;
	[tilespmem:$0x1DC00] =	vst v63  }
0x239: {  	s19 =	smov.u32 s18  }
0x23a: {  	p0 =	sne.s32 s18, $0x3000;
	s18 =	sadd.s32 $0x800, s18;
	_ =	swait.ge [sflag:s10], $0x2000  }
0x23b: {  	s19 =	sshra.s32 s19, $0x2;
	[sflag:s10] =	ssyncset.done $0x0  }
0x23c: {  	s20 =	sadd.s32 $0x1000, s19;
	[sflag:s10] =	ssyncadd.s32 $0xFFFFE000  }
0x23d: {  	[spmem:s2] =	stream.indirect.scatter.add.f32 [tilespmem:s28], [sflag:$0x5], $0x80, s20, s31, $0xb8;
	[tilespmem:$0x1DC00] =	vst v63  }
0x23e: {  	_ =	swait.ge [sflag:s29], $0x2000  }
0x23f: {  	[sflag:s29] =	ssyncset.done $0x0  }
0x240: {  	s20 =	sadd.s32 $0x200, s19;
	[sflag:s29] =	ssyncadd.s32 $0xFFFFE000  }
0x241: {  	[tilespmem:s28], [sflag:$0x1] =	stream.indirect.gather [hbm4b:s4+s31], $0x80, s20, s31, $0xb8;
	[tilespmem:$0x1DC00] =	vst v63  }
0x242: {  	_ =	swait.ge [sflag:s11], $0x2000  }
0x243: {  	[sflag:s11] =	ssyncset.done $0x0  }
0x244: {  	s20 =	sadd.s32 $0x1080, s19;
	[sflag:s11] =	ssyncadd.s32 $0xFFFFE000  }
0x245: {  	[spmem:s2] =	stream.indirect.scatter.add.f32 [tilespmem:s0], [sflag:$0x5], $0x80, s20, s31, $0xb8;
	[tilespmem:$0x1DC00] =	vst v63  }
0x246: {  	_ =	swait.ge [sflag:s29], $0x2000  }
0x247: {  	[sflag:s29] =	ssyncset.done $0x0  }
0x248: {  	s20 =	sadd.s32 $0x280, s19;
	[sflag:s29] =	ssyncadd.s32 $0xFFFFE000  }
0x249: {  	[tilespmem:s0], [sflag:$0x2] =	stream.indirect.gather [hbm4b:s4+s31], $0x80, s20, s31, $0xb8;
	[tilespmem:$0x1DC00] =	vst v63  }
0x24a: {  	_ =	swait.ge [sflag:s12], $0x2000  }
0x24b: {  	[sflag:s12] =	ssyncset.done $0x0  }
0x24c: {  	s20 =	sadd.s32 $0x1100, s19;
	[sflag:s12] =	ssyncadd.s32 $0xFFFFE000  }
0x24d: {  	[spmem:s2] =	stream.indirect.scatter.add.f32 [tilespmem:s7], [sflag:$0x5], $0x80, s20, s31, $0xb8;
	[tilespmem:$0x1DC00] =	vst v63  }
0x24e: {  	_ =	swait.ge [sflag:s29], $0x2000  }
0x24f: {  	[sflag:s29] =	ssyncset.done $0x0  }
0x250: {  	s20 =	sadd.s32 $0x300, s19;
	[sflag:s29] =	ssyncadd.s32 $0xFFFFE000  }
0x251: {  	[tilespmem:s7], [sflag:$0x3] =	stream.indirect.gather [hbm4b:s4+s31], $0x80, s20, s31, $0xb8;
	[tilespmem:$0x1DC00] =	vst v63  }
0x252: {  	_ =	swait.ge [sflag:s13], $0x2000  }
0x253: {  	[sflag:s13] =	ssyncset.done $0x0  }
.Ltmp5:
0x254: {  	s20 =	sadd.s32 $0x1180, s19;
	[sflag:s13] =	ssyncadd.s32 $0xFFFFE000;
	(pc) =	sbr.rel @p0 .LBB2_12-.Ltmp5, $4  }
0x255: {  	[spmem:s2] =	stream.indirect.scatter.add.f32 [tilespmem:s9], [sflag:$0x5], $0x80, s20, s31, $0xb8;
	[tilespmem:$0x1DC00] =	vst v63  }
0x256: {  	_ =	swait.ge [sflag:s29], $0x2000  }
0x257: {  	[sflag:s29] =	ssyncset.done $0x0  }
0x258: {  	s19 =	sadd.s32 $0x380, s19;
	[sflag:s29] =	ssyncadd.s32 $0xFFFFE000  }
0x259: {  	[tilespmem:s9], [sflag:$0x4] =	stream.indirect.gather [hbm4b:s4+s31], $0x80, s19, s31, $0xb8;
	[tilespmem:$0x1DC00] =	vst v63  }
0x25a: {  	_ =	swait.ge [sflag:s10], $0x2000  }
0x25b: {  	[sflag:s10] =	ssyncset.done $0x0  }
0x25c: {  	[sflag:s10] =	ssyncadd.s32 $0xFFFFE000  }
0x25d: {  	[spmem:s2] =	stream.indirect.scatter.add.f32 [tilespmem:s28], [sflag:$0x5], $0x80, s14, s31, $0xb8;
	[tilespmem:$0x1DC00] =	vst v63  }
0x25e: {  	_ =	swait.ge [sflag:s29], $0x2000  }
0x25f: {  	[sflag:s29] =	ssyncset.done $0x0  }
0x260: {  	[sflag:s29] =	ssyncadd.s32 $0xFFFFE000  }
0x261: {  	_ =	swait.ge [sflag:s11], $0x2000  }
0x262: {  	[sflag:s11] =	ssyncset.done $0x0  }
0x263: {  	[sflag:s11] =	ssyncadd.s32 $0xFFFFE000  }
0x264: {  	[spmem:s2] =	stream.indirect.scatter.add.f32 [tilespmem:s0], [sflag:$0x5], $0x80, s15, s31, $0xb8;
	[tilespmem:$0x1DC00] =	vst v63  }
0x265: {  	_ =	swait.ge [sflag:s29], $0x2000  }
0x266: {  	[sflag:s29] =	ssyncset.done $0x0  }
0x267: {  	[sflag:s29] =	ssyncadd.s32 $0xFFFFE000  }
0x268: {  	_ =	swait.ge [sflag:s12], $0x2000  }
0x269: {  	[sflag:s12] =	ssyncset.done $0x0  }
0x26a: {  	[sflag:s12] =	ssyncadd.s32 $0xFFFFE000  }
0x26b: {  	[spmem:s2] =	stream.indirect.scatter.add.f32 [tilespmem:s7], [sflag:$0x5], $0x80, s16, s31, $0xb8;
	[tilespmem:$0x1DC00] =	vst v63  }
0x26c: {  	_ =	swait.ge [sflag:s29], $0x2000  }
0x26d: {  	[sflag:s29] =	ssyncset.done $0x0  }
0x26e: {  	[sflag:s29] =	ssyncadd.s32 $0xFFFFE000  }
0x26f: {  	_ =	swait.ge [sflag:s13], $0x2000  }
0x270: {  	[sflag:s13] =	ssyncset.done $0x0  }
0x271: {  	[sflag:s13] =	ssyncadd.s32 $0xFFFFE000  }
0x272: {  	[spmem:s2] =	stream.indirect.scatter.add.f32 [tilespmem:s9], [sflag:$0x5], $0x80, s17, s31, $0xb8;
	[tilespmem:$0x1DC00] =	vst v63  }
0x273: {  	s18 =	stileid.u32;
	_ =	swait.ge [sflag:s29], $0x2000  }
0x274: {  	s20 =	sshrl.u32 s5, $0x3;
	s3 =	sadd.s32 $0x1, s3;
	[sflag:s29] =	ssyncset.done $0x0  }
0x275: {  	s18 =	sshll.u32 s18, $0x6;
	p0 =	sne.s32 s3, s25;
	[sflag:s29] =	ssyncadd.s32 $0xFFFFE000  }
.Ltmp6:
0x276: {  	s18 =	sor.u32 $0x1C05, s18;
	[bflag:$0x0] =	sbarrier.arrive $0xFFFF;
	(pc) =	sbr.rel @p0 .LBB2_1-.Ltmp6, $4  }
0x277: {  	[hbm:s24], [sflag:s18] =	dma.local [spmem:s20], $0x2780  }
0x278: {  	_ =	swait.ge [sflag:s29], $0x2780  }
0x279: {  	[sflag:s29] =	ssyncset.done $0x0  }
0x27a: {  	[sflag:s29] =	ssyncadd.s32 $0xFFFFD880  }
0x27b: {  	_ =	sfence.sel $0x180000  }
0x27c: {  	[bflag:$0x0] =	sbarrier.arrive $0xFFFF  }
0x27d: {  	_ =	strace $0x9000004A  }
0x27e: {  	s0 =	stileid.u32;
	[bflag:$0x2] =	sbarrier.arrive $0xFFFF  }
0x27f: {  	p0 =	sne.s32 s0, $0x0;
	s0 =	rddreg [dreg:$0x4]  }
0x280: {  	s0 =	sadd.s32 @!p0 $0x100000, s0  }
0x281: {  	[sflag:s0] =	ssyncadd.tile.s32 @!p0 $0x1;
	_ =	shalt  }
.Lfunc_end2:
_tile_overlayer_lowered:
.L_overlay_start_2:
0x282: {  	(tag) =	ssettag $0x2  }
0x283: {  	s0 =	rddreg [dreg:$0x0];
	s2 =	stileid.u32  }
0x284: {  	s1 =	rddreg [dreg:$0x1];
	p0 =	sne.s32 s2, $0x0  }
0x285: {  	s3 =	rddreg [dreg:$0x2];
	[bflag:$0x3] =	sbarrier.arrive $0xFFFF;
	s2 =	simm.s32 @!p0 $0x1C05  }
0x286: {  	[timem:s3], [sflag:s2] =	dma.local @!p0 [hbm:s0], s1  }
0x287: {  	s0 =	simm.s32 @!p0 $0x5  }
0x288: {  	_ =	swait.ge @!p0 [sflag:s0], s1  }
0x289: {  	s1 =	ssub.s32 @!p0 $0x0, s1;
	[sflag:s0] =	ssyncset.done @!p0 $0x0  }
0x28a: {  	[sflag:s0] =	ssyncadd.s32 @!p0 s1  }
0x28b: {  	[bflag:$0x3] =	sbarrier.arrive $0xFFFF  }
0x28c: {  	_ =	shalt  }

</sc_bundles>
